<compile_context>
chip_gen: v7x
topology: tpu7x:2x2x1
jax: 0.10.2.dev20260603
libtpu: 0.0.44.dev20260713+nightly
codegen_flags: <defaults>
</compile_context>

<pallas_src>
import jax
import jax.numpy as jnp
from jax import lax
from jax.experimental import pallas as pl
from jax.experimental.pallas import tpu as pltpu
from jax.experimental.pallas import tpu_sc as plsc

N, D = 320000, 128
NSEG = 10000
NC, NS = 2, 16
NW = NC * NS
ROWS_PER_TILE = N // NW
W = 64
NWIN = ROWS_PER_TILE // W
TAIL = ROWS_PER_TILE - NWIN * W
NSEG_PAD = 10240
AROWS = NSEG_PAD // NS
ZROWS = 64
GW = 80
NGWIN = NSEG // GW


def _pool_body(x_hbm, segs_hbm, y0_hbm, y1_hbm,
               acc, buf, ibuf, zbuf, tbx, tbi, sx0, sx1, si0, si1):
    cid = lax.axis_index("c")
    sid = lax.axis_index("s")
    g = cid * NS + sid
    row0 = g * ROWS_PER_TILE

    z = jnp.zeros((16,), jnp.float32)

    def zrow(r, carry):
        for c in range(D // 16):
            zbuf[r, pl.ds(c * 16, 16)] = z
        return carry

    lax.fori_loop(0, ZROWS, zrow, 0)
    for j in range(AROWS // ZROWS):
        pltpu.sync_copy(zbuf, acc.at[pl.ds(sid * AROWS + j * ZROWS, ZROWS)])
    plsc.subcore_barrier()

    sx = (sx0, sx1)
    si = (si0, si1)

    def start(w, b):
        base = row0 + w * W
        pltpu.async_copy(x_hbm.at[pl.ds(base, W)], buf.at[b], sx[b])
        pltpu.async_copy(segs_hbm.at[pl.ds(base, W)], ibuf.at[b], si[b])

    def wait(b):
        pltpu.make_async_copy(x_hbm.at[pl.ds(0, W)], buf.at[b], sx[b]).wait()
        pltpu.make_async_copy(segs_hbm.at[pl.ds(0, W)], ibuf.at[b], si[b]).wait()

    start(0, 0)
    start(1, 1)

    def body(i, carry):
        for b in range(2):
            w = i * 2 + b
            wait(b)
            pltpu.sync_copy(buf.at[b], acc.at[ibuf.at[b]], add=True)

            @pl.when(w + 2 < NWIN)
            def _():
                start(w + 2, b)
        return carry

    lax.fori_loop(0, NWIN // 2, body, 0)

    pltpu.sync_copy(x_hbm.at[pl.ds(row0 + NWIN * W, TAIL)], tbx)
    pltpu.sync_copy(segs_hbm.at[pl.ds(row0 + NWIN * W, TAIL)], tbi.at[0])
    pltpu.sync_copy(tbx, acc.at[tbi.at[0]], add=True)

    plsc.subcore_barrier()

    @pl.when(cid == 0)
    def _():
        for j in range(AROWS // ZROWS):
            s = sid * AROWS + j * ZROWS
            pltpu.sync_copy(acc.at[pl.ds(s, ZROWS)], y0_hbm.at[pl.ds(s, ZROWS)])

    @pl.when(cid == 1)
    def _():
        for j in range(AROWS // ZROWS):
            s = sid * AROWS + j * ZROWS
            pltpu.sync_copy(acc.at[pl.ds(s, ZROWS)], y1_hbm.at[pl.ds(s, ZROWS)])


_pool_kernel = pl.kernel(
    _pool_body,
    out_type=(
        jax.ShapeDtypeStruct((NSEG_PAD, D), jnp.float32),
        jax.ShapeDtypeStruct((NSEG_PAD, D), jnp.float32),
    ),
    mesh=plsc.VectorSubcoreMesh(core_axis_name="c", subcore_axis_name="s"),
    scratch_types=[
        pltpu.VMEM_SHARED((NSEG_PAD, D), jnp.float32),
        pltpu.VMEM((2, W, D), jnp.float32),
        pltpu.VMEM((2, W), jnp.int32),
        pltpu.VMEM((ZROWS, D), jnp.float32),
        pltpu.VMEM((TAIL, D), jnp.float32),
        pltpu.VMEM((1, TAIL), jnp.int32),
        pltpu.SemaphoreType.DMA,
        pltpu.SemaphoreType.DMA,
        pltpu.SemaphoreType.DMA,
        pltpu.SemaphoreType.DMA,
    ],
)


def _gather_body(y0_hbm, y1_hbm, pool_hbm, out_hbm, pidx, r0, r1, s0, s1):
    cid = lax.axis_index("c")
    sid = lax.axis_index("s")
    g = cid * NS + sid

    for j in range((NGWIN + NW - 1) // NW):
        w = g + NW * j

        @pl.when(w < NGWIN)
        def _():
            base = w * GW
            pltpu.sync_copy(pool_hbm.at[pl.ds(base, GW)], pidx.at[0])
            c0 = pltpu.async_copy(y0_hbm.at[pidx.at[0]], r0, s0)
            c1 = pltpu.async_copy(y1_hbm.at[pidx.at[0]], r1, s1)
            c0.wait()
            c1.wait()

            def add_row(r, carry):
                for c in range(D // 16):
                    sl = pl.ds(c * 16, 16)
                    r0[r, sl] = r0[r, sl] + r1[r, sl]
                return carry

            lax.fori_loop(0, GW, add_row, 0)
            pltpu.sync_copy(r0, out_hbm.at[pl.ds(base, GW)])


_gather_kernel = pl.kernel(
    _gather_body,
    out_type=jax.ShapeDtypeStruct((NSEG, D), jnp.float32),
    mesh=plsc.VectorSubcoreMesh(core_axis_name="c", subcore_axis_name="s"),
    scratch_types=[
        pltpu.VMEM((1, GW), jnp.int32),
        pltpu.VMEM((GW, D), jnp.float32),
        pltpu.VMEM((GW, D), jnp.float32),
        pltpu.SemaphoreType.DMA,
        pltpu.SemaphoreType.DMA,
    ],
)


def kernel(x, segs, segs_pool):
    segs = segs.astype(jnp.int32)
    segs_pool = segs_pool.astype(jnp.int32)
    y0, y1 = _pool_kernel(x, segs)
    return _gather_kernel(y0, y1, segs_pool)

# --- scband reference (transcript-rebuilt; emitter-appended) ---
"""Pipeline reference for scband-pool-segments-55121610276867 (READ-ONLY COPY).

The authoritative reference and input builder live on the scoring server;
editing this copy changes nothing except your own understanding.
"""

import jax, jax.numpy as jnp
import numpy as np


def setup_inputs(seed: int = 0) -> dict:
    key = jax.random.key(seed)
    k1, k2, k3 = jax.random.split(key, 3)
    N, d = 320000, 128
    n_seg = 10000
    x = jax.random.normal(k1, (N, d), dtype=jnp.float32)
    segs = jnp.sort(jax.random.randint(k2, (N,), 0, n_seg, dtype=jnp.int64))
    segs_pool = jax.random.randint(k3, (n_seg,), 0, n_seg, dtype=jnp.int64)
    return {"x": x, "segs": segs, "segs_pool": segs_pool}


def reference(x, segs, segs_pool):
    # PoolSegments with mode='sum':
    # zeros buffer of x.shape, index_add along dim 0 by segs, then index_select by segs_pool
    zeros = jnp.zeros(x.shape, dtype=x.dtype)
    y = zeros.at[segs].add(x)
    y = jnp.take(y, segs_pool, axis=0)
    return y

if __name__ == "__main__":
    import jax
    _d = setup_inputs()
    print(jax.jit(kernel)(*tuple(_d.values())))

</pallas_src>

<mosaic_0001>
#map = affine_map<(d0, d1) -> (0, 0)>
#map1 = affine_map<(d0, d1) -> (0)>
module attributes {stable_mosaic.version = 14 : i64} {
  func.func @_gather_body(%arg0: i32, %arg1: i32, %arg2: memref<10240x128xf32, #tpu.memory_space<hbm>>, %arg3: memref<10240x128xf32, #tpu.memory_space<hbm>>, %arg4: memref<10000xi32, #tpu.memory_space<hbm>>, %arg5: memref<10000x128xf32, #tpu.memory_space<hbm>>, %arg6: memref<1x80xi32, #tpu.memory_space<vmem>>, %arg7: memref<80x128xf32, #tpu.memory_space<vmem>>, %arg8: memref<80x128xf32, #tpu.memory_space<vmem>>, %arg9: memref<!tpu.dma_semaphore, #tpu.memory_space<semaphore_mem>>, %arg10: memref<!tpu.dma_semaphore, #tpu.memory_space<semaphore_mem>>) attributes {dimension_semantics = [#tpu.dimension_semantics<core_parallel>, #tpu.dimension_semantics<subcore_parallel>], iteration_bounds = array<i64: 2, 16>, scalar_prefetch = 0 : i64, scratch_operands = 5 : i64, tpu.core_type = #tpu.core_type<sc_vector_subcore>, window_params = [{transform_indices = #map}, {transform_indices = #map}, {transform_indices = #map1}, {transform_indices = #map}]} {
    %mul3A = arith.constant 16 : i32
    %mul3A_0 = arith.muli %arg0, %mul3A : i32
    %add3A = arith.addi %mul3A_0, %arg1 : i32
    %add3A_1 = arith.constant 0 : i32
    %add3A_2 = arith.addi %add3A, %add3A_1 : i32
    %lt3A = arith.constant 125 : i32
    %lt3A_3 = arith.cmpi slt, %add3A_2, %lt3A : i32
    %convert_element_type3A = arith.extui %lt3A_3 : i1 to i32
    %cond3A = arith.constant 0 : i32
    %cond3A_4 = arith.cmpi ne, %convert_element_type3A, %cond3A : i32
    scf.if %cond3A_4 {
      %mul3A_26 = arith.constant 80 : i32
      %mul3A_27 = arith.muli %add3A_2, %mul3A_26 : i32
      %run_scoped3A = arith.constant 0 : i32
      "tpu.region"() ({
        %run_scoped3A_59 = tpu.sem_alloc : memref<!tpu.dma_semaphore, #tpu.memory_space<semaphore_mem>>
        %dma_start3A_60 = arith.constant 0 : i32
        %dma_start3A_61 = tpu.memref_slice %arg6[%run_scoped3A, %dma_start3A_60] : memref<1x80xi32, #tpu.memory_space<vmem>> -> memref<1x80xi32, #tpu.memory_space<vmem>>
        %dma_start3A_62 = tpu.memref_squeeze %dma_start3A_61 : memref<1x80xi32, #tpu.memory_space<vmem>> -> memref<80xi32, #tpu.memory_space<vmem>>
        %dma_start3A_63 = tpu.memref_slice %arg4[%mul3A_27] : memref<10000xi32, #tpu.memory_space<hbm>> -> memref<80xi32, #tpu.memory_space<hbm>>
        %dma_start3A_64 = arith.constant 0 : i32
        %dma_start3A_65 = tpu.memref_slice %arg6[%run_scoped3A, %dma_start3A_64] : memref<1x80xi32, #tpu.memory_space<vmem>> -> memref<1x80xi32, #tpu.memory_space<vmem>>
        %dma_start3A_66 = tpu.memref_squeeze %dma_start3A_65 : memref<1x80xi32, #tpu.memory_space<vmem>> -> memref<80xi32, #tpu.memory_space<vmem>>
        %dma_start3A_67 = tpu.memref_slice %arg4[%mul3A_27] : memref<10000xi32, #tpu.memory_space<hbm>> -> memref<80xi32, #tpu.memory_space<hbm>>
        tpu.enqueue_dma source(%dma_start3A_67 : memref<80xi32, #tpu.memory_space<hbm>>) target(%dma_start3A_66 : memref<80xi32, #tpu.memory_space<vmem>>) target_semaphore(%run_scoped3A_59 : memref<!tpu.dma_semaphore, #tpu.memory_space<semaphore_mem>>)
        %dma_wait3A_68 = arith.constant 0 : i32
        %dma_wait3A_69 = tpu.memref_slice %arg6[%run_scoped3A, %dma_wait3A_68] : memref<1x80xi32, #tpu.memory_space<vmem>> -> memref<1x80xi32, #tpu.memory_space<vmem>>
        %dma_wait3A_70 = tpu.memref_squeeze %dma_wait3A_69 : memref<1x80xi32, #tpu.memory_space<vmem>> -> memref<80xi32, #tpu.memory_space<vmem>>
        %dma_wait3A_71 = tpu.memref_slice %arg4[%mul3A_27] : memref<10000xi32, #tpu.memory_space<hbm>> -> memref<80xi32, #tpu.memory_space<hbm>>
        %dma_wait3A_72 = arith.constant 0 : i32
        %dma_wait3A_73 = tpu.memref_slice %arg6[%run_scoped3A, %dma_wait3A_72] : memref<1x80xi32, #tpu.memory_space<vmem>> -> memref<1x80xi32, #tpu.memory_space<vmem>>
        %dma_wait3A_74 = tpu.memref_squeeze %dma_wait3A_73 : memref<1x80xi32, #tpu.memory_space<vmem>> -> memref<80xi32, #tpu.memory_space<vmem>>
        %dma_wait3A_75 = tpu.memref_slice %arg4[%mul3A_27] : memref<10000xi32, #tpu.memory_space<hbm>> -> memref<80xi32, #tpu.memory_space<hbm>>
        tpu.wait_dma2 semaphore(%run_scoped3A_59 : memref<!tpu.dma_semaphore, #tpu.memory_space<semaphore_mem>>) src(%dma_wait3A_75 : memref<80xi32, #tpu.memory_space<hbm>>) dst(%dma_wait3A_74 : memref<80xi32, #tpu.memory_space<vmem>>)
        tpu.yield
      }) : () -> ()
      %dma_start3A = arith.constant 0 : i32
      %dma_start3A_28 = arith.constant 0 : i32
      %dma_start3A_29 = tpu.memref_slice %arg6[%dma_start3A, %dma_start3A_28] : memref<1x80xi32, #tpu.memory_space<vmem>> -> memref<1x80xi32, #tpu.memory_space<vmem>>
      %dma_start3A_30 = tpu.memref_squeeze %dma_start3A_29 : memref<1x80xi32, #tpu.memory_space<vmem>> -> memref<80xi32, #tpu.memory_space<vmem>>
      %dma_start3A_31 = arith.constant 0 : i32
      %dma_start3A_32 = arith.constant 0 : i32
      %dma_start3A_33 = tpu.memref_slice %arg2[%dma_start3A_31, %dma_start3A_32] : memref<10240x128xf32, #tpu.memory_space<hbm>> -> memref<10240x128xf32, #tpu.memory_space<hbm>>
      tpu.enqueue_indirect_dma source(%dma_start3A_33 : memref<10240x128xf32, #tpu.memory_space<hbm>>) target(%arg7 : memref<80x128xf32, #tpu.memory_space<vmem>>) offsets(%dma_start3A_30 : memref<80xi32, #tpu.memory_space<vmem>>) semaphore(%arg9 : memref<!tpu.dma_semaphore, #tpu.memory_space<semaphore_mem>>)
      %dma_start3A_34 = arith.constant 0 : i32
      %dma_start3A_35 = arith.constant 0 : i32
      %dma_start3A_36 = tpu.memref_slice %arg6[%dma_start3A_34, %dma_start3A_35] : memref<1x80xi32, #tpu.memory_space<vmem>> -> memref<1x80xi32, #tpu.memory_space<vmem>>
      %dma_start3A_37 = tpu.memref_squeeze %dma_start3A_36 : memref<1x80xi32, #tpu.memory_space<vmem>> -> memref<80xi32, #tpu.memory_space<vmem>>
      %dma_start3A_38 = arith.constant 0 : i32
      %dma_start3A_39 = arith.constant 0 : i32
      %dma_start3A_40 = tpu.memref_slice %arg3[%dma_start3A_38, %dma_start3A_39] : memref<10240x128xf32, #tpu.memory_space<hbm>> -> memref<10240x128xf32, #tpu.memory_space<hbm>>
      tpu.enqueue_indirect_dma source(%dma_start3A_40 : memref<10240x128xf32, #tpu.memory_space<hbm>>) target(%arg8 : memref<80x128xf32, #tpu.memory_space<vmem>>) offsets(%dma_start3A_37 : memref<80xi32, #tpu.memory_space<vmem>>) semaphore(%arg10 : memref<!tpu.dma_semaphore, #tpu.memory_space<semaphore_mem>>)
      %dma_wait3A = arith.constant 0 : i32
      %dma_wait3A_41 = arith.constant 0 : i32
      %dma_wait3A_42 = tpu.memref_slice %arg6[%dma_wait3A, %dma_wait3A_41] : memref<1x80xi32, #tpu.memory_space<vmem>> -> memref<1x80xi32, #tpu.memory_space<vmem>>
      %dma_wait3A_43 = tpu.memref_squeeze %dma_wait3A_42 : memref<1x80xi32, #tpu.memory_space<vmem>> -> memref<80xi32, #tpu.memory_space<vmem>>
      %dma_wait3A_44 = arith.constant 0 : i32
      %dma_wait3A_45 = arith.constant 0 : i32
      %dma_wait3A_46 = tpu.memref_slice %arg2[%dma_wait3A_44, %dma_wait3A_45] : memref<10240x128xf32, #tpu.memory_space<hbm>> -> memref<10240x128xf32, #tpu.memory_space<hbm>>
      tpu.wait_indirect_dma semaphore(%arg9 : memref<!tpu.dma_semaphore, #tpu.memory_space<semaphore_mem>>) src(%dma_wait3A_46 : memref<10240x128xf32, #tpu.memory_space<hbm>>) dst(%arg7 : memref<80x128xf32, #tpu.memory_space<vmem>>)
      %dma_wait3A_47 = arith.constant 0 : i32
      %dma_wait3A_48 = arith.constant 0 : i32
      %dma_wait3A_49 = tpu.memref_slice %arg6[%dma_wait3A_47, %dma_wait3A_48] : memref<1x80xi32, #tpu.memory_space<vmem>> -> memref<1x80xi32, #tpu.memory_space<vmem>>
      %dma_wait3A_50 = tpu.memref_squeeze %dma_wait3A_49 : memref<1x80xi32, #tpu.memory_space<vmem>> -> memref<80xi32, #tpu.memory_space<vmem>>
      %dma_wait3A_51 = arith.constant 0 : i32
      %dma_wait3A_52 = arith.constant 0 : i32
      %dma_wait3A_53 = tpu.memref_slice %arg3[%dma_wait3A_51, %dma_wait3A_52] : memref<10240x128xf32, #tpu.memory_space<hbm>> -> memref<10240x128xf32, #tpu.memory_space<hbm>>
      tpu.wait_indirect_dma semaphore(%arg10 : memref<!tpu.dma_semaphore, #tpu.memory_space<semaphore_mem>>) src(%dma_wait3A_53 : memref<10240x128xf32, #tpu.memory_space<hbm>>) dst(%arg8 : memref<80x128xf32, #tpu.memory_space<vmem>>)
      %scan3A = arith.constant 0 : i32
      %scan3A_54 = arith.constant 0 : i32
      %scan3A_55 = arith.constant 80 : i32
      %scan3A_56 = arith.addi %scan3A_54, %scan3A_55 : i32
      %scan3A_57 = arith.constant 1 : i32
      scf.for %scan3A_59 = %scan3A_54 to %scan3A_56 step %scan3A_57  : i32 {
        %get3A = arith.index_cast %scan3A_59 : i32 to index
        %get3A_60 = arith.constant 0 : index
        %get3A_61 = tpu.vector_load %arg7[%get3A, %get3A_60] {strides = array<i32>} : memref<80x128xf32, #tpu.memory_space<vmem>>, vector<1x16xf32>,
        %get3A_62 = vector.shape_cast %get3A_61 : vector<1x16xf32> to vector<16xf32>
        %get3A_63 = arith.index_cast %scan3A_59 : i32 to index
        %get3A_64 = arith.constant 0 : index
        %get3A_65 = tpu.vector_load %arg8[%get3A_63, %get3A_64] {strides = array<i32>} : memref<80x128xf32, #tpu.memory_space<vmem>>, vector<1x16xf32>,
        %get3A_66 = vector.shape_cast %get3A_65 : vector<1x16xf32> to vector<16xf32>
        %add3A_67 = arith.addf %get3A_62, %get3A_66 : vector<16xf32>
        %swap3A = arith.index_cast %scan3A_59 : i32 to index
        %swap3A_68 = arith.constant 0 : index
        %swap3A_69 = tpu.vector_load %arg7[%swap3A, %swap3A_68] {strides = array<i32>} : memref<80x128xf32, #tpu.memory_space<vmem>>, vector<1x16xf32>,
        %swap3A_70 = vector.shape_cast %swap3A_69 : vector<1x16xf32> to vector<16xf32>
        %swap3A_71 = vector.shape_cast %add3A_67 : vector<16xf32> to vector<1x16xf32>
        tpu.vector_store %arg7[%swap3A, %swap3A_68], %swap3A_71 {strides = array<i32>} : memref<80x128xf32, #tpu.memory_space<vmem>>, vector<1x16xf32>,
        %get3A_72 = arith.index_cast %scan3A_59 : i32 to index
        %get3A_73 = arith.constant 16 : index
        %get3A_74 = tpu.vector_load %arg7[%get3A_72, %get3A_73] {strides = array<i32>} : memref<80x128xf32, #tpu.memory_space<vmem>>, vector<1x16xf32>,
        %get3A_75 = vector.shape_cast %get3A_74 : vector<1x16xf32> to vector<16xf32>
        %get3A_76 = arith.index_cast %scan3A_59 : i32 to index
        %get3A_77 = arith.constant 16 : index
        %get3A_78 = tpu.vector_load %arg8[%get3A_76, %get3A_77] {strides = array<i32>} : memref<80x128xf32, #tpu.memory_space<vmem>>, vector<1x16xf32>,
        %get3A_79 = vector.shape_cast %get3A_78 : vector<1x16xf32> to vector<16xf32>
        %add3A_80 = arith.addf %get3A_75, %get3A_79 : vector<16xf32>
        %swap3A_81 = arith.index_cast %scan3A_59 : i32 to index
        %swap3A_82 = arith.constant 16 : index
        %swap3A_83 = tpu.vector_load %arg7[%swap3A_81, %swap3A_82] {strides = array<i32>} : memref<80x128xf32, #tpu.memory_space<vmem>>, vector<1x16xf32>,
        %swap3A_84 = vector.shape_cast %swap3A_83 : vector<1x16xf32> to vector<16xf32>
        %swap3A_85 = vector.shape_cast %add3A_80 : vector<16xf32> to vector<1x16xf32>
        tpu.vector_store %arg7[%swap3A_81, %swap3A_82], %swap3A_85 {strides = array<i32>} : memref<80x128xf32, #tpu.memory_space<vmem>>, vector<1x16xf32>,
        %get3A_86 = arith.index_cast %scan3A_59 : i32 to index
        %get3A_87 = arith.constant 32 : index
        %get3A_88 = tpu.vector_load %arg7[%get3A_86, %get3A_87] {strides = array<i32>} : memref<80x128xf32, #tpu.memory_space<vmem>>, vector<1x16xf32>,
        %get3A_89 = vector.shape_cast %get3A_88 : vector<1x16xf32> to vector<16xf32>
        %get3A_90 = arith.index_cast %scan3A_59 : i32 to index
        %get3A_91 = arith.constant 32 : index
        %get3A_92 = tpu.vector_load %arg8[%get3A_90, %get3A_91] {strides = array<i32>} : memref<80x128xf32, #tpu.memory_space<vmem>>, vector<1x16xf32>,
        %get3A_93 = vector.shape_cast %get3A_92 : vector<1x16xf32> to vector<16xf32>
        %add3A_94 = arith.addf %get3A_89, %get3A_93 : vector<16xf32>
        %swap3A_95 = arith.index_cast %scan3A_59 : i32 to index
        %swap3A_96 = arith.constant 32 : index
        %swap3A_97 = tpu.vector_load %arg7[%swap3A_95, %swap3A_96] {strides = array<i32>} : memref<80x128xf32, #tpu.memory_space<vmem>>, vector<1x16xf32>,
        %swap3A_98 = vector.shape_cast %swap3A_97 : vector<1x16xf32> to vector<16xf32>
        %swap3A_99 = vector.shape_cast %add3A_94 : vector<16xf32> to vector<1x16xf32>
        tpu.vector_store %arg7[%swap3A_95, %swap3A_96], %swap3A_99 {strides = array<i32>} : memref<80x128xf32, #tpu.memory_space<vmem>>, vector<1x16xf32>,
        %get3A_100 = arith.index_cast %scan3A_59 : i32 to index
        %get3A_101 = arith.constant 48 : index
        %get3A_102 = tpu.vector_load %arg7[%get3A_100, %get3A_101] {strides = array<i32>} : memref<80x128xf32, #tpu.memory_space<vmem>>, vector<1x16xf32>,
        %get3A_103 = vector.shape_cast %get3A_102 : vector<1x16xf32> to vector<16xf32>
        %get3A_104 = arith.index_cast %scan3A_59 : i32 to index
        %get3A_105 = arith.constant 48 : index
        %get3A_106 = tpu.vector_load %arg8[%get3A_104, %get3A_105] {strides = array<i32>} : memref<80x128xf32, #tpu.memory_space<vmem>>, vector<1x16xf32>,
        %get3A_107 = vector.shape_cast %get3A_106 : vector<1x16xf32> to vector<16xf32>
        %add3A_108 = arith.addf %get3A_103, %get3A_107 : vector<16xf32>
        %swap3A_109 = arith.index_cast %scan3A_59 : i32 to index
        %swap3A_110 = arith.constant 48 : index
        %swap3A_111 = tpu.vector_load %arg7[%swap3A_109, %swap3A_110] {strides = array<i32>} : memref<80x128xf32, #tpu.memory_space<vmem>>, vector<1x16xf32>,
        %swap3A_112 = vector.shape_cast %swap3A_111 : vector<1x16xf32> to vector<16xf32>
        %swap3A_113 = vector.shape_cast %add3A_108 : vector<16xf32> to vector<1x16xf32>
        tpu.vector_store %arg7[%swap3A_109, %swap3A_110], %swap3A_113 {strides = array<i32>} : memref<80x128xf32, #tpu.memory_space<vmem>>, vector<1x16xf32>,
        %get3A_114 = arith.index_cast %scan3A_59 : i32 to index
        %get3A_115 = arith.constant 64 : index
        %get3A_116 = tpu.vector_load %arg7[%get3A_114, %get3A_115] {strides = array<i32>} : memref<80x128xf32, #tpu.memory_space<vmem>>, vector<1x16xf32>,
        %get3A_117 = vector.shape_cast %get3A_116 : vector<1x16xf32> to vector<16xf32>
        %get3A_118 = arith.index_cast %scan3A_59 : i32 to index
        %get3A_119 = arith.constant 64 : index
        %get3A_120 = tpu.vector_load %arg8[%get3A_118, %get3A_119] {strides = array<i32>} : memref<80x128xf32, #tpu.memory_space<vmem>>, vector<1x16xf32>,
        %get3A_121 = vector.shape_cast %get3A_120 : vector<1x16xf32> to vector<16xf32>
        %add3A_122 = arith.addf %get3A_117, %get3A_121 : vector<16xf32>
        %swap3A_123 = arith.index_cast %scan3A_59 : i32 to index
        %swap3A_124 = arith.constant 64 : index
        %swap3A_125 = tpu.vector_load %arg7[%swap3A_123, %swap3A_124] {strides = array<i32>} : memref<80x128xf32, #tpu.memory_space<vmem>>, vector<1x16xf32>,
        %swap3A_126 = vector.shape_cast %swap3A_125 : vector<1x16xf32> to vector<16xf32>
        %swap3A_127 = vector.shape_cast %add3A_122 : vector<16xf32> to vector<1x16xf32>
        tpu.vector_store %arg7[%swap3A_123, %swap3A_124], %swap3A_127 {strides = array<i32>} : memref<80x128xf32, #tpu.memory_space<vmem>>, vector<1x16xf32>,
        %get3A_128 = arith.index_cast %scan3A_59 : i32 to index
        %get3A_129 = arith.constant 80 : index
        %get3A_130 = tpu.vector_load %arg7[%get3A_128, %get3A_129] {strides = array<i32>} : memref<80x128xf32, #tpu.memory_space<vmem>>, vector<1x16xf32>,
        %get3A_131 = vector.shape_cast %get3A_130 : vector<1x16xf32> to vector<16xf32>
        %get3A_132 = arith.index_cast %scan3A_59 : i32 to index
        %get3A_133 = arith.constant 80 : index
        %get3A_134 = tpu.vector_load %arg8[%get3A_132, %get3A_133] {strides = array<i32>} : memref<80x128xf32, #tpu.memory_space<vmem>>, vector<1x16xf32>,
        %get3A_135 = vector.shape_cast %get3A_134 : vector<1x16xf32> to vector<16xf32>
        %add3A_136 = arith.addf %get3A_131, %get3A_135 : vector<16xf32>
        %swap3A_137 = arith.index_cast %scan3A_59 : i32 to index
        %swap3A_138 = arith.constant 80 : index
        %swap3A_139 = tpu.vector_load %arg7[%swap3A_137, %swap3A_138] {strides = array<i32>} : memref<80x128xf32, #tpu.memory_space<vmem>>, vector<1x16xf32>,
        %swap3A_140 = vector.shape_cast %swap3A_139 : vector<1x16xf32> to vector<16xf32>
        %swap3A_141 = vector.shape_cast %add3A_136 : vector<16xf32> to vector<1x16xf32>
        tpu.vector_store %arg7[%swap3A_137, %swap3A_138], %swap3A_141 {strides = array<i32>} : memref<80x128xf32, #tpu.memory_space<vmem>>, vector<1x16xf32>,
        %get3A_142 = arith.index_cast %scan3A_59 : i32 to index
        %get3A_143 = arith.constant 96 : index
        %get3A_144 = tpu.vector_load %arg7[%get3A_142, %get3A_143] {strides = array<i32>} : memref<80x128xf32, #tpu.memory_space<vmem>>, vector<1x16xf32>,
        %get3A_145 = vector.shape_cast %get3A_144 : vector<1x16xf32> to vector<16xf32>
        %get3A_146 = arith.index_cast %scan3A_59 : i32 to index
        %get3A_147 = arith.constant 96 : index
        %get3A_148 = tpu.vector_load %arg8[%get3A_146, %get3A_147] {strides = array<i32>} : memref<80x128xf32, #tpu.memory_space<vmem>>, vector<1x16xf32>,
        %get3A_149 = vector.shape_cast %get3A_148 : vector<1x16xf32> to vector<16xf32>
        %add3A_150 = arith.addf %get3A_145, %get3A_149 : vector<16xf32>
        %swap3A_151 = arith.index_cast %scan3A_59 : i32 to index
        %swap3A_152 = arith.constant 96 : index
        %swap3A_153 = tpu.vector_load %arg7[%swap3A_151, %swap3A_152] {strides = array<i32>} : memref<80x128xf32, #tpu.memory_space<vmem>>, vector<1x16xf32>,
        %swap3A_154 = vector.shape_cast %swap3A_153 : vector<1x16xf32> to vector<16xf32>
        %swap3A_155 = vector.shape_cast %add3A_150 : vector<16xf32> to vector<1x16xf32>
        tpu.vector_store %arg7[%swap3A_151, %swap3A_152], %swap3A_155 {strides = array<i32>} : memref<80x128xf32, #tpu.memory_space<vmem>>, vector<1x16xf32>,
        %get3A_156 = arith.index_cast %scan3A_59 : i32 to index
        %get3A_157 = arith.constant 112 : index
        %get3A_158 = tpu.vector_load %arg7[%get3A_156, %get3A_157] {strides = array<i32>} : memref<80x128xf32, #tpu.memory_space<vmem>>, vector<1x16xf32>,
        %get3A_159 = vector.shape_cast %get3A_158 : vector<1x16xf32> to vector<16xf32>
        %get3A_160 = arith.index_cast %scan3A_59 : i32 to index
        %get3A_161 = arith.constant 112 : index
        %get3A_162 = tpu.vector_load %arg8[%get3A_160, %get3A_161] {strides = array<i32>} : memref<80x128xf32, #tpu.memory_space<vmem>>, vector<1x16xf32>,
        %get3A_163 = vector.shape_cast %get3A_162 : vector<1x16xf32> to vector<16xf32>
        %add3A_164 = arith.addf %get3A_159, %get3A_163 : vector<16xf32>
        %swap3A_165 = arith.index_cast %scan3A_59 : i32 to index
        %swap3A_166 = arith.constant 112 : index
        %swap3A_167 = tpu.vector_load %arg7[%swap3A_165, %swap3A_166] {strides = array<i32>} : memref<80x128xf32, #tpu.memory_space<vmem>>, vector<1x16xf32>,
        %swap3A_168 = vector.shape_cast %swap3A_167 : vector<1x16xf32> to vector<16xf32>
        %swap3A_169 = vector.shape_cast %add3A_164 : vector<16xf32> to vector<1x16xf32>
        tpu.vector_store %arg7[%swap3A_165, %swap3A_166], %swap3A_169 {strides = array<i32>} : memref<80x128xf32, #tpu.memory_space<vmem>>, vector<1x16xf32>,
      }
      %scan3A_58 = arith.constant 80 : i32
      "tpu.region"() ({
        %run_scoped3A_59 = tpu.sem_alloc : memref<!tpu.dma_semaphore, #tpu.memory_space<semaphore_mem>>
        %dma_start3A_60 = arith.constant 0 : i32
        %dma_start3A_61 = tpu.memref_slice %arg5[%mul3A_27, %dma_start3A_60] : memref<10000x128xf32, #tpu.memory_space<hbm>> -> memref<80x128xf32, #tpu.memory_space<hbm>>
        %dma_start3A_62 = arith.constant 0 : i32
        %dma_start3A_63 = tpu.memref_slice %arg5[%mul3A_27, %dma_start3A_62] : memref<10000x128xf32, #tpu.memory_space<hbm>> -> memref<80x128xf32, #tpu.memory_space<hbm>>
        tpu.enqueue_dma source(%arg7 : memref<80x128xf32, #tpu.memory_space<vmem>>) target(%dma_start3A_63 : memref<80x128xf32, #tpu.memory_space<hbm>>) target_semaphore(%run_scoped3A_59 : memref<!tpu.dma_semaphore, #tpu.memory_space<semaphore_mem>>)
        %dma_wait3A_64 = arith.constant 0 : i32
        %dma_wait3A_65 = tpu.memref_slice %arg5[%mul3A_27, %dma_wait3A_64] : memref<10000x128xf32, #tpu.memory_space<hbm>> -> memref<80x128xf32, #tpu.memory_space<hbm>>
        %dma_wait3A_66 = arith.constant 0 : i32
        %dma_wait3A_67 = tpu.memref_slice %arg5[%mul3A_27, %dma_wait3A_66] : memref<10000x128xf32, #tpu.memory_space<hbm>> -> memref<80x128xf32, #tpu.memory_space<hbm>>
        tpu.wait_dma2 semaphore(%run_scoped3A_59 : memref<!tpu.dma_semaphore, #tpu.memory_space<semaphore_mem>>) src(%arg7 : memref<80x128xf32, #tpu.memory_space<vmem>>) dst(%dma_wait3A_67 : memref<80x128xf32, #tpu.memory_space<hbm>>)
        tpu.yield
      }) : () -> ()
    } else {
    }
    %add3A_5 = arith.constant 32 : i32
    %add3A_6 = arith.addi %add3A, %add3A_5 : i32
    %lt3A_7 = arith.constant 125 : i32
    %lt3A_8 = arith.cmpi slt, %add3A_6, %lt3A_7 : i32
    %convert_element_type3A_9 = arith.extui %lt3A_8 : i1 to i32
    %cond3A_10 = arith.constant 0 : i32
    %cond3A_11 = arith.cmpi ne, %convert_element_type3A_9, %cond3A_10 : i32
    scf.if %cond3A_11 {
      %mul3A_26 = arith.constant 80 : i32
      %mul3A_27 = arith.muli %add3A_6, %mul3A_26 : i32
      %run_scoped3A = arith.constant 0 : i32
      "tpu.region"() ({
        %run_scoped3A_59 = tpu.sem_alloc : memref<!tpu.dma_semaphore, #tpu.memory_space<semaphore_mem>>
        %dma_start3A_60 = arith.constant 0 : i32
        %dma_start3A_61 = tpu.memref_slice %arg6[%run_scoped3A, %dma_start3A_60] : memref<1x80xi32, #tpu.memory_space<vmem>> -> memref<1x80xi32, #tpu.memory_space<vmem>>
        %dma_start3A_62 = tpu.memref_squeeze %dma_start3A_61 : memref<1x80xi32, #tpu.memory_space<vmem>> -> memref<80xi32, #tpu.memory_space<vmem>>
        %dma_start3A_63 = tpu.memref_slice %arg4[%mul3A_27] : memref<10000xi32, #tpu.memory_space<hbm>> -> memref<80xi32, #tpu.memory_space<hbm>>
        %dma_start3A_64 = arith.constant 0 : i32
        %dma_start3A_65 = tpu.memref_slice %arg6[%run_scoped3A, %dma_start3A_64] : memref<1x80xi32, #tpu.memory_space<vmem>> -> memref<1x80xi32, #tpu.memory_space<vmem>>
        %dma_start3A_66 = tpu.memref_squeeze %dma_start3A_65 : memref<1x80xi32, #tpu.memory_space<vmem>> -> memref<80xi32, #tpu.memory_space<vmem>>
        %dma_start3A_67 = tpu.memref_slice %arg4[%mul3A_27] : memref<10000xi32, #tpu.memory_space<hbm>> -> memref<80xi32, #tpu.memory_space<hbm>>
        tpu.enqueue_dma source(%dma_start3A_67 : memref<80xi32, #tpu.memory_space<hbm>>) target(%dma_start3A_66 : memref<80xi32, #tpu.memory_space<vmem>>) target_semaphore(%run_scoped3A_59 : memref<!tpu.dma_semaphore, #tpu.memory_space<semaphore_mem>>)
        %dma_wait3A_68 = arith.constant 0 : i32
        %dma_wait3A_69 = tpu.memref_slice %arg6[%run_scoped3A, %dma_wait3A_68] : memref<1x80xi32, #tpu.memory_space<vmem>> -> memref<1x80xi32, #tpu.memory_space<vmem>>
        %dma_wait3A_70 = tpu.memref_squeeze %dma_wait3A_69 : memref<1x80xi32, #tpu.memory_space<vmem>> -> memref<80xi32, #tpu.memory_space<vmem>>
        %dma_wait3A_71 = tpu.memref_slice %arg4[%mul3A_27] : memref<10000xi32, #tpu.memory_space<hbm>> -> memref<80xi32, #tpu.memory_space<hbm>>
        %dma_wait3A_72 = arith.constant 0 : i32
        %dma_wait3A_73 = tpu.memref_slice %arg6[%run_scoped3A, %dma_wait3A_72] : memref<1x80xi32, #tpu.memory_space<vmem>> -> memref<1x80xi32, #tpu.memory_space<vmem>>
        %dma_wait3A_74 = tpu.memref_squeeze %dma_wait3A_73 : memref<1x80xi32, #tpu.memory_space<vmem>> -> memref<80xi32, #tpu.memory_space<vmem>>
        %dma_wait3A_75 = tpu.memref_slice %arg4[%mul3A_27] : memref<10000xi32, #tpu.memory_space<hbm>> -> memref<80xi32, #tpu.memory_space<hbm>>
        tpu.wait_dma2 semaphore(%run_scoped3A_59 : memref<!tpu.dma_semaphore, #tpu.memory_space<semaphore_mem>>) src(%dma_wait3A_75 : memref<80xi32, #tpu.memory_space<hbm>>) dst(%dma_wait3A_74 : memref<80xi32, #tpu.memory_space<vmem>>)
        tpu.yield
      }) : () -> ()
      %dma_start3A = arith.constant 0 : i32
      %dma_start3A_28 = arith.constant 0 : i32
      %dma_start3A_29 = tpu.memref_slice %arg6[%dma_start3A, %dma_start3A_28] : memref<1x80xi32, #tpu.memory_space<vmem>> -> memref<1x80xi32, #tpu.memory_space<vmem>>
      %dma_start3A_30 = tpu.memref_squeeze %dma_start3A_29 : memref<1x80xi32, #tpu.memory_space<vmem>> -> memref<80xi32, #tpu.memory_space<vmem>>
      %dma_start3A_31 = arith.constant 0 : i32
      %dma_start3A_32 = arith.constant 0 : i32
      %dma_start3A_33 = tpu.memref_slice %arg2[%dma_start3A_31, %dma_start3A_32] : memref<10240x128xf32, #tpu.memory_space<hbm>> -> memref<10240x128xf32, #tpu.memory_space<hbm>>
      tpu.enqueue_indirect_dma source(%dma_start3A_33 : memref<10240x128xf32, #tpu.memory_space<hbm>>) target(%arg7 : memref<80x128xf32, #tpu.memory_space<vmem>>) offsets(%dma_start3A_30 : memref<80xi32, #tpu.memory_space<vmem>>) semaphore(%arg9 : memref<!tpu.dma_semaphore, #tpu.memory_space<semaphore_mem>>)
      %dma_start3A_34 = arith.constant 0 : i32
      %dma_start3A_35 = arith.constant 0 : i32
      %dma_start3A_36 = tpu.memref_slice %arg6[%dma_start3A_34, %dma_start3A_35] : memref<1x80xi32, #tpu.memory_space<vmem>> -> memref<1x80xi32, #tpu.memory_space<vmem>>
      %dma_start3A_37 = tpu.memref_squeeze %dma_start3A_36 : memref<1x80xi32, #tpu.memory_space<vmem>> -> memref<80xi32, #tpu.memory_space<vmem>>
      %dma_start3A_38 = arith.constant 0 : i32
      %dma_start3A_39 = arith.constant 0 : i32
      %dma_start3A_40 = tpu.memref_slice %arg3[%dma_start3A_38, %dma_start3A_39] : memref<10240x128xf32, #tpu.memory_space<hbm>> -> memref<10240x128xf32, #tpu.memory_space<hbm>>
      tpu.enqueue_indirect_dma source(%dma_start3A_40 : memref<10240x128xf32, #tpu.memory_space<hbm>>) target(%arg8 : memref<80x128xf32, #tpu.memory_space<vmem>>) offsets(%dma_start3A_37 : memref<80xi32, #tpu.memory_space<vmem>>) semaphore(%arg10 : memref<!tpu.dma_semaphore, #tpu.memory_space<semaphore_mem>>)
      %dma_wait3A = arith.constant 0 : i32
      %dma_wait3A_41 = arith.constant 0 : i32
      %dma_wait3A_42 = tpu.memref_slice %arg6[%dma_wait3A, %dma_wait3A_41] : memref<1x80xi32, #tpu.memory_space<vmem>> -> memref<1x80xi32, #tpu.memory_space<vmem>>
      %dma_wait3A_43 = tpu.memref_squeeze %dma_wait3A_42 : memref<1x80xi32, #tpu.memory_space<vmem>> -> memref<80xi32, #tpu.memory_space<vmem>>
      %dma_wait3A_44 = arith.constant 0 : i32
      %dma_wait3A_45 = arith.constant 0 : i32
      %dma_wait3A_46 = tpu.memref_slice %arg2[%dma_wait3A_44, %dma_wait3A_45] : memref<10240x128xf32, #tpu.memory_space<hbm>> -> memref<10240x128xf32, #tpu.memory_space<hbm>>
      tpu.wait_indirect_dma semaphore(%arg9 : memref<!tpu.dma_semaphore, #tpu.memory_space<semaphore_mem>>) src(%dma_wait3A_46 : memref<10240x128xf32, #tpu.memory_space<hbm>>) dst(%arg7 : memref<80x128xf32, #tpu.memory_space<vmem>>)
      %dma_wait3A_47 = arith.constant 0 : i32
      %dma_wait3A_48 = arith.constant 0 : i32
      %dma_wait3A_49 = tpu.memref_slice %arg6[%dma_wait3A_47, %dma_wait3A_48] : memref<1x80xi32, #tpu.memory_space<vmem>> -> memref<1x80xi32, #tpu.memory_space<vmem>>
      %dma_wait3A_50 = tpu.memref_squeeze %dma_wait3A_49 : memref<1x80xi32, #tpu.memory_space<vmem>> -> memref<80xi32, #tpu.memory_space<vmem>>
      %dma_wait3A_51 = arith.constant 0 : i32
      %dma_wait3A_52 = arith.constant 0 : i32
      %dma_wait3A_53 = tpu.memref_slice %arg3[%dma_wait3A_51, %dma_wait3A_52] : memref<10240x128xf32, #tpu.memory_space<hbm>> -> memref<10240x128xf32, #tpu.memory_space<hbm>>
      tpu.wait_indirect_dma semaphore(%arg10 : memref<!tpu.dma_semaphore, #tpu.memory_space<semaphore_mem>>) src(%dma_wait3A_53 : memref<10240x128xf32, #tpu.memory_space<hbm>>) dst(%arg8 : memref<80x128xf32, #tpu.memory_space<vmem>>)
      %scan3A = arith.constant 0 : i32
      %scan3A_54 = arith.constant 0 : i32
      %scan3A_55 = arith.constant 80 : i32
      %scan3A_56 = arith.addi %scan3A_54, %scan3A_55 : i32
      %scan3A_57 = arith.constant 1 : i32
      scf.for %scan3A_59 = %scan3A_54 to %scan3A_56 step %scan3A_57  : i32 {
        %get3A = arith.index_cast %scan3A_59 : i32 to index
        %get3A_60 = arith.constant 0 : index
        %get3A_61 = tpu.vector_load %arg7[%get3A, %get3A_60] {strides = array<i32>} : memref<80x128xf32, #tpu.memory_space<vmem>>, vector<1x16xf32>,
        %get3A_62 = vector.shape_cast %get3A_61 : vector<1x16xf32> to vector<16xf32>
        %get3A_63 = arith.index_cast %scan3A_59 : i32 to index
        %get3A_64 = arith.constant 0 : index
        %get3A_65 = tpu.vector_load %arg8[%get3A_63, %get3A_64] {strides = array<i32>} : memref<80x128xf32, #tpu.memory_space<vmem>>, vector<1x16xf32>,
        %get3A_66 = vector.shape_cast %get3A_65 : vector<1x16xf32> to vector<16xf32>
        %add3A_67 = arith.addf %get3A_62, %get3A_66 : vector<16xf32>
        %swap3A = arith.index_cast %scan3A_59 : i32 to index
        %swap3A_68 = arith.constant 0 : index
        %swap3A_69 = tpu.vector_load %arg7[%swap3A, %swap3A_68] {strides = array<i32>} : memref<80x128xf32, #tpu.memory_space<vmem>>, vector<1x16xf32>,
        %swap3A_70 = vector.shape_cast %swap3A_69 : vector<1x16xf32> to vector<16xf32>
        %swap3A_71 = vector.shape_cast %add3A_67 : vector<16xf32> to vector<1x16xf32>
        tpu.vector_store %arg7[%swap3A, %swap3A_68], %swap3A_71 {strides = array<i32>} : memref<80x128xf32, #tpu.memory_space<vmem>>, vector<1x16xf32>,
        %get3A_72 = arith.index_cast %scan3A_59 : i32 to index
        %get3A_73 = arith.constant 16 : index
        %get3A_74 = tpu.vector_load %arg7[%get3A_72, %get3A_73] {strides = array<i32>} : memref<80x128xf32, #tpu.memory_space<vmem>>, vector<1x16xf32>,
        %get3A_75 = vector.shape_cast %get3A_74 : vector<1x16xf32> to vector<16xf32>
        %get3A_76 = arith.index_cast %scan3A_59 : i32 to index
        %get3A_77 = arith.constant 16 : index
        %get3A_78 = tpu.vector_load %arg8[%get3A_76, %get3A_77] {strides = array<i32>} : memref<80x128xf32, #tpu.memory_space<vmem>>, vector<1x16xf32>,
        %get3A_79 = vector.shape_cast %get3A_78 : vector<1x16xf32> to vector<16xf32>
        %add3A_80 = arith.addf %get3A_75, %get3A_79 : vector<16xf32>
        %swap3A_81 = arith.index_cast %scan3A_59 : i32 to index
        %swap3A_82 = arith.constant 16 : index
        %swap3A_83 = tpu.vector_load %arg7[%swap3A_81, %swap3A_82] {strides = array<i32>} : memref<80x128xf32, #tpu.memory_space<vmem>>, vector<1x16xf32>,
        %swap3A_84 = vector.shape_cast %swap3A_83 : vector<1x16xf32> to vector<16xf32>
        %swap3A_85 = vector.shape_cast %add3A_80 : vector<16xf32> to vector<1x16xf32>
        tpu.vector_store %arg7[%swap3A_81, %swap3A_82], %swap3A_85 {strides = array<i32>} : memref<80x128xf32, #tpu.memory_space<vmem>>, vector<1x16xf32>,
        %get3A_86 = arith.index_cast %scan3A_59 : i32 to index
        %get3A_87 = arith.constant 32 : index
        %get3A_88 = tpu.vector_load %arg7[%get3A_86, %get3A_87] {strides = array<i32>} : memref<80x128xf32, #tpu.memory_space<vmem>>, vector<1x16xf32>,
        %get3A_89 = vector.shape_cast %get3A_88 : vector<1x16xf32> to vector<16xf32>
        %get3A_90 = arith.index_cast %scan3A_59 : i32 to index
        %get3A_91 = arith.constant 32 : index
        %get3A_92 = tpu.vector_load %arg8[%get3A_90, %get3A_91] {strides = array<i32>} : memref<80x128xf32, #tpu.memory_space<vmem>>, vector<1x16xf32>,
        %get3A_93 = vector.shape_cast %get3A_92 : vector<1x16xf32> to vector<16xf32>
        %add3A_94 = arith.addf %get3A_89, %get3A_93 : vector<16xf32>
        %swap3A_95 = arith.index_cast %scan3A_59 : i32 to index
        %swap3A_96 = arith.constant 32 : index
        %swap3A_97 = tpu.vector_load %arg7[%swap3A_95, %swap3A_96] {strides = array<i32>} : memref<80x128xf32, #tpu.memory_space<vmem>>, vector<1x16xf32>,
        %swap3A_98 = vector.shape_cast %swap3A_97 : vector<1x16xf32> to vector<16xf32>
        %swap3A_99 = vector.shape_cast %add3A_94 : vector<16xf32> to vector<1x16xf32>
        tpu.vector_store %arg7[%swap3A_95, %swap3A_96], %swap3A_99 {strides = array<i32>} : memref<80x128xf32, #tpu.memory_space<vmem>>, vector<1x16xf32>,
        %get3A_100 = arith.index_cast %scan3A_59 : i32 to index
        %get3A_101 = arith.constant 48 : index
        %get3A_102 = tpu.vector_load %arg7[%get3A_100, %get3A_101] {strides = array<i32>} : memref<80x128xf32, #tpu.memory_space<vmem>>, vector<1x16xf32>,
        %get3A_103 = vector.shape_cast %get3A_102 : vector<1x16xf32> to vector<16xf32>
        %get3A_104 = arith.index_cast %scan3A_59 : i32 to index
        %get3A_105 = arith.constant 48 : index
        %get3A_106 = tpu.vector_load %arg8[%get3A_104, %get3A_105] {strides = array<i32>} : memref<80x128xf32, #tpu.memory_space<vmem>>, vector<1x16xf32>,
        %get3A_107 = vector.shape_cast %get3A_106 : vector<1x16xf32> to vector<16xf32>
        %add3A_108 = arith.addf %get3A_103, %get3A_107 : vector<16xf32>
        %swap3A_109 = arith.index_cast %scan3A_59 : i32 to index
        %swap3A_110 = arith.constant 48 : index
        %swap3A_111 = tpu.vector_load %arg7[%swap3A_109, %swap3A_110] {strides = array<i32>} : memref<80x128xf32, #tpu.memory_space<vmem>>, vector<1x16xf32>,
        %swap3A_112 = vector.shape_cast %swap3A_111 : vector<1x16xf32> to vector<16xf32>
        %swap3A_113 = vector.shape_cast %add3A_108 : vector<16xf32> to vector<1x16xf32>
        tpu.vector_store %arg7[%swap3A_109, %swap3A_110], %swap3A_113 {strides = array<i32>} : memref<80x128xf32, #tpu.memory_space<vmem>>, vector<1x16xf32>,
        %get3A_114 = arith.index_cast %scan3A_59 : i32 to index
        %get3A_115 = arith.constant 64 : index
        %get3A_116 = tpu.vector_load %arg7[%get3A_114, %get3A_115] {strides = array<i32>} : memref<80x128xf32, #tpu.memory_space<vmem>>, vector<1x16xf32>,
        %get3A_117 = vector.shape_cast %get3A_116 : vector<1x16xf32> to vector<16xf32>
        %get3A_118 = arith.index_cast %scan3A_59 : i32 to index
        %get3A_119 = arith.constant 64 : index
        %get3A_120 = tpu.vector_load %arg8[%get3A_118, %get3A_119] {strides = array<i32>} : memref<80x128xf32, #tpu.memory_space<vmem>>, vector<1x16xf32>,
        %get3A_121 = vector.shape_cast %get3A_120 : vector<1x16xf32> to vector<16xf32>
        %add3A_122 = arith.addf %get3A_117, %get3A_121 : vector<16xf32>
        %swap3A_123 = arith.index_cast %scan3A_59 : i32 to index
        %swap3A_124 = arith.constant 64 : index
        %swap3A_125 = tpu.vector_load %arg7[%swap3A_123, %swap3A_124] {strides = array<i32>} : memref<80x128xf32, #tpu.memory_space<vmem>>, vector<1x16xf32>,
        %swap3A_126 = vector.shape_cast %swap3A_125 : vector<1x16xf32> to vector<16xf32>
        %swap3A_127 = vector.shape_cast %add3A_122 : vector<16xf32> to vector<1x16xf32>
        tpu.vector_store %arg7[%swap3A_123, %swap3A_124], %swap3A_127 {strides = array<i32>} : memref<80x128xf32, #tpu.memory_space<vmem>>, vector<1x16xf32>,
        %get3A_128 = arith.index_cast %scan3A_59 : i32 to index
        %get3A_129 = arith.constant 80 : index
        %get3A_130 = tpu.vector_load %arg7[%get3A_128, %get3A_129] {strides = array<i32>} : memref<80x128xf32, #tpu.memory_space<vmem>>, vector<1x16xf32>,
        %get3A_131 = vector.shape_cast %get3A_130 : vector<1x16xf32> to vector<16xf32>
        %get3A_132 = arith.index_cast %scan3A_59 : i32 to index
        %get3A_133 = arith.constant 80 : index
        %get3A_134 = tpu.vector_load %arg8[%get3A_132, %get3A_133] {strides = array<i32>} : memref<80x128xf32, #tpu.memory_space<vmem>>, vector<1x16xf32>,
        %get3A_135 = vector.shape_cast %get3A_134 : vector<1x16xf32> to vector<16xf32>
        %add3A_136 = arith.addf %get3A_131, %get3A_135 : vector<16xf32>
        %swap3A_137 = arith.index_cast %scan3A_59 : i32 to index
        %swap3A_138 = arith.constant 80 : index
        %swap3A_139 = tpu.vector_load %arg7[%swap3A_137, %swap3A_138] {strides = array<i32>} : memref<80x128xf32, #tpu.memory_space<vmem>>, vector<1x16xf32>,
        %swap3A_140 = vector.shape_cast %swap3A_139 : vector<1x16xf32> to vector<16xf32>
        %swap3A_141 = vector.shape_cast %add3A_136 : vector<16xf32> to vector<1x16xf32>
        tpu.vector_store %arg7[%swap3A_137, %swap3A_138], %swap3A_141 {strides = array<i32>} : memref<80x128xf32, #tpu.memory_space<vmem>>, vector<1x16xf32>,
        %get3A_142 = arith.index_cast %scan3A_59 : i32 to index
        %get3A_143 = arith.constant 96 : index
        %get3A_144 = tpu.vector_load %arg7[%get3A_142, %get3A_143] {strides = array<i32>} : memref<80x128xf32, #tpu.memory_space<vmem>>, vector<1x16xf32>,
        %get3A_145 = vector.shape_cast %get3A_144 : vector<1x16xf32> to vector<16xf32>
        %get3A_146 = arith.index_cast %scan3A_59 : i32 to index
        %get3A_147 = arith.constant 96 : index
        %get3A_148 = tpu.vector_load %arg8[%get3A_146, %get3A_147] {strides = array<i32>} : memref<80x128xf32, #tpu.memory_space<vmem>>, vector<1x16xf32>,
        %get3A_149 = vector.shape_cast %get3A_148 : vector<1x16xf32> to vector<16xf32>
        %add3A_150 = arith.addf %get3A_145, %get3A_149 : vector<16xf32>
        %swap3A_151 = arith.index_cast %scan3A_59 : i32 to index
        %swap3A_152 = arith.constant 96 : index
        %swap3A_153 = tpu.vector_load %arg7[%swap3A_151, %swap3A_152] {strides = array<i32>} : memref<80x128xf32, #tpu.memory_space<vmem>>, vector<1x16xf32>,
        %swap3A_154 = vector.shape_cast %swap3A_153 : vector<1x16xf32> to vector<16xf32>
        %swap3A_155 = vector.shape_cast %add3A_150 : vector<16xf32> to vector<1x16xf32>
        tpu.vector_store %arg7[%swap3A_151, %swap3A_152], %swap3A_155 {strides = array<i32>} : memref<80x128xf32, #tpu.memory_space<vmem>>, vector<1x16xf32>,
        %get3A_156 = arith.index_cast %scan3A_59 : i32 to index
        %get3A_157 = arith.constant 112 : index
        %get3A_158 = tpu.vector_load %arg7[%get3A_156, %get3A_157] {strides = array<i32>} : memref<80x128xf32, #tpu.memory_space<vmem>>, vector<1x16xf32>,
        %get3A_159 = vector.shape_cast %get3A_158 : vector<1x16xf32> to vector<16xf32>
        %get3A_160 = arith.index_cast %scan3A_59 : i32 to index
        %get3A_161 = arith.constant 112 : index
        %get3A_162 = tpu.vector_load %arg8[%get3A_160, %get3A_161] {strides = array<i32>} : memref<80x128xf32, #tpu.memory_space<vmem>>, vector<1x16xf32>,
        %get3A_163 = vector.shape_cast %get3A_162 : vector<1x16xf32> to vector<16xf32>
        %add3A_164 = arith.addf %get3A_159, %get3A_163 : vector<16xf32>
        %swap3A_165 = arith.index_cast %scan3A_59 : i32 to index
        %swap3A_166 = arith.constant 112 : index
        %swap3A_167 = tpu.vector_load %arg7[%swap3A_165, %swap3A_166] {strides = array<i32>} : memref<80x128xf32, #tpu.memory_space<vmem>>, vector<1x16xf32>,
        %swap3A_168 = vector.shape_cast %swap3A_167 : vector<1x16xf32> to vector<16xf32>
        %swap3A_169 = vector.shape_cast %add3A_164 : vector<16xf32> to vector<1x16xf32>
        tpu.vector_store %arg7[%swap3A_165, %swap3A_166], %swap3A_169 {strides = array<i32>} : memref<80x128xf32, #tpu.memory_space<vmem>>, vector<1x16xf32>,
      }
      %scan3A_58 = arith.constant 80 : i32
      "tpu.region"() ({
        %run_scoped3A_59 = tpu.sem_alloc : memref<!tpu.dma_semaphore, #tpu.memory_space<semaphore_mem>>
        %dma_start3A_60 = arith.constant 0 : i32
        %dma_start3A_61 = tpu.memref_slice %arg5[%mul3A_27, %dma_start3A_60] : memref<10000x128xf32, #tpu.memory_space<hbm>> -> memref<80x128xf32, #tpu.memory_space<hbm>>
        %dma_start3A_62 = arith.constant 0 : i32
        %dma_start3A_63 = tpu.memref_slice %arg5[%mul3A_27, %dma_start3A_62] : memref<10000x128xf32, #tpu.memory_space<hbm>> -> memref<80x128xf32, #tpu.memory_space<hbm>>
        tpu.enqueue_dma source(%arg7 : memref<80x128xf32, #tpu.memory_space<vmem>>) target(%dma_start3A_63 : memref<80x128xf32, #tpu.memory_space<hbm>>) target_semaphore(%run_scoped3A_59 : memref<!tpu.dma_semaphore, #tpu.memory_space<semaphore_mem>>)
        %dma_wait3A_64 = arith.constant 0 : i32
        %dma_wait3A_65 = tpu.memref_slice %arg5[%mul3A_27, %dma_wait3A_64] : memref<10000x128xf32, #tpu.memory_space<hbm>> -> memref<80x128xf32, #tpu.memory_space<hbm>>
        %dma_wait3A_66 = arith.constant 0 : i32
        %dma_wait3A_67 = tpu.memref_slice %arg5[%mul3A_27, %dma_wait3A_66] : memref<10000x128xf32, #tpu.memory_space<hbm>> -> memref<80x128xf32, #tpu.memory_space<hbm>>
        tpu.wait_dma2 semaphore(%run_scoped3A_59 : memref<!tpu.dma_semaphore, #tpu.memory_space<semaphore_mem>>) src(%arg7 : memref<80x128xf32, #tpu.memory_space<vmem>>) dst(%dma_wait3A_67 : memref<80x128xf32, #tpu.memory_space<hbm>>)
        tpu.yield
      }) : () -> ()
    } else {
    }
    %add3A_12 = arith.constant 64 : i32
    %add3A_13 = arith.addi %add3A, %add3A_12 : i32
    %lt3A_14 = arith.constant 125 : i32
    %lt3A_15 = arith.cmpi slt, %add3A_13, %lt3A_14 : i32
    %convert_element_type3A_16 = arith.extui %lt3A_15 : i1 to i32
    %cond3A_17 = arith.constant 0 : i32
    %cond3A_18 = arith.cmpi ne, %convert_element_type3A_16, %cond3A_17 : i32
    scf.if %cond3A_18 {
      %mul3A_26 = arith.constant 80 : i32
      %mul3A_27 = arith.muli %add3A_13, %mul3A_26 : i32
      %run_scoped3A = arith.constant 0 : i32
      "tpu.region"() ({
        %run_scoped3A_59 = tpu.sem_alloc : memref<!tpu.dma_semaphore, #tpu.memory_space<semaphore_mem>>
        %dma_start3A_60 = arith.constant 0 : i32
        %dma_start3A_61 = tpu.memref_slice %arg6[%run_scoped3A, %dma_start3A_60] : memref<1x80xi32, #tpu.memory_space<vmem>> -> memref<1x80xi32, #tpu.memory_space<vmem>>
        %dma_start3A_62 = tpu.memref_squeeze %dma_start3A_61 : memref<1x80xi32, #tpu.memory_space<vmem>> -> memref<80xi32, #tpu.memory_space<vmem>>
        %dma_start3A_63 = tpu.memref_slice %arg4[%mul3A_27] : memref<10000xi32, #tpu.memory_space<hbm>> -> memref<80xi32, #tpu.memory_space<hbm>>
        %dma_start3A_64 = arith.constant 0 : i32
        %dma_start3A_65 = tpu.memref_slice %arg6[%run_scoped3A, %dma_start3A_64] : memref<1x80xi32, #tpu.memory_space<vmem>> -> memref<1x80xi32, #tpu.memory_space<vmem>>
        %dma_start3A_66 = tpu.memref_squeeze %dma_start3A_65 : memref<1x80xi32, #tpu.memory_space<vmem>> -> memref<80xi32, #tpu.memory_space<vmem>>
        %dma_start3A_67 = tpu.memref_slice %arg4[%mul3A_27] : memref<10000xi32, #tpu.memory_space<hbm>> -> memref<80xi32, #tpu.memory_space<hbm>>
        tpu.enqueue_dma source(%dma_start3A_67 : memref<80xi32, #tpu.memory_space<hbm>>) target(%dma_start3A_66 : memref<80xi32, #tpu.memory_space<vmem>>) target_semaphore(%run_scoped3A_59 : memref<!tpu.dma_semaphore, #tpu.memory_space<semaphore_mem>>)
        %dma_wait3A_68 = arith.constant 0 : i32
        %dma_wait3A_69 = tpu.memref_slice %arg6[%run_scoped3A, %dma_wait3A_68] : memref<1x80xi32, #tpu.memory_space<vmem>> -> memref<1x80xi32, #tpu.memory_space<vmem>>
        %dma_wait3A_70 = tpu.memref_squeeze %dma_wait3A_69 : memref<1x80xi32, #tpu.memory_space<vmem>> -> memref<80xi32, #tpu.memory_space<vmem>>
        %dma_wait3A_71 = tpu.memref_slice %arg4[%mul3A_27] : memref<10000xi32, #tpu.memory_space<hbm>> -> memref<80xi32, #tpu.memory_space<hbm>>
        %dma_wait3A_72 = arith.constant 0 : i32
        %dma_wait3A_73 = tpu.memref_slice %arg6[%run_scoped3A, %dma_wait3A_72] : memref<1x80xi32, #tpu.memory_space<vmem>> -> memref<1x80xi32, #tpu.memory_space<vmem>>
        %dma_wait3A_74 = tpu.memref_squeeze %dma_wait3A_73 : memref<1x80xi32, #tpu.memory_space<vmem>> -> memref<80xi32, #tpu.memory_space<vmem>>
        %dma_wait3A_75 = tpu.memref_slice %arg4[%mul3A_27] : memref<10000xi32, #tpu.memory_space<hbm>> -> memref<80xi32, #tpu.memory_space<hbm>>
        tpu.wait_dma2 semaphore(%run_scoped3A_59 : memref<!tpu.dma_semaphore, #tpu.memory_space<semaphore_mem>>) src(%dma_wait3A_75 : memref<80xi32, #tpu.memory_space<hbm>>) dst(%dma_wait3A_74 : memref<80xi32, #tpu.memory_space<vmem>>)
        tpu.yield
      }) : () -> ()
      %dma_start3A = arith.constant 0 : i32
      %dma_start3A_28 = arith.constant 0 : i32
      %dma_start3A_29 = tpu.memref_slice %arg6[%dma_start3A, %dma_start3A_28] : memref<1x80xi32, #tpu.memory_space<vmem>> -> memref<1x80xi32, #tpu.memory_space<vmem>>
      %dma_start3A_30 = tpu.memref_squeeze %dma_start3A_29 : memref<1x80xi32, #tpu.memory_space<vmem>> -> memref<80xi32, #tpu.memory_space<vmem>>
      %dma_start3A_31 = arith.constant 0 : i32
      %dma_start3A_32 = arith.constant 0 : i32
      %dma_start3A_33 = tpu.memref_slice %arg2[%dma_start3A_31, %dma_start3A_32] : memref<10240x128xf32, #tpu.memory_space<hbm>> -> memref<10240x128xf32, #tpu.memory_space<hbm>>
      tpu.enqueue_indirect_dma source(%dma_start3A_33 : memref<10240x128xf32, #tpu.memory_space<hbm>>) target(%arg7 : memref<80x128xf32, #tpu.memory_space<vmem>>) offsets(%dma_start3A_30 : memref<80xi32, #tpu.memory_space<vmem>>) semaphore(%arg9 : memref<!tpu.dma_semaphore, #tpu.memory_space<semaphore_mem>>)
      %dma_start3A_34 = arith.constant 0 : i32
      %dma_start3A_35 = arith.constant 0 : i32
      %dma_start3A_36 = tpu.memref_slice %arg6[%dma_start3A_34, %dma_start3A_35] : memref<1x80xi32, #tpu.memory_space<vmem>> -> memref<1x80xi32, #tpu.memory_space<vmem>>
      %dma_start3A_37 = tpu.memref_squeeze %dma_start3A_36 : memref<1x80xi32, #tpu.memory_space<vmem>> -> memref<80xi32, #tpu.memory_space<vmem>>
      %dma_start3A_38 = arith.constant 0 : i32
      %dma_start3A_39 = arith.constant 0 : i32
      %dma_start3A_40 = tpu.memref_slice %arg3[%dma_start3A_38, %dma_start3A_39] : memref<10240x128xf32, #tpu.memory_space<hbm>> -> memref<10240x128xf32, #tpu.memory_space<hbm>>
      tpu.enqueue_indirect_dma source(%dma_start3A_40 : memref<10240x128xf32, #tpu.memory_space<hbm>>) target(%arg8 : memref<80x128xf32, #tpu.memory_space<vmem>>) offsets(%dma_start3A_37 : memref<80xi32, #tpu.memory_space<vmem>>) semaphore(%arg10 : memref<!tpu.dma_semaphore, #tpu.memory_space<semaphore_mem>>)
      %dma_wait3A = arith.constant 0 : i32
      %dma_wait3A_41 = arith.constant 0 : i32
      %dma_wait3A_42 = tpu.memref_slice %arg6[%dma_wait3A, %dma_wait3A_41] : memref<1x80xi32, #tpu.memory_space<vmem>> -> memref<1x80xi32, #tpu.memory_space<vmem>>
      %dma_wait3A_43 = tpu.memref_squeeze %dma_wait3A_42 : memref<1x80xi32, #tpu.memory_space<vmem>> -> memref<80xi32, #tpu.memory_space<vmem>>
      %dma_wait3A_44 = arith.constant 0 : i32
      %dma_wait3A_45 = arith.constant 0 : i32
      %dma_wait3A_46 = tpu.memref_slice %arg2[%dma_wait3A_44, %dma_wait3A_45] : memref<10240x128xf32, #tpu.memory_space<hbm>> -> memref<10240x128xf32, #tpu.memory_space<hbm>>
      tpu.wait_indirect_dma semaphore(%arg9 : memref<!tpu.dma_semaphore, #tpu.memory_space<semaphore_mem>>) src(%dma_wait3A_46 : memref<10240x128xf32, #tpu.memory_space<hbm>>) dst(%arg7 : memref<80x128xf32, #tpu.memory_space<vmem>>)
      %dma_wait3A_47 = arith.constant 0 : i32
      %dma_wait3A_48 = arith.constant 0 : i32
      %dma_wait3A_49 = tpu.memref_slice %arg6[%dma_wait3A_47, %dma_wait3A_48] : memref<1x80xi32, #tpu.memory_space<vmem>> -> memref<1x80xi32, #tpu.memory_space<vmem>>
      %dma_wait3A_50 = tpu.memref_squeeze %dma_wait3A_49 : memref<1x80xi32, #tpu.memory_space<vmem>> -> memref<80xi32, #tpu.memory_space<vmem>>
      %dma_wait3A_51 = arith.constant 0 : i32
      %dma_wait3A_52 = arith.constant 0 : i32
      %dma_wait3A_53 = tpu.memref_slice %arg3[%dma_wait3A_51, %dma_wait3A_52] : memref<10240x128xf32, #tpu.memory_space<hbm>> -> memref<10240x128xf32, #tpu.memory_space<hbm>>
      tpu.wait_indirect_dma semaphore(%arg10 : memref<!tpu.dma_semaphore, #tpu.memory_space<semaphore_mem>>) src(%dma_wait3A_53 : memref<10240x128xf32, #tpu.memory_space<hbm>>) dst(%arg8 : memref<80x128xf32, #tpu.memory_space<vmem>>)
      %scan3A = arith.constant 0 : i32
      %scan3A_54 = arith.constant 0 : i32
      %scan3A_55 = arith.constant 80 : i32
      %scan3A_56 = arith.addi %scan3A_54, %scan3A_55 : i32
      %scan3A_57 = arith.constant 1 : i32
      scf.for %scan3A_59 = %scan3A_54 to %scan3A_56 step %scan3A_57  : i32 {
        %get3A = arith.index_cast %scan3A_59 : i32 to index
        %get3A_60 = arith.constant 0 : index
        %get3A_61 = tpu.vector_load %arg7[%get3A, %get3A_60] {strides = array<i32>} : memref<80x128xf32, #tpu.memory_space<vmem>>, vector<1x16xf32>,
        %get3A_62 = vector.shape_cast %get3A_61 : vector<1x16xf32> to vector<16xf32>
        %get3A_63 = arith.index_cast %scan3A_59 : i32 to index
        %get3A_64 = arith.constant 0 : index
        %get3A_65 = tpu.vector_load %arg8[%get3A_63, %get3A_64] {strides = array<i32>} : memref<80x128xf32, #tpu.memory_space<vmem>>, vector<1x16xf32>,
        %get3A_66 = vector.shape_cast %get3A_65 : vector<1x16xf32> to vector<16xf32>
        %add3A_67 = arith.addf %get3A_62, %get3A_66 : vector<16xf32>
        %swap3A = arith.index_cast %scan3A_59 : i32 to index
        %swap3A_68 = arith.constant 0 : index
        %swap3A_69 = tpu.vector_load %arg7[%swap3A, %swap3A_68] {strides = array<i32>} : memref<80x128xf32, #tpu.memory_space<vmem>>, vector<1x16xf32>,
        %swap3A_70 = vector.shape_cast %swap3A_69 : vector<1x16xf32> to vector<16xf32>
        %swap3A_71 = vector.shape_cast %add3A_67 : vector<16xf32> to vector<1x16xf32>
        tpu.vector_store %arg7[%swap3A, %swap3A_68], %swap3A_71 {strides = array<i32>} : memref<80x128xf32, #tpu.memory_space<vmem>>, vector<1x16xf32>,
        %get3A_72 = arith.index_cast %scan3A_59 : i32 to index
        %get3A_73 = arith.constant 16 : index
        %get3A_74 = tpu.vector_load %arg7[%get3A_72, %get3A_73] {strides = array<i32>} : memref<80x128xf32, #tpu.memory_space<vmem>>, vector<1x16xf32>,
        %get3A_75 = vector.shape_cast %get3A_74 : vector<1x16xf32> to vector<16xf32>
        %get3A_76 = arith.index_cast %scan3A_59 : i32 to index
        %get3A_77 = arith.constant 16 : index
        %get3A_78 = tpu.vector_load %arg8[%get3A_76, %get3A_77] {strides = array<i32>} : memref<80x128xf32, #tpu.memory_space<vmem>>, vector<1x16xf32>,
        %get3A_79 = vector.shape_cast %get3A_78 : vector<1x16xf32> to vector<16xf32>
        %add3A_80 = arith.addf %get3A_75, %get3A_79 : vector<16xf32>
        %swap3A_81 = arith.index_cast %scan3A_59 : i32 to index
        %swap3A_82 = arith.constant 16 : index
        %swap3A_83 = tpu.vector_load %arg7[%swap3A_81, %swap3A_82] {strides = array<i32>} : memref<80x128xf32, #tpu.memory_space<vmem>>, vector<1x16xf32>,
        %swap3A_84 = vector.shape_cast %swap3A_83 : vector<1x16xf32> to vector<16xf32>
        %swap3A_85 = vector.shape_cast %add3A_80 : vector<16xf32> to vector<1x16xf32>
        tpu.vector_store %arg7[%swap3A_81, %swap3A_82], %swap3A_85 {strides = array<i32>} : memref<80x128xf32, #tpu.memory_space<vmem>>, vector<1x16xf32>,
        %get3A_86 = arith.index_cast %scan3A_59 : i32 to index
        %get3A_87 = arith.constant 32 : index
        %get3A_88 = tpu.vector_load %arg7[%get3A_86, %get3A_87] {strides = array<i32>} : memref<80x128xf32, #tpu.memory_space<vmem>>, vector<1x16xf32>,
        %get3A_89 = vector.shape_cast %get3A_88 : vector<1x16xf32> to vector<16xf32>
        %get3A_90 = arith.index_cast %scan3A_59 : i32 to index
        %get3A_91 = arith.constant 32 : index
        %get3A_92 = tpu.vector_load %arg8[%get3A_90, %get3A_91] {strides = array<i32>} : memref<80x128xf32, #tpu.memory_space<vmem>>, vector<1x16xf32>,
        %get3A_93 = vector.shape_cast %get3A_92 : vector<1x16xf32> to vector<16xf32>
        %add3A_94 = arith.addf %get3A_89, %get3A_93 : vector<16xf32>
        %swap3A_95 = arith.index_cast %scan3A_59 : i32 to index
        %swap3A_96 = arith.constant 32 : index
        %swap3A_97 = tpu.vector_load %arg7[%swap3A_95, %swap3A_96] {strides = array<i32>} : memref<80x128xf32, #tpu.memory_space<vmem>>, vector<1x16xf32>,
        %swap3A_98 = vector.shape_cast %swap3A_97 : vector<1x16xf32> to vector<16xf32>
        %swap3A_99 = vector.shape_cast %add3A_94 : vector<16xf32> to vector<1x16xf32>
        tpu.vector_store %arg7[%swap3A_95, %swap3A_96], %swap3A_99 {strides = array<i32>} : memref<80x128xf32, #tpu.memory_space<vmem>>, vector<1x16xf32>,
        %get3A_100 = arith.index_cast %scan3A_59 : i32 to index
        %get3A_101 = arith.constant 48 : index
        %get3A_102 = tpu.vector_load %arg7[%get3A_100, %get3A_101] {strides = array<i32>} : memref<80x128xf32, #tpu.memory_space<vmem>>, vector<1x16xf32>,
        %get3A_103 = vector.shape_cast %get3A_102 : vector<1x16xf32> to vector<16xf32>
        %get3A_104 = arith.index_cast %scan3A_59 : i32 to index
        %get3A_105 = arith.constant 48 : index
        %get3A_106 = tpu.vector_load %arg8[%get3A_104, %get3A_105] {strides = array<i32>} : memref<80x128xf32, #tpu.memory_space<vmem>>, vector<1x16xf32>,
        %get3A_107 = vector.shape_cast %get3A_106 : vector<1x16xf32> to vector<16xf32>
        %add3A_108 = arith.addf %get3A_103, %get3A_107 : vector<16xf32>
        %swap3A_109 = arith.index_cast %scan3A_59 : i32 to index
        %swap3A_110 = arith.constant 48 : index
        %swap3A_111 = tpu.vector_load %arg7[%swap3A_109, %swap3A_110] {strides = array<i32>} : memref<80x128xf32, #tpu.memory_space<vmem>>, vector<1x16xf32>,
        %swap3A_112 = vector.shape_cast %swap3A_111 : vector<1x16xf32> to vector<16xf32>
        %swap3A_113 = vector.shape_cast %add3A_108 : vector<16xf32> to vector<1x16xf32>
        tpu.vector_store %arg7[%swap3A_109, %swap3A_110], %swap3A_113 {strides = array<i32>} : memref<80x128xf32, #tpu.memory_space<vmem>>, vector<1x16xf32>,
        %get3A_114 = arith.index_cast %scan3A_59 : i32 to index
        %get3A_115 = arith.constant 64 : index
        %get3A_116 = tpu.vector_load %arg7[%get3A_114, %get3A_115] {strides = array<i32>} : memref<80x128xf32, #tpu.memory_space<vmem>>, vector<1x16xf32>,
        %get3A_117 = vector.shape_cast %get3A_116 : vector<1x16xf32> to vector<16xf32>
        %get3A_118 = arith.index_cast %scan3A_59 : i32 to index
        %get3A_119 = arith.constant 64 : index
        %get3A_120 = tpu.vector_load %arg8[%get3A_118, %get3A_119] {strides = array<i32>} : memref<80x128xf32, #tpu.memory_space<vmem>>, vector<1x16xf32>,
        %get3A_121 = vector.shape_cast %get3A_120 : vector<1x16xf32> to vector<16xf32>
        %add3A_122 = arith.addf %get3A_117, %get3A_121 : vector<16xf32>
        %swap3A_123 = arith.index_cast %scan3A_59 : i32 to index
        %swap3A_124 = arith.constant 64 : index
        %swap3A_125 = tpu.vector_load %arg7[%swap3A_123, %swap3A_124] {strides = array<i32>} : memref<80x128xf32, #tpu.memory_space<vmem>>, vector<1x16xf32>,
        %swap3A_126 = vector.shape_cast %swap3A_125 : vector<1x16xf32> to vector<16xf32>
        %swap3A_127 = vector.shape_cast %add3A_122 : vector<16xf32> to vector<1x16xf32>
        tpu.vector_store %arg7[%swap3A_123, %swap3A_124], %swap3A_127 {strides = array<i32>} : memref<80x128xf32, #tpu.memory_space<vmem>>, vector<1x16xf32>,
        %get3A_128 = arith.index_cast %scan3A_59 : i32 to index
        %get3A_129 = arith.constant 80 : index
        %get3A_130 = tpu.vector_load %arg7[%get3A_128, %get3A_129] {strides = array<i32>} : memref<80x128xf32, #tpu.memory_space<vmem>>, vector<1x16xf32>,
        %get3A_131 = vector.shape_cast %get3A_130 : vector<1x16xf32> to vector<16xf32>
        %get3A_132 = arith.index_cast %scan3A_59 : i32 to index
        %get3A_133 = arith.constant 80 : index
        %get3A_134 = tpu.vector_load %arg8[%get3A_132, %get3A_133] {strides = array<i32>} : memref<80x128xf32, #tpu.memory_space<vmem>>, vector<1x16xf32>,
        %get3A_135 = vector.shape_cast %get3A_134 : vector<1x16xf32> to vector<16xf32>
        %add3A_136 = arith.addf %get3A_131, %get3A_135 : vector<16xf32>
        %swap3A_137 = arith.index_cast %scan3A_59 : i32 to index
        %swap3A_138 = arith.constant 80 : index
        %swap3A_139 = tpu.vector_load %arg7[%swap3A_137, %swap3A_138] {strides = array<i32>} : memref<80x128xf32, #tpu.memory_space<vmem>>, vector<1x16xf32>,
        %swap3A_140 = vector.shape_cast %swap3A_139 : vector<1x16xf32> to vector<16xf32>
        %swap3A_141 = vector.shape_cast %add3A_136 : vector<16xf32> to vector<1x16xf32>
        tpu.vector_store %arg7[%swap3A_137, %swap3A_138], %swap3A_141 {strides = array<i32>} : memref<80x128xf32, #tpu.memory_space<vmem>>, vector<1x16xf32>,
        %get3A_142 = arith.index_cast %scan3A_59 : i32 to index
        %get3A_143 = arith.constant 96 : index
        %get3A_144 = tpu.vector_load %arg7[%get3A_142, %get3A_143] {strides = array<i32>} : memref<80x128xf32, #tpu.memory_space<vmem>>, vector<1x16xf32>,
        %get3A_145 = vector.shape_cast %get3A_144 : vector<1x16xf32> to vector<16xf32>
        %get3A_146 = arith.index_cast %scan3A_59 : i32 to index
        %get3A_147 = arith.constant 96 : index
        %get3A_148 = tpu.vector_load %arg8[%get3A_146, %get3A_147] {strides = array<i32>} : memref<80x128xf32, #tpu.memory_space<vmem>>, vector<1x16xf32>,
        %get3A_149 = vector.shape_cast %get3A_148 : vector<1x16xf32> to vector<16xf32>
        %add3A_150 = arith.addf %get3A_145, %get3A_149 : vector<16xf32>
        %swap3A_151 = arith.index_cast %scan3A_59 : i32 to index
        %swap3A_152 = arith.constant 96 : index
        %swap3A_153 = tpu.vector_load %arg7[%swap3A_151, %swap3A_152] {strides = array<i32>} : memref<80x128xf32, #tpu.memory_space<vmem>>, vector<1x16xf32>,
        %swap3A_154 = vector.shape_cast %swap3A_153 : vector<1x16xf32> to vector<16xf32>
        %swap3A_155 = vector.shape_cast %add3A_150 : vector<16xf32> to vector<1x16xf32>
        tpu.vector_store %arg7[%swap3A_151, %swap3A_152], %swap3A_155 {strides = array<i32>} : memref<80x128xf32, #tpu.memory_space<vmem>>, vector<1x16xf32>,
        %get3A_156 = arith.index_cast %scan3A_59 : i32 to index
        %get3A_157 = arith.constant 112 : index
        %get3A_158 = tpu.vector_load %arg7[%get3A_156, %get3A_157] {strides = array<i32>} : memref<80x128xf32, #tpu.memory_space<vmem>>, vector<1x16xf32>,
        %get3A_159 = vector.shape_cast %get3A_158 : vector<1x16xf32> to vector<16xf32>
        %get3A_160 = arith.index_cast %scan3A_59 : i32 to index
        %get3A_161 = arith.constant 112 : index
        %get3A_162 = tpu.vector_load %arg8[%get3A_160, %get3A_161] {strides = array<i32>} : memref<80x128xf32, #tpu.memory_space<vmem>>, vector<1x16xf32>,
        %get3A_163 = vector.shape_cast %get3A_162 : vector<1x16xf32> to vector<16xf32>
        %add3A_164 = arith.addf %get3A_159, %get3A_163 : vector<16xf32>
        %swap3A_165 = arith.index_cast %scan3A_59 : i32 to index
        %swap3A_166 = arith.constant 112 : index
        %swap3A_167 = tpu.vector_load %arg7[%swap3A_165, %swap3A_166] {strides = array<i32>} : memref<80x128xf32, #tpu.memory_space<vmem>>, vector<1x16xf32>,
        %swap3A_168 = vector.shape_cast %swap3A_167 : vector<1x16xf32> to vector<16xf32>
        %swap3A_169 = vector.shape_cast %add3A_164 : vector<16xf32> to vector<1x16xf32>
        tpu.vector_store %arg7[%swap3A_165, %swap3A_166], %swap3A_169 {strides = array<i32>} : memref<80x128xf32, #tpu.memory_space<vmem>>, vector<1x16xf32>,
      }
      %scan3A_58 = arith.constant 80 : i32
      "tpu.region"() ({
        %run_scoped3A_59 = tpu.sem_alloc : memref<!tpu.dma_semaphore, #tpu.memory_space<semaphore_mem>>
        %dma_start3A_60 = arith.constant 0 : i32
        %dma_start3A_61 = tpu.memref_slice %arg5[%mul3A_27, %dma_start3A_60] : memref<10000x128xf32, #tpu.memory_space<hbm>> -> memref<80x128xf32, #tpu.memory_space<hbm>>
        %dma_start3A_62 = arith.constant 0 : i32
        %dma_start3A_63 = tpu.memref_slice %arg5[%mul3A_27, %dma_start3A_62] : memref<10000x128xf32, #tpu.memory_space<hbm>> -> memref<80x128xf32, #tpu.memory_space<hbm>>
        tpu.enqueue_dma source(%arg7 : memref<80x128xf32, #tpu.memory_space<vmem>>) target(%dma_start3A_63 : memref<80x128xf32, #tpu.memory_space<hbm>>) target_semaphore(%run_scoped3A_59 : memref<!tpu.dma_semaphore, #tpu.memory_space<semaphore_mem>>)
        %dma_wait3A_64 = arith.constant 0 : i32
        %dma_wait3A_65 = tpu.memref_slice %arg5[%mul3A_27, %dma_wait3A_64] : memref<10000x128xf32, #tpu.memory_space<hbm>> -> memref<80x128xf32, #tpu.memory_space<hbm>>
        %dma_wait3A_66 = arith.constant 0 : i32
        %dma_wait3A_67 = tpu.memref_slice %arg5[%mul3A_27, %dma_wait3A_66] : memref<10000x128xf32, #tpu.memory_space<hbm>> -> memref<80x128xf32, #tpu.memory_space<hbm>>
        tpu.wait_dma2 semaphore(%run_scoped3A_59 : memref<!tpu.dma_semaphore, #tpu.memory_space<semaphore_mem>>) src(%arg7 : memref<80x128xf32, #tpu.memory_space<vmem>>) dst(%dma_wait3A_67 : memref<80x128xf32, #tpu.memory_space<hbm>>)
        tpu.yield
      }) : () -> ()
    } else {
    }
    %add3A_19 = arith.constant 96 : i32
    %add3A_20 = arith.addi %add3A, %add3A_19 : i32
    %lt3A_21 = arith.constant 125 : i32
    %lt3A_22 = arith.cmpi slt, %add3A_20, %lt3A_21 : i32
    %convert_element_type3A_23 = arith.extui %lt3A_22 : i1 to i32
    %cond3A_24 = arith.constant 0 : i32
    %cond3A_25 = arith.cmpi ne, %convert_element_type3A_23, %cond3A_24 : i32
    scf.if %cond3A_25 {
      %mul3A_26 = arith.constant 80 : i32
      %mul3A_27 = arith.muli %add3A_20, %mul3A_26 : i32
      %run_scoped3A = arith.constant 0 : i32
      "tpu.region"() ({
        %run_scoped3A_59 = tpu.sem_alloc : memref<!tpu.dma_semaphore, #tpu.memory_space<semaphore_mem>>
        %dma_start3A_60 = arith.constant 0 : i32
        %dma_start3A_61 = tpu.memref_slice %arg6[%run_scoped3A, %dma_start3A_60] : memref<1x80xi32, #tpu.memory_space<vmem>> -> memref<1x80xi32, #tpu.memory_space<vmem>>
        %dma_start3A_62 = tpu.memref_squeeze %dma_start3A_61 : memref<1x80xi32, #tpu.memory_space<vmem>> -> memref<80xi32, #tpu.memory_space<vmem>>
        %dma_start3A_63 = tpu.memref_slice %arg4[%mul3A_27] : memref<10000xi32, #tpu.memory_space<hbm>> -> memref<80xi32, #tpu.memory_space<hbm>>
        %dma_start3A_64 = arith.constant 0 : i32
        %dma_start3A_65 = tpu.memref_slice %arg6[%run_scoped3A, %dma_start3A_64] : memref<1x80xi32, #tpu.memory_space<vmem>> -> memref<1x80xi32, #tpu.memory_space<vmem>>
        %dma_start3A_66 = tpu.memref_squeeze %dma_start3A_65 : memref<1x80xi32, #tpu.memory_space<vmem>> -> memref<80xi32, #tpu.memory_space<vmem>>
        %dma_start3A_67 = tpu.memref_slice %arg4[%mul3A_27] : memref<10000xi32, #tpu.memory_space<hbm>> -> memref<80xi32, #tpu.memory_space<hbm>>
        tpu.enqueue_dma source(%dma_start3A_67 : memref<80xi32, #tpu.memory_space<hbm>>) target(%dma_start3A_66 : memref<80xi32, #tpu.memory_space<vmem>>) target_semaphore(%run_scoped3A_59 : memref<!tpu.dma_semaphore, #tpu.memory_space<semaphore_mem>>)
        %dma_wait3A_68 = arith.constant 0 : i32
        %dma_wait3A_69 = tpu.memref_slice %arg6[%run_scoped3A, %dma_wait3A_68] : memref<1x80xi32, #tpu.memory_space<vmem>> -> memref<1x80xi32, #tpu.memory_space<vmem>>
        %dma_wait3A_70 = tpu.memref_squeeze %dma_wait3A_69 : memref<1x80xi32, #tpu.memory_space<vmem>> -> memref<80xi32, #tpu.memory_space<vmem>>
        %dma_wait3A_71 = tpu.memref_slice %arg4[%mul3A_27] : memref<10000xi32, #tpu.memory_space<hbm>> -> memref<80xi32, #tpu.memory_space<hbm>>
        %dma_wait3A_72 = arith.constant 0 : i32
        %dma_wait3A_73 = tpu.memref_slice %arg6[%run_scoped3A, %dma_wait3A_72] : memref<1x80xi32, #tpu.memory_space<vmem>> -> memref<1x80xi32, #tpu.memory_space<vmem>>
        %dma_wait3A_74 = tpu.memref_squeeze %dma_wait3A_73 : memref<1x80xi32, #tpu.memory_space<vmem>> -> memref<80xi32, #tpu.memory_space<vmem>>
        %dma_wait3A_75 = tpu.memref_slice %arg4[%mul3A_27] : memref<10000xi32, #tpu.memory_space<hbm>> -> memref<80xi32, #tpu.memory_space<hbm>>
        tpu.wait_dma2 semaphore(%run_scoped3A_59 : memref<!tpu.dma_semaphore, #tpu.memory_space<semaphore_mem>>) src(%dma_wait3A_75 : memref<80xi32, #tpu.memory_space<hbm>>) dst(%dma_wait3A_74 : memref<80xi32, #tpu.memory_space<vmem>>)
        tpu.yield
      }) : () -> ()
      %dma_start3A = arith.constant 0 : i32
      %dma_start3A_28 = arith.constant 0 : i32
      %dma_start3A_29 = tpu.memref_slice %arg6[%dma_start3A, %dma_start3A_28] : memref<1x80xi32, #tpu.memory_space<vmem>> -> memref<1x80xi32, #tpu.memory_space<vmem>>
      %dma_start3A_30 = tpu.memref_squeeze %dma_start3A_29 : memref<1x80xi32, #tpu.memory_space<vmem>> -> memref<80xi32, #tpu.memory_space<vmem>>
      %dma_start3A_31 = arith.constant 0 : i32
      %dma_start3A_32 = arith.constant 0 : i32
      %dma_start3A_33 = tpu.memref_slice %arg2[%dma_start3A_31, %dma_start3A_32] : memref<10240x128xf32, #tpu.memory_space<hbm>> -> memref<10240x128xf32, #tpu.memory_space<hbm>>
      tpu.enqueue_indirect_dma source(%dma_start3A_33 : memref<10240x128xf32, #tpu.memory_space<hbm>>) target(%arg7 : memref<80x128xf32, #tpu.memory_space<vmem>>) offsets(%dma_start3A_30 : memref<80xi32, #tpu.memory_space<vmem>>) semaphore(%arg9 : memref<!tpu.dma_semaphore, #tpu.memory_space<semaphore_mem>>)
      %dma_start3A_34 = arith.constant 0 : i32
      %dma_start3A_35 = arith.constant 0 : i32
      %dma_start3A_36 = tpu.memref_slice %arg6[%dma_start3A_34, %dma_start3A_35] : memref<1x80xi32, #tpu.memory_space<vmem>> -> memref<1x80xi32, #tpu.memory_space<vmem>>
      %dma_start3A_37 = tpu.memref_squeeze %dma_start3A_36 : memref<1x80xi32, #tpu.memory_space<vmem>> -> memref<80xi32, #tpu.memory_space<vmem>>
      %dma_start3A_38 = arith.constant 0 : i32
      %dma_start3A_39 = arith.constant 0 : i32
      %dma_start3A_40 = tpu.memref_slice %arg3[%dma_start3A_38, %dma_start3A_39] : memref<10240x128xf32, #tpu.memory_space<hbm>> -> memref<10240x128xf32, #tpu.memory_space<hbm>>
      tpu.enqueue_indirect_dma source(%dma_start3A_40 : memref<10240x128xf32, #tpu.memory_space<hbm>>) target(%arg8 : memref<80x128xf32, #tpu.memory_space<vmem>>) offsets(%dma_start3A_37 : memref<80xi32, #tpu.memory_space<vmem>>) semaphore(%arg10 : memref<!tpu.dma_semaphore, #tpu.memory_space<semaphore_mem>>)
      %dma_wait3A = arith.constant 0 : i32
      %dma_wait3A_41 = arith.constant 0 : i32
      %dma_wait3A_42 = tpu.memref_slice %arg6[%dma_wait3A, %dma_wait3A_41] : memref<1x80xi32, #tpu.memory_space<vmem>> -> memref<1x80xi32, #tpu.memory_space<vmem>>
      %dma_wait3A_43 = tpu.memref_squeeze %dma_wait3A_42 : memref<1x80xi32, #tpu.memory_space<vmem>> -> memref<80xi32, #tpu.memory_space<vmem>>
      %dma_wait3A_44 = arith.constant 0 : i32
      %dma_wait3A_45 = arith.constant 0 : i32
      %dma_wait3A_46 = tpu.memref_slice %arg2[%dma_wait3A_44, %dma_wait3A_45] : memref<10240x128xf32, #tpu.memory_space<hbm>> -> memref<10240x128xf32, #tpu.memory_space<hbm>>
      tpu.wait_indirect_dma semaphore(%arg9 : memref<!tpu.dma_semaphore, #tpu.memory_space<semaphore_mem>>) src(%dma_wait3A_46 : memref<10240x128xf32, #tpu.memory_space<hbm>>) dst(%arg7 : memref<80x128xf32, #tpu.memory_space<vmem>>)
      %dma_wait3A_47 = arith.constant 0 : i32
      %dma_wait3A_48 = arith.constant 0 : i32
      %dma_wait3A_49 = tpu.memref_slice %arg6[%dma_wait3A_47, %dma_wait3A_48] : memref<1x80xi32, #tpu.memory_space<vmem>> -> memref<1x80xi32, #tpu.memory_space<vmem>>
      %dma_wait3A_50 = tpu.memref_squeeze %dma_wait3A_49 : memref<1x80xi32, #tpu.memory_space<vmem>> -> memref<80xi32, #tpu.memory_space<vmem>>
      %dma_wait3A_51 = arith.constant 0 : i32
      %dma_wait3A_52 = arith.constant 0 : i32
      %dma_wait3A_53 = tpu.memref_slice %arg3[%dma_wait3A_51, %dma_wait3A_52] : memref<10240x128xf32, #tpu.memory_space<hbm>> -> memref<10240x128xf32, #tpu.memory_space<hbm>>
      tpu.wait_indirect_dma semaphore(%arg10 : memref<!tpu.dma_semaphore, #tpu.memory_space<semaphore_mem>>) src(%dma_wait3A_53 : memref<10240x128xf32, #tpu.memory_space<hbm>>) dst(%arg8 : memref<80x128xf32, #tpu.memory_space<vmem>>)
      %scan3A = arith.constant 0 : i32
      %scan3A_54 = arith.constant 0 : i32
      %scan3A_55 = arith.constant 80 : i32
      %scan3A_56 = arith.addi %scan3A_54, %scan3A_55 : i32
      %scan3A_57 = arith.constant 1 : i32
      scf.for %scan3A_59 = %scan3A_54 to %scan3A_56 step %scan3A_57  : i32 {
        %get3A = arith.index_cast %scan3A_59 : i32 to index
        %get3A_60 = arith.constant 0 : index
        %get3A_61 = tpu.vector_load %arg7[%get3A, %get3A_60] {strides = array<i32>} : memref<80x128xf32, #tpu.memory_space<vmem>>, vector<1x16xf32>,
        %get3A_62 = vector.shape_cast %get3A_61 : vector<1x16xf32> to vector<16xf32>
        %get3A_63 = arith.index_cast %scan3A_59 : i32 to index
        %get3A_64 = arith.constant 0 : index
        %get3A_65 = tpu.vector_load %arg8[%get3A_63, %get3A_64] {strides = array<i32>} : memref<80x128xf32, #tpu.memory_space<vmem>>, vector<1x16xf32>,
        %get3A_66 = vector.shape_cast %get3A_65 : vector<1x16xf32> to vector<16xf32>
        %add3A_67 = arith.addf %get3A_62, %get3A_66 : vector<16xf32>
        %swap3A = arith.index_cast %scan3A_59 : i32 to index
        %swap3A_68 = arith.constant 0 : index
        %swap3A_69 = tpu.vector_load %arg7[%swap3A, %swap3A_68] {strides = array<i32>} : memref<80x128xf32, #tpu.memory_space<vmem>>, vector<1x16xf32>,
        %swap3A_70 = vector.shape_cast %swap3A_69 : vector<1x16xf32> to vector<16xf32>
        %swap3A_71 = vector.shape_cast %add3A_67 : vector<16xf32> to vector<1x16xf32>
        tpu.vector_store %arg7[%swap3A, %swap3A_68], %swap3A_71 {strides = array<i32>} : memref<80x128xf32, #tpu.memory_space<vmem>>, vector<1x16xf32>,
        %get3A_72 = arith.index_cast %scan3A_59 : i32 to index
        %get3A_73 = arith.constant 16 : index
        %get3A_74 = tpu.vector_load %arg7[%get3A_72, %get3A_73] {strides = array<i32>} : memref<80x128xf32, #tpu.memory_space<vmem>>, vector<1x16xf32>,
        %get3A_75 = vector.shape_cast %get3A_74 : vector<1x16xf32> to vector<16xf32>
        %get3A_76 = arith.index_cast %scan3A_59 : i32 to index
        %get3A_77 = arith.constant 16 : index
        %get3A_78 = tpu.vector_load %arg8[%get3A_76, %get3A_77] {strides = array<i32>} : memref<80x128xf32, #tpu.memory_space<vmem>>, vector<1x16xf32>,
        %get3A_79 = vector.shape_cast %get3A_78 : vector<1x16xf32> to vector<16xf32>
        %add3A_80 = arith.addf %get3A_75, %get3A_79 : vector<16xf32>
        %swap3A_81 = arith.index_cast %scan3A_59 : i32 to index
        %swap3A_82 = arith.constant 16 : index
        %swap3A_83 = tpu.vector_load %arg7[%swap3A_81, %swap3A_82] {strides = array<i32>} : memref<80x128xf32, #tpu.memory_space<vmem>>, vector<1x16xf32>,
        %swap3A_84 = vector.shape_cast %swap3A_83 : vector<1x16xf32> to vector<16xf32>
        %swap3A_85 = vector.shape_cast %add3A_80 : vector<16xf32> to vector<1x16xf32>
        tpu.vector_store %arg7[%swap3A_81, %swap3A_82], %swap3A_85 {strides = array<i32>} : memref<80x128xf32, #tpu.memory_space<vmem>>, vector<1x16xf32>,
        %get3A_86 = arith.index_cast %scan3A_59 : i32 to index
        %get3A_87 = arith.constant 32 : index
        %get3A_88 = tpu.vector_load %arg7[%get3A_86, %get3A_87] {strides = array<i32>} : memref<80x128xf32, #tpu.memory_space<vmem>>, vector<1x16xf32>,
        %get3A_89 = vector.shape_cast %get3A_88 : vector<1x16xf32> to vector<16xf32>
        %get3A_90 = arith.index_cast %scan3A_59 : i32 to index
        %get3A_91 = arith.constant 32 : index
        %get3A_92 = tpu.vector_load %arg8[%get3A_90, %get3A_91] {strides = array<i32>} : memref<80x128xf32, #tpu.memory_space<vmem>>, vector<1x16xf32>,
        %get3A_93 = vector.shape_cast %get3A_92 : vector<1x16xf32> to vector<16xf32>
        %add3A_94 = arith.addf %get3A_89, %get3A_93 : vector<16xf32>
        %swap3A_95 = arith.index_cast %scan3A_59 : i32 to index
        %swap3A_96 = arith.constant 32 : index
        %swap3A_97 = tpu.vector_load %arg7[%swap3A_95, %swap3A_96] {strides = array<i32>} : memref<80x128xf32, #tpu.memory_space<vmem>>, vector<1x16xf32>,
        %swap3A_98 = vector.shape_cast %swap3A_97 : vector<1x16xf32> to vector<16xf32>
        %swap3A_99 = vector.shape_cast %add3A_94 : vector<16xf32> to vector<1x16xf32>
        tpu.vector_store %arg7[%swap3A_95, %swap3A_96], %swap3A_99 {strides = array<i32>} : memref<80x128xf32, #tpu.memory_space<vmem>>, vector<1x16xf32>,
        %get3A_100 = arith.index_cast %scan3A_59 : i32 to index
        %get3A_101 = arith.constant 48 : index
        %get3A_102 = tpu.vector_load %arg7[%get3A_100, %get3A_101] {strides = array<i32>} : memref<80x128xf32, #tpu.memory_space<vmem>>, vector<1x16xf32>,
        %get3A_103 = vector.shape_cast %get3A_102 : vector<1x16xf32> to vector<16xf32>
        %get3A_104 = arith.index_cast %scan3A_59 : i32 to index
        %get3A_105 = arith.constant 48 : index
        %get3A_106 = tpu.vector_load %arg8[%get3A_104, %get3A_105] {strides = array<i32>} : memref<80x128xf32, #tpu.memory_space<vmem>>, vector<1x16xf32>,
        %get3A_107 = vector.shape_cast %get3A_106 : vector<1x16xf32> to vector<16xf32>
        %add3A_108 = arith.addf %get3A_103, %get3A_107 : vector<16xf32>
        %swap3A_109 = arith.index_cast %scan3A_59 : i32 to index
        %swap3A_110 = arith.constant 48 : index
        %swap3A_111 = tpu.vector_load %arg7[%swap3A_109, %swap3A_110] {strides = array<i32>} : memref<80x128xf32, #tpu.memory_space<vmem>>, vector<1x16xf32>,
        %swap3A_112 = vector.shape_cast %swap3A_111 : vector<1x16xf32> to vector<16xf32>
        %swap3A_113 = vector.shape_cast %add3A_108 : vector<16xf32> to vector<1x16xf32>
        tpu.vector_store %arg7[%swap3A_109, %swap3A_110], %swap3A_113 {strides = array<i32>} : memref<80x128xf32, #tpu.memory_space<vmem>>, vector<1x16xf32>,
        %get3A_114 = arith.index_cast %scan3A_59 : i32 to index
        %get3A_115 = arith.constant 64 : index
        %get3A_116 = tpu.vector_load %arg7[%get3A_114, %get3A_115] {strides = array<i32>} : memref<80x128xf32, #tpu.memory_space<vmem>>, vector<1x16xf32>,
        %get3A_117 = vector.shape_cast %get3A_116 : vector<1x16xf32> to vector<16xf32>
        %get3A_118 = arith.index_cast %scan3A_59 : i32 to index
        %get3A_119 = arith.constant 64 : index
        %get3A_120 = tpu.vector_load %arg8[%get3A_118, %get3A_119] {strides = array<i32>} : memref<80x128xf32, #tpu.memory_space<vmem>>, vector<1x16xf32>,
        %get3A_121 = vector.shape_cast %get3A_120 : vector<1x16xf32> to vector<16xf32>
        %add3A_122 = arith.addf %get3A_117, %get3A_121 : vector<16xf32>
        %swap3A_123 = arith.index_cast %scan3A_59 : i32 to index
        %swap3A_124 = arith.constant 64 : index
        %swap3A_125 = tpu.vector_load %arg7[%swap3A_123, %swap3A_124] {strides = array<i32>} : memref<80x128xf32, #tpu.memory_space<vmem>>, vector<1x16xf32>,
        %swap3A_126 = vector.shape_cast %swap3A_125 : vector<1x16xf32> to vector<16xf32>
        %swap3A_127 = vector.shape_cast %add3A_122 : vector<16xf32> to vector<1x16xf32>
        tpu.vector_store %arg7[%swap3A_123, %swap3A_124], %swap3A_127 {strides = array<i32>} : memref<80x128xf32, #tpu.memory_space<vmem>>, vector<1x16xf32>,
        %get3A_128 = arith.index_cast %scan3A_59 : i32 to index
        %get3A_129 = arith.constant 80 : index
        %get3A_130 = tpu.vector_load %arg7[%get3A_128, %get3A_129] {strides = array<i32>} : memref<80x128xf32, #tpu.memory_space<vmem>>, vector<1x16xf32>,
        %get3A_131 = vector.shape_cast %get3A_130 : vector<1x16xf32> to vector<16xf32>
        %get3A_132 = arith.index_cast %scan3A_59 : i32 to index
        %get3A_133 = arith.constant 80 : index
        %get3A_134 = tpu.vector_load %arg8[%get3A_132, %get3A_133] {strides = array<i32>} : memref<80x128xf32, #tpu.memory_space<vmem>>, vector<1x16xf32>,
        %get3A_135 = vector.shape_cast %get3A_134 : vector<1x16xf32> to vector<16xf32>
        %add3A_136 = arith.addf %get3A_131, %get3A_135 : vector<16xf32>
        %swap3A_137 = arith.index_cast %scan3A_59 : i32 to index
        %swap3A_138 = arith.constant 80 : index
        %swap3A_139 = tpu.vector_load %arg7[%swap3A_137, %swap3A_138] {strides = array<i32>} : memref<80x128xf32, #tpu.memory_space<vmem>>, vector<1x16xf32>,
        %swap3A_140 = vector.shape_cast %swap3A_139 : vector<1x16xf32> to vector<16xf32>
        %swap3A_141 = vector.shape_cast %add3A_136 : vector<16xf32> to vector<1x16xf32>
        tpu.vector_store %arg7[%swap3A_137, %swap3A_138], %swap3A_141 {strides = array<i32>} : memref<80x128xf32, #tpu.memory_space<vmem>>, vector<1x16xf32>,
        %get3A_142 = arith.index_cast %scan3A_59 : i32 to index
        %get3A_143 = arith.constant 96 : index
        %get3A_144 = tpu.vector_load %arg7[%get3A_142, %get3A_143] {strides = array<i32>} : memref<80x128xf32, #tpu.memory_space<vmem>>, vector<1x16xf32>,
        %get3A_145 = vector.shape_cast %get3A_144 : vector<1x16xf32> to vector<16xf32>
        %get3A_146 = arith.index_cast %scan3A_59 : i32 to index
        %get3A_147 = arith.constant 96 : index
        %get3A_148 = tpu.vector_load %arg8[%get3A_146, %get3A_147] {strides = array<i32>} : memref<80x128xf32, #tpu.memory_space<vmem>>, vector<1x16xf32>,
        %get3A_149 = vector.shape_cast %get3A_148 : vector<1x16xf32> to vector<16xf32>
        %add3A_150 = arith.addf %get3A_145, %get3A_149 : vector<16xf32>
        %swap3A_151 = arith.index_cast %scan3A_59 : i32 to index
        %swap3A_152 = arith.constant 96 : index
        %swap3A_153 = tpu.vector_load %arg7[%swap3A_151, %swap3A_152] {strides = array<i32>} : memref<80x128xf32, #tpu.memory_space<vmem>>, vector<1x16xf32>,
        %swap3A_154 = vector.shape_cast %swap3A_153 : vector<1x16xf32> to vector<16xf32>
        %swap3A_155 = vector.shape_cast %add3A_150 : vector<16xf32> to vector<1x16xf32>
        tpu.vector_store %arg7[%swap3A_151, %swap3A_152], %swap3A_155 {strides = array<i32>} : memref<80x128xf32, #tpu.memory_space<vmem>>, vector<1x16xf32>,
        %get3A_156 = arith.index_cast %scan3A_59 : i32 to index
        %get3A_157 = arith.constant 112 : index
        %get3A_158 = tpu.vector_load %arg7[%get3A_156, %get3A_157] {strides = array<i32>} : memref<80x128xf32, #tpu.memory_space<vmem>>, vector<1x16xf32>,
        %get3A_159 = vector.shape_cast %get3A_158 : vector<1x16xf32> to vector<16xf32>
        %get3A_160 = arith.index_cast %scan3A_59 : i32 to index
        %get3A_161 = arith.constant 112 : index
        %get3A_162 = tpu.vector_load %arg8[%get3A_160, %get3A_161] {strides = array<i32>} : memref<80x128xf32, #tpu.memory_space<vmem>>, vector<1x16xf32>,
        %get3A_163 = vector.shape_cast %get3A_162 : vector<1x16xf32> to vector<16xf32>
        %add3A_164 = arith.addf %get3A_159, %get3A_163 : vector<16xf32>
        %swap3A_165 = arith.index_cast %scan3A_59 : i32 to index
        %swap3A_166 = arith.constant 112 : index
        %swap3A_167 = tpu.vector_load %arg7[%swap3A_165, %swap3A_166] {strides = array<i32>} : memref<80x128xf32, #tpu.memory_space<vmem>>, vector<1x16xf32>,
        %swap3A_168 = vector.shape_cast %swap3A_167 : vector<1x16xf32> to vector<16xf32>
        %swap3A_169 = vector.shape_cast %add3A_164 : vector<16xf32> to vector<1x16xf32>
        tpu.vector_store %arg7[%swap3A_165, %swap3A_166], %swap3A_169 {strides = array<i32>} : memref<80x128xf32, #tpu.memory_space<vmem>>, vector<1x16xf32>,
      }
      %scan3A_58 = arith.constant 80 : i32
      "tpu.region"() ({
        %run_scoped3A_59 = tpu.sem_alloc : memref<!tpu.dma_semaphore, #tpu.memory_space<semaphore_mem>>
        %dma_start3A_60 = arith.constant 0 : i32
        %dma_start3A_61 = tpu.memref_slice %arg5[%mul3A_27, %dma_start3A_60] : memref<10000x128xf32, #tpu.memory_space<hbm>> -> memref<80x128xf32, #tpu.memory_space<hbm>>
        %dma_start3A_62 = arith.constant 0 : i32
        %dma_start3A_63 = tpu.memref_slice %arg5[%mul3A_27, %dma_start3A_62] : memref<10000x128xf32, #tpu.memory_space<hbm>> -> memref<80x128xf32, #tpu.memory_space<hbm>>
        tpu.enqueue_dma source(%arg7 : memref<80x128xf32, #tpu.memory_space<vmem>>) target(%dma_start3A_63 : memref<80x128xf32, #tpu.memory_space<hbm>>) target_semaphore(%run_scoped3A_59 : memref<!tpu.dma_semaphore, #tpu.memory_space<semaphore_mem>>)
        %dma_wait3A_64 = arith.constant 0 : i32
        %dma_wait3A_65 = tpu.memref_slice %arg5[%mul3A_27, %dma_wait3A_64] : memref<10000x128xf32, #tpu.memory_space<hbm>> -> memref<80x128xf32, #tpu.memory_space<hbm>>
        %dma_wait3A_66 = arith.constant 0 : i32
        %dma_wait3A_67 = tpu.memref_slice %arg5[%mul3A_27, %dma_wait3A_66] : memref<10000x128xf32, #tpu.memory_space<hbm>> -> memref<80x128xf32, #tpu.memory_space<hbm>>
        tpu.wait_dma2 semaphore(%run_scoped3A_59 : memref<!tpu.dma_semaphore, #tpu.memory_space<semaphore_mem>>) src(%arg7 : memref<80x128xf32, #tpu.memory_space<vmem>>) dst(%dma_wait3A_67 : memref<80x128xf32, #tpu.memory_space<hbm>>)
        tpu.yield
      }) : () -> ()
    } else {
    }
    return
  }
}

#map = affine_map<(d0, d1) -> (0, 0)>
#map1 = affine_map<(d0, d1) -> (0)>
module attributes {stable_mosaic.version = 14 : i64} {
  func.func @_pool_body(%arg0: i32, %arg1: i32, %arg2: memref<320000x128xf32, #tpu.memory_space<hbm>>, %arg3: memref<320000xi32, #tpu.memory_space<hbm>>, %arg4: memref<10240x128xf32, #tpu.memory_space<hbm>>, %arg5: memref<10240x128xf32, #tpu.memory_space<hbm>>, %arg6: memref<10240x128xf32, #tpu.memory_space<vmem_shared>>, %arg7: memref<2x64x128xf32, #tpu.memory_space<vmem>>, %arg8: memref<2x64xi32, #tpu.memory_space<vmem>>, %arg9: memref<64x128xf32, #tpu.memory_space<vmem>>, %arg10: memref<16x128xf32, #tpu.memory_space<vmem>>, %arg11: memref<1x16xi32, #tpu.memory_space<vmem>>, %arg12: memref<!tpu.dma_semaphore, #tpu.memory_space<semaphore_mem>>, %arg13: memref<!tpu.dma_semaphore, #tpu.memory_space<semaphore_mem>>, %arg14: memref<!tpu.dma_semaphore, #tpu.memory_space<semaphore_mem>>, %arg15: memref<!tpu.dma_semaphore, #tpu.memory_space<semaphore_mem>>) attributes {dimension_semantics = [#tpu.dimension_semantics<core_parallel>, #tpu.dimension_semantics<subcore_parallel>], iteration_bounds = array<i64: 2, 16>, scalar_prefetch = 0 : i64, scratch_operands = 10 : i64, tpu.core_type = #tpu.core_type<sc_vector_subcore>, window_params = [{transform_indices = #map}, {transform_indices = #map1}, {transform_indices = #map}, {transform_indices = #map}]} {
    %mul3A = arith.constant 16 : i32
    %mul3A_0 = arith.muli %arg0, %mul3A : i32
    %add3A = arith.addi %mul3A_0, %arg1 : i32
    %mul3A_1 = arith.constant 10000 : i32
    %mul3A_2 = arith.muli %add3A, %mul3A_1 : i32
    %broadcast_in_dim3A = arith.constant 0.000000e+00 : f32
    %broadcast_in_dim3A_3 = vector.broadcast %broadcast_in_dim3A : f32 to vector<16xf32>
    %scan3A = arith.constant 0 : i32
    %scan3A_4 = arith.constant 0 : i32
    %scan3A_5 = arith.constant 64 : i32
    %scan3A_6 = arith.addi %scan3A_4, %scan3A_5 : i32
    %scan3A_7 = arith.constant 1 : i32
    scf.for %scan3A_115 = %scan3A_4 to %scan3A_6 step %scan3A_7  : i32 {
      %swap3A = arith.index_cast %scan3A_115 : i32 to index
      %swap3A_116 = arith.constant 0 : index
      %swap3A_117 = tpu.vector_load %arg9[%swap3A, %swap3A_116] {strides = array<i32>} : memref<64x128xf32, #tpu.memory_space<vmem>>, vector<1x16xf32>,
      %swap3A_118 = vector.shape_cast %swap3A_117 : vector<1x16xf32> to vector<16xf32>
      %swap3A_119 = vector.shape_cast %broadcast_in_dim3A_3 : vector<16xf32> to vector<1x16xf32>
      tpu.vector_store %arg9[%swap3A, %swap3A_116], %swap3A_119 {strides = array<i32>} : memref<64x128xf32, #tpu.memory_space<vmem>>, vector<1x16xf32>,
      %swap3A_120 = arith.index_cast %scan3A_115 : i32 to index
      %swap3A_121 = arith.constant 16 : index
      %swap3A_122 = tpu.vector_load %arg9[%swap3A_120, %swap3A_121] {strides = array<i32>} : memref<64x128xf32, #tpu.memory_space<vmem>>, vector<1x16xf32>,
      %swap3A_123 = vector.shape_cast %swap3A_122 : vector<1x16xf32> to vector<16xf32>
      %swap3A_124 = vector.shape_cast %broadcast_in_dim3A_3 : vector<16xf32> to vector<1x16xf32>
      tpu.vector_store %arg9[%swap3A_120, %swap3A_121], %swap3A_124 {strides = array<i32>} : memref<64x128xf32, #tpu.memory_space<vmem>>, vector<1x16xf32>,
      %swap3A_125 = arith.index_cast %scan3A_115 : i32 to index
      %swap3A_126 = arith.constant 32 : index
      %swap3A_127 = tpu.vector_load %arg9[%swap3A_125, %swap3A_126] {strides = array<i32>} : memref<64x128xf32, #tpu.memory_space<vmem>>, vector<1x16xf32>,
      %swap3A_128 = vector.shape_cast %swap3A_127 : vector<1x16xf32> to vector<16xf32>
      %swap3A_129 = vector.shape_cast %broadcast_in_dim3A_3 : vector<16xf32> to vector<1x16xf32>
      tpu.vector_store %arg9[%swap3A_125, %swap3A_126], %swap3A_129 {strides = array<i32>} : memref<64x128xf32, #tpu.memory_space<vmem>>, vector<1x16xf32>,
      %swap3A_130 = arith.index_cast %scan3A_115 : i32 to index
      %swap3A_131 = arith.constant 48 : index
      %swap3A_132 = tpu.vector_load %arg9[%swap3A_130, %swap3A_131] {strides = array<i32>} : memref<64x128xf32, #tpu.memory_space<vmem>>, vector<1x16xf32>,
      %swap3A_133 = vector.shape_cast %swap3A_132 : vector<1x16xf32> to vector<16xf32>
      %swap3A_134 = vector.shape_cast %broadcast_in_dim3A_3 : vector<16xf32> to vector<1x16xf32>
      tpu.vector_store %arg9[%swap3A_130, %swap3A_131], %swap3A_134 {strides = array<i32>} : memref<64x128xf32, #tpu.memory_space<vmem>>, vector<1x16xf32>,
      %swap3A_135 = arith.index_cast %scan3A_115 : i32 to index
      %swap3A_136 = arith.constant 64 : index
      %swap3A_137 = tpu.vector_load %arg9[%swap3A_135, %swap3A_136] {strides = array<i32>} : memref<64x128xf32, #tpu.memory_space<vmem>>, vector<1x16xf32>,
      %swap3A_138 = vector.shape_cast %swap3A_137 : vector<1x16xf32> to vector<16xf32>
      %swap3A_139 = vector.shape_cast %broadcast_in_dim3A_3 : vector<16xf32> to vector<1x16xf32>
      tpu.vector_store %arg9[%swap3A_135, %swap3A_136], %swap3A_139 {strides = array<i32>} : memref<64x128xf32, #tpu.memory_space<vmem>>, vector<1x16xf32>,
      %swap3A_140 = arith.index_cast %scan3A_115 : i32 to index
      %swap3A_141 = arith.constant 80 : index
      %swap3A_142 = tpu.vector_load %arg9[%swap3A_140, %swap3A_141] {strides = array<i32>} : memref<64x128xf32, #tpu.memory_space<vmem>>, vector<1x16xf32>,
      %swap3A_143 = vector.shape_cast %swap3A_142 : vector<1x16xf32> to vector<16xf32>
      %swap3A_144 = vector.shape_cast %broadcast_in_dim3A_3 : vector<16xf32> to vector<1x16xf32>
      tpu.vector_store %arg9[%swap3A_140, %swap3A_141], %swap3A_144 {strides = array<i32>} : memref<64x128xf32, #tpu.memory_space<vmem>>, vector<1x16xf32>,
      %swap3A_145 = arith.index_cast %scan3A_115 : i32 to index
      %swap3A_146 = arith.constant 96 : index
      %swap3A_147 = tpu.vector_load %arg9[%swap3A_145, %swap3A_146] {strides = array<i32>} : memref<64x128xf32, #tpu.memory_space<vmem>>, vector<1x16xf32>,
      %swap3A_148 = vector.shape_cast %swap3A_147 : vector<1x16xf32> to vector<16xf32>
      %swap3A_149 = vector.shape_cast %broadcast_in_dim3A_3 : vector<16xf32> to vector<1x16xf32>
      tpu.vector_store %arg9[%swap3A_145, %swap3A_146], %swap3A_149 {strides = array<i32>} : memref<64x128xf32, #tpu.memory_space<vmem>>, vector<1x16xf32>,
      %swap3A_150 = arith.index_cast %scan3A_115 : i32 to index
      %swap3A_151 = arith.constant 112 : index
      %swap3A_152 = tpu.vector_load %arg9[%swap3A_150, %swap3A_151] {strides = array<i32>} : memref<64x128xf32, #tpu.memory_space<vmem>>, vector<1x16xf32>,
      %swap3A_153 = vector.shape_cast %swap3A_152 : vector<1x16xf32> to vector<16xf32>
      %swap3A_154 = vector.shape_cast %broadcast_in_dim3A_3 : vector<16xf32> to vector<1x16xf32>
      tpu.vector_store %arg9[%swap3A_150, %swap3A_151], %swap3A_154 {strides = array<i32>} : memref<64x128xf32, #tpu.memory_space<vmem>>, vector<1x16xf32>,
    }
    %scan3A_8 = arith.constant 64 : i32
    %mul3A_9 = arith.constant 640 : i32
    %mul3A_10 = arith.muli %arg1, %mul3A_9 : i32
    %add3A_11 = arith.constant 0 : i32
    %add3A_12 = arith.addi %mul3A_10, %add3A_11 : i32
    "tpu.region"() ({
      %run_scoped3A_115 = tpu.sem_alloc : memref<!tpu.dma_semaphore, #tpu.memory_space<semaphore_mem>>
      %dma_start3A_116 = arith.constant 0 : i32
      %dma_start3A_117 = tpu.memref_slice %arg6[%add3A_12, %dma_start3A_116] : memref<10240x128xf32, #tpu.memory_space<vmem_shared>> -> memref<64x128xf32, #tpu.memory_space<vmem_shared>>
      %dma_start3A_118 = arith.constant 0 : i32
      %dma_start3A_119 = tpu.memref_slice %arg6[%add3A_12, %dma_start3A_118] : memref<10240x128xf32, #tpu.memory_space<vmem_shared>> -> memref<64x128xf32, #tpu.memory_space<vmem_shared>>
      tpu.enqueue_dma source(%arg9 : memref<64x128xf32, #tpu.memory_space<vmem>>) target(%dma_start3A_119 : memref<64x128xf32, #tpu.memory_space<vmem_shared>>) target_semaphore(%run_scoped3A_115 : memref<!tpu.dma_semaphore, #tpu.memory_space<semaphore_mem>>)
      %dma_wait3A = arith.constant 0 : i32
      %dma_wait3A_120 = tpu.memref_slice %arg6[%add3A_12, %dma_wait3A] : memref<10240x128xf32, #tpu.memory_space<vmem_shared>> -> memref<64x128xf32, #tpu.memory_space<vmem_shared>>
      %dma_wait3A_121 = arith.constant 0 : i32
      %dma_wait3A_122 = tpu.memref_slice %arg6[%add3A_12, %dma_wait3A_121] : memref<10240x128xf32, #tpu.memory_space<vmem_shared>> -> memref<64x128xf32, #tpu.memory_space<vmem_shared>>
      tpu.wait_dma2 semaphore(%run_scoped3A_115 : memref<!tpu.dma_semaphore, #tpu.memory_space<semaphore_mem>>) src(%arg9 : memref<64x128xf32, #tpu.memory_space<vmem>>) dst(%dma_wait3A_122 : memref<64x128xf32, #tpu.memory_space<vmem_shared>>)
      tpu.yield
    }) : () -> ()
    %mul3A_13 = arith.constant 640 : i32
    %mul3A_14 = arith.muli %arg1, %mul3A_13 : i32
    %add3A_15 = arith.constant 64 : i32
    %add3A_16 = arith.addi %mul3A_14, %add3A_15 : i32
    "tpu.region"() ({
      %run_scoped3A_115 = tpu.sem_alloc : memref<!tpu.dma_semaphore, #tpu.memory_space<semaphore_mem>>
      %dma_start3A_116 = arith.constant 0 : i32
      %dma_start3A_117 = tpu.memref_slice %arg6[%add3A_16, %dma_start3A_116] : memref<10240x128xf32, #tpu.memory_space<vmem_shared>> -> memref<64x128xf32, #tpu.memory_space<vmem_shared>>
      %dma_start3A_118 = arith.constant 0 : i32
      %dma_start3A_119 = tpu.memref_slice %arg6[%add3A_16, %dma_start3A_118] : memref<10240x128xf32, #tpu.memory_space<vmem_shared>> -> memref<64x128xf32, #tpu.memory_space<vmem_shared>>
      tpu.enqueue_dma source(%arg9 : memref<64x128xf32, #tpu.memory_space<vmem>>) target(%dma_start3A_119 : memref<64x128xf32, #tpu.memory_space<vmem_shared>>) target_semaphore(%run_scoped3A_115 : memref<!tpu.dma_semaphore, #tpu.memory_space<semaphore_mem>>)
      %dma_wait3A = arith.constant 0 : i32
      %dma_wait3A_120 = tpu.memref_slice %arg6[%add3A_16, %dma_wait3A] : memref<10240x128xf32, #tpu.memory_space<vmem_shared>> -> memref<64x128xf32, #tpu.memory_space<vmem_shared>>
      %dma_wait3A_121 = arith.constant 0 : i32
      %dma_wait3A_122 = tpu.memref_slice %arg6[%add3A_16, %dma_wait3A_121] : memref<10240x128xf32, #tpu.memory_space<vmem_shared>> -> memref<64x128xf32, #tpu.memory_space<vmem_shared>>
      tpu.wait_dma2 semaphore(%run_scoped3A_115 : memref<!tpu.dma_semaphore, #tpu.memory_space<semaphore_mem>>) src(%arg9 : memref<64x128xf32, #tpu.memory_space<vmem>>) dst(%dma_wait3A_122 : memref<64x128xf32, #tpu.memory_space<vmem_shared>>)
      tpu.yield
    }) : () -> ()
    %mul3A_17 = arith.constant 640 : i32
    %mul3A_18 = arith.muli %arg1, %mul3A_17 : i32
    %add3A_19 = arith.constant 128 : i32
    %add3A_20 = arith.addi %mul3A_18, %add3A_19 : i32
    "tpu.region"() ({
      %run_scoped3A_115 = tpu.sem_alloc : memref<!tpu.dma_semaphore, #tpu.memory_space<semaphore_mem>>
      %dma_start3A_116 = arith.constant 0 : i32
      %dma_start3A_117 = tpu.memref_slice %arg6[%add3A_20, %dma_start3A_116] : memref<10240x128xf32, #tpu.memory_space<vmem_shared>> -> memref<64x128xf32, #tpu.memory_space<vmem_shared>>
      %dma_start3A_118 = arith.constant 0 : i32
      %dma_start3A_119 = tpu.memref_slice %arg6[%add3A_20, %dma_start3A_118] : memref<10240x128xf32, #tpu.memory_space<vmem_shared>> -> memref<64x128xf32, #tpu.memory_space<vmem_shared>>
      tpu.enqueue_dma source(%arg9 : memref<64x128xf32, #tpu.memory_space<vmem>>) target(%dma_start3A_119 : memref<64x128xf32, #tpu.memory_space<vmem_shared>>) target_semaphore(%run_scoped3A_115 : memref<!tpu.dma_semaphore, #tpu.memory_space<semaphore_mem>>)
      %dma_wait3A = arith.constant 0 : i32
      %dma_wait3A_120 = tpu.memref_slice %arg6[%add3A_20, %dma_wait3A] : memref<10240x128xf32, #tpu.memory_space<vmem_shared>> -> memref<64x128xf32, #tpu.memory_space<vmem_shared>>
      %dma_wait3A_121 = arith.constant 0 : i32
      %dma_wait3A_122 = tpu.memref_slice %arg6[%add3A_20, %dma_wait3A_121] : memref<10240x128xf32, #tpu.memory_space<vmem_shared>> -> memref<64x128xf32, #tpu.memory_space<vmem_shared>>
      tpu.wait_dma2 semaphore(%run_scoped3A_115 : memref<!tpu.dma_semaphore, #tpu.memory_space<semaphore_mem>>) src(%arg9 : memref<64x128xf32, #tpu.memory_space<vmem>>) dst(%dma_wait3A_122 : memref<64x128xf32, #tpu.memory_space<vmem_shared>>)
      tpu.yield
    }) : () -> ()
    %mul3A_21 = arith.constant 640 : i32
    %mul3A_22 = arith.muli %arg1, %mul3A_21 : i32
    %add3A_23 = arith.constant 192 : i32
    %add3A_24 = arith.addi %mul3A_22, %add3A_23 : i32
    "tpu.region"() ({
      %run_scoped3A_115 = tpu.sem_alloc : memref<!tpu.dma_semaphore, #tpu.memory_space<semaphore_mem>>
      %dma_start3A_116 = arith.constant 0 : i32
      %dma_start3A_117 = tpu.memref_slice %arg6[%add3A_24, %dma_start3A_116] : memref<10240x128xf32, #tpu.memory_space<vmem_shared>> -> memref<64x128xf32, #tpu.memory_space<vmem_shared>>
      %dma_start3A_118 = arith.constant 0 : i32
      %dma_start3A_119 = tpu.memref_slice %arg6[%add3A_24, %dma_start3A_118] : memref<10240x128xf32, #tpu.memory_space<vmem_shared>> -> memref<64x128xf32, #tpu.memory_space<vmem_shared>>
      tpu.enqueue_dma source(%arg9 : memref<64x128xf32, #tpu.memory_space<vmem>>) target(%dma_start3A_119 : memref<64x128xf32, #tpu.memory_space<vmem_shared>>) target_semaphore(%run_scoped3A_115 : memref<!tpu.dma_semaphore, #tpu.memory_space<semaphore_mem>>)
      %dma_wait3A = arith.constant 0 : i32
      %dma_wait3A_120 = tpu.memref_slice %arg6[%add3A_24, %dma_wait3A] : memref<10240x128xf32, #tpu.memory_space<vmem_shared>> -> memref<64x128xf32, #tpu.memory_space<vmem_shared>>
      %dma_wait3A_121 = arith.constant 0 : i32
      %dma_wait3A_122 = tpu.memref_slice %arg6[%add3A_24, %dma_wait3A_121] : memref<10240x128xf32, #tpu.memory_space<vmem_shared>> -> memref<64x128xf32, #tpu.memory_space<vmem_shared>>
      tpu.wait_dma2 semaphore(%run_scoped3A_115 : memref<!tpu.dma_semaphore, #tpu.memory_space<semaphore_mem>>) src(%arg9 : memref<64x128xf32, #tpu.memory_space<vmem>>) dst(%dma_wait3A_122 : memref<64x128xf32, #tpu.memory_space<vmem_shared>>)
      tpu.yield
    }) : () -> ()
    %mul3A_25 = arith.constant 640 : i32
    %mul3A_26 = arith.muli %arg1, %mul3A_25 : i32
    %add3A_27 = arith.constant 256 : i32
    %add3A_28 = arith.addi %mul3A_26, %add3A_27 : i32
    "tpu.region"() ({
      %run_scoped3A_115 = tpu.sem_alloc : memref<!tpu.dma_semaphore, #tpu.memory_space<semaphore_mem>>
      %dma_start3A_116 = arith.constant 0 : i32
      %dma_start3A_117 = tpu.memref_slice %arg6[%add3A_28, %dma_start3A_116] : memref<10240x128xf32, #tpu.memory_space<vmem_shared>> -> memref<64x128xf32, #tpu.memory_space<vmem_shared>>
      %dma_start3A_118 = arith.constant 0 : i32
      %dma_start3A_119 = tpu.memref_slice %arg6[%add3A_28, %dma_start3A_118] : memref<10240x128xf32, #tpu.memory_space<vmem_shared>> -> memref<64x128xf32, #tpu.memory_space<vmem_shared>>
      tpu.enqueue_dma source(%arg9 : memref<64x128xf32, #tpu.memory_space<vmem>>) target(%dma_start3A_119 : memref<64x128xf32, #tpu.memory_space<vmem_shared>>) target_semaphore(%run_scoped3A_115 : memref<!tpu.dma_semaphore, #tpu.memory_space<semaphore_mem>>)
      %dma_wait3A = arith.constant 0 : i32
      %dma_wait3A_120 = tpu.memref_slice %arg6[%add3A_28, %dma_wait3A] : memref<10240x128xf32, #tpu.memory_space<vmem_shared>> -> memref<64x128xf32, #tpu.memory_space<vmem_shared>>
      %dma_wait3A_121 = arith.constant 0 : i32
      %dma_wait3A_122 = tpu.memref_slice %arg6[%add3A_28, %dma_wait3A_121] : memref<10240x128xf32, #tpu.memory_space<vmem_shared>> -> memref<64x128xf32, #tpu.memory_space<vmem_shared>>
      tpu.wait_dma2 semaphore(%run_scoped3A_115 : memref<!tpu.dma_semaphore, #tpu.memory_space<semaphore_mem>>) src(%arg9 : memref<64x128xf32, #tpu.memory_space<vmem>>) dst(%dma_wait3A_122 : memref<64x128xf32, #tpu.memory_space<vmem_shared>>)
      tpu.yield
    }) : () -> ()
    %mul3A_29 = arith.constant 640 : i32
    %mul3A_30 = arith.muli %arg1, %mul3A_29 : i32
    %add3A_31 = arith.constant 320 : i32
    %add3A_32 = arith.addi %mul3A_30, %add3A_31 : i32
    "tpu.region"() ({
      %run_scoped3A_115 = tpu.sem_alloc : memref<!tpu.dma_semaphore, #tpu.memory_space<semaphore_mem>>
      %dma_start3A_116 = arith.constant 0 : i32
      %dma_start3A_117 = tpu.memref_slice %arg6[%add3A_32, %dma_start3A_116] : memref<10240x128xf32, #tpu.memory_space<vmem_shared>> -> memref<64x128xf32, #tpu.memory_space<vmem_shared>>
      %dma_start3A_118 = arith.constant 0 : i32
      %dma_start3A_119 = tpu.memref_slice %arg6[%add3A_32, %dma_start3A_118] : memref<10240x128xf32, #tpu.memory_space<vmem_shared>> -> memref<64x128xf32, #tpu.memory_space<vmem_shared>>
      tpu.enqueue_dma source(%arg9 : memref<64x128xf32, #tpu.memory_space<vmem>>) target(%dma_start3A_119 : memref<64x128xf32, #tpu.memory_space<vmem_shared>>) target_semaphore(%run_scoped3A_115 : memref<!tpu.dma_semaphore, #tpu.memory_space<semaphore_mem>>)
      %dma_wait3A = arith.constant 0 : i32
      %dma_wait3A_120 = tpu.memref_slice %arg6[%add3A_32, %dma_wait3A] : memref<10240x128xf32, #tpu.memory_space<vmem_shared>> -> memref<64x128xf32, #tpu.memory_space<vmem_shared>>
      %dma_wait3A_121 = arith.constant 0 : i32
      %dma_wait3A_122 = tpu.memref_slice %arg6[%add3A_32, %dma_wait3A_121] : memref<10240x128xf32, #tpu.memory_space<vmem_shared>> -> memref<64x128xf32, #tpu.memory_space<vmem_shared>>
      tpu.wait_dma2 semaphore(%run_scoped3A_115 : memref<!tpu.dma_semaphore, #tpu.memory_space<semaphore_mem>>) src(%arg9 : memref<64x128xf32, #tpu.memory_space<vmem>>) dst(%dma_wait3A_122 : memref<64x128xf32, #tpu.memory_space<vmem_shared>>)
      tpu.yield
    }) : () -> ()
    %mul3A_33 = arith.constant 640 : i32
    %mul3A_34 = arith.muli %arg1, %mul3A_33 : i32
    %add3A_35 = arith.constant 384 : i32
    %add3A_36 = arith.addi %mul3A_34, %add3A_35 : i32
    "tpu.region"() ({
      %run_scoped3A_115 = tpu.sem_alloc : memref<!tpu.dma_semaphore, #tpu.memory_space<semaphore_mem>>
      %dma_start3A_116 = arith.constant 0 : i32
      %dma_start3A_117 = tpu.memref_slice %arg6[%add3A_36, %dma_start3A_116] : memref<10240x128xf32, #tpu.memory_space<vmem_shared>> -> memref<64x128xf32, #tpu.memory_space<vmem_shared>>
      %dma_start3A_118 = arith.constant 0 : i32
      %dma_start3A_119 = tpu.memref_slice %arg6[%add3A_36, %dma_start3A_118] : memref<10240x128xf32, #tpu.memory_space<vmem_shared>> -> memref<64x128xf32, #tpu.memory_space<vmem_shared>>
      tpu.enqueue_dma source(%arg9 : memref<64x128xf32, #tpu.memory_space<vmem>>) target(%dma_start3A_119 : memref<64x128xf32, #tpu.memory_space<vmem_shared>>) target_semaphore(%run_scoped3A_115 : memref<!tpu.dma_semaphore, #tpu.memory_space<semaphore_mem>>)
      %dma_wait3A = arith.constant 0 : i32
      %dma_wait3A_120 = tpu.memref_slice %arg6[%add3A_36, %dma_wait3A] : memref<10240x128xf32, #tpu.memory_space<vmem_shared>> -> memref<64x128xf32, #tpu.memory_space<vmem_shared>>
      %dma_wait3A_121 = arith.constant 0 : i32
      %dma_wait3A_122 = tpu.memref_slice %arg6[%add3A_36, %dma_wait3A_121] : memref<10240x128xf32, #tpu.memory_space<vmem_shared>> -> memref<64x128xf32, #tpu.memory_space<vmem_shared>>
      tpu.wait_dma2 semaphore(%run_scoped3A_115 : memref<!tpu.dma_semaphore, #tpu.memory_space<semaphore_mem>>) src(%arg9 : memref<64x128xf32, #tpu.memory_space<vmem>>) dst(%dma_wait3A_122 : memref<64x128xf32, #tpu.memory_space<vmem_shared>>)
      tpu.yield
    }) : () -> ()
    %mul3A_37 = arith.constant 640 : i32
    %mul3A_38 = arith.muli %arg1, %mul3A_37 : i32
    %add3A_39 = arith.constant 448 : i32
    %add3A_40 = arith.addi %mul3A_38, %add3A_39 : i32
    "tpu.region"() ({
      %run_scoped3A_115 = tpu.sem_alloc : memref<!tpu.dma_semaphore, #tpu.memory_space<semaphore_mem>>
      %dma_start3A_116 = arith.constant 0 : i32
      %dma_start3A_117 = tpu.memref_slice %arg6[%add3A_40, %dma_start3A_116] : memref<10240x128xf32, #tpu.memory_space<vmem_shared>> -> memref<64x128xf32, #tpu.memory_space<vmem_shared>>
      %dma_start3A_118 = arith.constant 0 : i32
      %dma_start3A_119 = tpu.memref_slice %arg6[%add3A_40, %dma_start3A_118] : memref<10240x128xf32, #tpu.memory_space<vmem_shared>> -> memref<64x128xf32, #tpu.memory_space<vmem_shared>>
      tpu.enqueue_dma source(%arg9 : memref<64x128xf32, #tpu.memory_space<vmem>>) target(%dma_start3A_119 : memref<64x128xf32, #tpu.memory_space<vmem_shared>>) target_semaphore(%run_scoped3A_115 : memref<!tpu.dma_semaphore, #tpu.memory_space<semaphore_mem>>)
      %dma_wait3A = arith.constant 0 : i32
      %dma_wait3A_120 = tpu.memref_slice %arg6[%add3A_40, %dma_wait3A] : memref<10240x128xf32, #tpu.memory_space<vmem_shared>> -> memref<64x128xf32, #tpu.memory_space<vmem_shared>>
      %dma_wait3A_121 = arith.constant 0 : i32
      %dma_wait3A_122 = tpu.memref_slice %arg6[%add3A_40, %dma_wait3A_121] : memref<10240x128xf32, #tpu.memory_space<vmem_shared>> -> memref<64x128xf32, #tpu.memory_space<vmem_shared>>
      tpu.wait_dma2 semaphore(%run_scoped3A_115 : memref<!tpu.dma_semaphore, #tpu.memory_space<semaphore_mem>>) src(%arg9 : memref<64x128xf32, #tpu.memory_space<vmem>>) dst(%dma_wait3A_122 : memref<64x128xf32, #tpu.memory_space<vmem_shared>>)
      tpu.yield
    }) : () -> ()
    %mul3A_41 = arith.constant 640 : i32
    %mul3A_42 = arith.muli %arg1, %mul3A_41 : i32
    %add3A_43 = arith.constant 512 : i32
    %add3A_44 = arith.addi %mul3A_42, %add3A_43 : i32
    "tpu.region"() ({
      %run_scoped3A_115 = tpu.sem_alloc : memref<!tpu.dma_semaphore, #tpu.memory_space<semaphore_mem>>
      %dma_start3A_116 = arith.constant 0 : i32
      %dma_start3A_117 = tpu.memref_slice %arg6[%add3A_44, %dma_start3A_116] : memref<10240x128xf32, #tpu.memory_space<vmem_shared>> -> memref<64x128xf32, #tpu.memory_space<vmem_shared>>
      %dma_start3A_118 = arith.constant 0 : i32
      %dma_start3A_119 = tpu.memref_slice %arg6[%add3A_44, %dma_start3A_118] : memref<10240x128xf32, #tpu.memory_space<vmem_shared>> -> memref<64x128xf32, #tpu.memory_space<vmem_shared>>
      tpu.enqueue_dma source(%arg9 : memref<64x128xf32, #tpu.memory_space<vmem>>) target(%dma_start3A_119 : memref<64x128xf32, #tpu.memory_space<vmem_shared>>) target_semaphore(%run_scoped3A_115 : memref<!tpu.dma_semaphore, #tpu.memory_space<semaphore_mem>>)
      %dma_wait3A = arith.constant 0 : i32
      %dma_wait3A_120 = tpu.memref_slice %arg6[%add3A_44, %dma_wait3A] : memref<10240x128xf32, #tpu.memory_space<vmem_shared>> -> memref<64x128xf32, #tpu.memory_space<vmem_shared>>
      %dma_wait3A_121 = arith.constant 0 : i32
      %dma_wait3A_122 = tpu.memref_slice %arg6[%add3A_44, %dma_wait3A_121] : memref<10240x128xf32, #tpu.memory_space<vmem_shared>> -> memref<64x128xf32, #tpu.memory_space<vmem_shared>>
      tpu.wait_dma2 semaphore(%run_scoped3A_115 : memref<!tpu.dma_semaphore, #tpu.memory_space<semaphore_mem>>) src(%arg9 : memref<64x128xf32, #tpu.memory_space<vmem>>) dst(%dma_wait3A_122 : memref<64x128xf32, #tpu.memory_space<vmem_shared>>)
      tpu.yield
    }) : () -> ()
    %mul3A_45 = arith.constant 640 : i32
    %mul3A_46 = arith.muli %arg1, %mul3A_45 : i32
    %add3A_47 = arith.constant 576 : i32
    %add3A_48 = arith.addi %mul3A_46, %add3A_47 : i32
    "tpu.region"() ({
      %run_scoped3A_115 = tpu.sem_alloc : memref<!tpu.dma_semaphore, #tpu.memory_space<semaphore_mem>>
      %dma_start3A_116 = arith.constant 0 : i32
      %dma_start3A_117 = tpu.memref_slice %arg6[%add3A_48, %dma_start3A_116] : memref<10240x128xf32, #tpu.memory_space<vmem_shared>> -> memref<64x128xf32, #tpu.memory_space<vmem_shared>>
      %dma_start3A_118 = arith.constant 0 : i32
      %dma_start3A_119 = tpu.memref_slice %arg6[%add3A_48, %dma_start3A_118] : memref<10240x128xf32, #tpu.memory_space<vmem_shared>> -> memref<64x128xf32, #tpu.memory_space<vmem_shared>>
      tpu.enqueue_dma source(%arg9 : memref<64x128xf32, #tpu.memory_space<vmem>>) target(%dma_start3A_119 : memref<64x128xf32, #tpu.memory_space<vmem_shared>>) target_semaphore(%run_scoped3A_115 : memref<!tpu.dma_semaphore, #tpu.memory_space<semaphore_mem>>)
      %dma_wait3A = arith.constant 0 : i32
      %dma_wait3A_120 = tpu.memref_slice %arg6[%add3A_48, %dma_wait3A] : memref<10240x128xf32, #tpu.memory_space<vmem_shared>> -> memref<64x128xf32, #tpu.memory_space<vmem_shared>>
      %dma_wait3A_121 = arith.constant 0 : i32
      %dma_wait3A_122 = tpu.memref_slice %arg6[%add3A_48, %dma_wait3A_121] : memref<10240x128xf32, #tpu.memory_space<vmem_shared>> -> memref<64x128xf32, #tpu.memory_space<vmem_shared>>
      tpu.wait_dma2 semaphore(%run_scoped3A_115 : memref<!tpu.dma_semaphore, #tpu.memory_space<semaphore_mem>>) src(%arg9 : memref<64x128xf32, #tpu.memory_space<vmem>>) dst(%dma_wait3A_122 : memref<64x128xf32, #tpu.memory_space<vmem_shared>>)
      tpu.yield
    }) : () -> ()
    %barrier3A = arith.constant 0 : index
    tpu.barrier barrier_id(%barrier3A)
    %add3A_49 = arith.constant 0 : i32
    %add3A_50 = arith.addi %mul3A_2, %add3A_49 : i32
    %dma_start3A = arith.constant 0 : i32
    %dma_start3A_51 = arith.constant 0 : i32
    %dma_start3A_52 = arith.constant 0 : i32
    %dma_start3A_53 = tpu.memref_slice %arg7[%dma_start3A, %dma_start3A_51, %dma_start3A_52] : memref<2x64x128xf32, #tpu.memory_space<vmem>> -> memref<1x64x128xf32, #tpu.memory_space<vmem>>
    %dma_start3A_54 = tpu.memref_squeeze %dma_start3A_53 : memref<1x64x128xf32, #tpu.memory_space<vmem>> -> memref<64x128xf32, #tpu.memory_space<vmem>>
    %dma_start3A_55 = arith.constant 0 : i32
    %dma_start3A_56 = tpu.memref_slice %arg2[%add3A_50, %dma_start3A_55] : memref<320000x128xf32, #tpu.memory_space<hbm>> -> memref<64x128xf32, #tpu.memory_space<hbm>>
    %dma_start3A_57 = arith.constant 0 : i32
    %dma_start3A_58 = arith.constant 0 : i32
    %dma_start3A_59 = tpu.memref_slice %arg7[%dma_start3A, %dma_start3A_57, %dma_start3A_58] : memref<2x64x128xf32, #tpu.memory_space<vmem>> -> memref<1x64x128xf32, #tpu.memory_space<vmem>>
    %dma_start3A_60 = tpu.memref_squeeze %dma_start3A_59 : memref<1x64x128xf32, #tpu.memory_space<vmem>> -> memref<64x128xf32, #tpu.memory_space<vmem>>
    %dma_start3A_61 = arith.constant 0 : i32
    %dma_start3A_62 = tpu.memref_slice %arg2[%add3A_50, %dma_start3A_61] : memref<320000x128xf32, #tpu.memory_space<hbm>> -> memref<64x128xf32, #tpu.memory_space<hbm>>
    tpu.enqueue_dma source(%dma_start3A_62 : memref<64x128xf32, #tpu.memory_space<hbm>>) target(%dma_start3A_60 : memref<64x128xf32, #tpu.memory_space<vmem>>) target_semaphore(%arg12 : memref<!tpu.dma_semaphore, #tpu.memory_space<semaphore_mem>>)
    %dma_start3A_63 = arith.constant 0 : i32
    %dma_start3A_64 = arith.constant 0 : i32
    %dma_start3A_65 = tpu.memref_slice %arg8[%dma_start3A_63, %dma_start3A_64] : memref<2x64xi32, #tpu.memory_space<vmem>> -> memref<1x64xi32, #tpu.memory_space<vmem>>
    %dma_start3A_66 = tpu.memref_squeeze %dma_start3A_65 : memref<1x64xi32, #tpu.memory_space<vmem>> -> memref<64xi32, #tpu.memory_space<vmem>>
    %dma_start3A_67 = tpu.memref_slice %arg3[%add3A_50] : memref<320000xi32, #tpu.memory_space<hbm>> -> memref<64xi32, #tpu.memory_space<hbm>>
    %dma_start3A_68 = arith.constant 0 : i32
    %dma_start3A_69 = tpu.memref_slice %arg8[%dma_start3A_63, %dma_start3A_68] : memref<2x64xi32, #tpu.memory_space<vmem>> -> memref<1x64xi32, #tpu.memory_space<vmem>>
    %dma_start3A_70 = tpu.memref_squeeze %dma_start3A_69 : memref<1x64xi32, #tpu.memory_space<vmem>> -> memref<64xi32, #tpu.memory_space<vmem>>
    %dma_start3A_71 = tpu.memref_slice %arg3[%add3A_50] : memref<320000xi32, #tpu.memory_space<hbm>> -> memref<64xi32, #tpu.memory_space<hbm>>
    tpu.enqueue_dma source(%dma_start3A_71 : memref<64xi32, #tpu.memory_space<hbm>>) target(%dma_start3A_70 : memref<64xi32, #tpu.memory_space<vmem>>) target_semaphore(%arg14 : memref<!tpu.dma_semaphore, #tpu.memory_space<semaphore_mem>>)
    %add3A_72 = arith.constant 64 : i32
    %add3A_73 = arith.addi %mul3A_2, %add3A_72 : i32
    %dma_start3A_74 = arith.constant 1 : i32
    %dma_start3A_75 = arith.constant 0 : i32
    %dma_start3A_76 = arith.constant 0 : i32
    %dma_start3A_77 = tpu.memref_slice %arg7[%dma_start3A_74, %dma_start3A_75, %dma_start3A_76] : memref<2x64x128xf32, #tpu.memory_space<vmem>> -> memref<1x64x128xf32, #tpu.memory_space<vmem>>
    %dma_start3A_78 = tpu.memref_squeeze %dma_start3A_77 : memref<1x64x128xf32, #tpu.memory_space<vmem>> -> memref<64x128xf32, #tpu.memory_space<vmem>>
    %dma_start3A_79 = arith.constant 0 : i32
    %dma_start3A_80 = tpu.memref_slice %arg2[%add3A_73, %dma_start3A_79] : memref<320000x128xf32, #tpu.memory_space<hbm>> -> memref<64x128xf32, #tpu.memory_space<hbm>>
    %dma_start3A_81 = arith.constant 0 : i32
    %dma_start3A_82 = arith.constant 0 : i32
    %dma_start3A_83 = tpu.memref_slice %arg7[%dma_start3A_74, %dma_start3A_81, %dma_start3A_82] : memref<2x64x128xf32, #tpu.memory_space<vmem>> -> memref<1x64x128xf32, #tpu.memory_space<vmem>>
    %dma_start3A_84 = tpu.memref_squeeze %dma_start3A_83 : memref<1x64x128xf32, #tpu.memory_space<vmem>> -> memref<64x128xf32, #tpu.memory_space<vmem>>
    %dma_start3A_85 = arith.constant 0 : i32
    %dma_start3A_86 = tpu.memref_slice %arg2[%add3A_73, %dma_start3A_85] : memref<320000x128xf32, #tpu.memory_space<hbm>> -> memref<64x128xf32, #tpu.memory_space<hbm>>
    tpu.enqueue_dma source(%dma_start3A_86 : memref<64x128xf32, #tpu.memory_space<hbm>>) target(%dma_start3A_84 : memref<64x128xf32, #tpu.memory_space<vmem>>) target_semaphore(%arg13 : memref<!tpu.dma_semaphore, #tpu.memory_space<semaphore_mem>>)
    %dma_start3A_87 = arith.constant 1 : i32
    %dma_start3A_88 = arith.constant 0 : i32
    %dma_start3A_89 = tpu.memref_slice %arg8[%dma_start3A_87, %dma_start3A_88] : memref<2x64xi32, #tpu.memory_space<vmem>> -> memref<1x64xi32, #tpu.memory_space<vmem>>
    %dma_start3A_90 = tpu.memref_squeeze %dma_start3A_89 : memref<1x64xi32, #tpu.memory_space<vmem>> -> memref<64xi32, #tpu.memory_space<vmem>>
    %dma_start3A_91 = tpu.memref_slice %arg3[%add3A_73] : memref<320000xi32, #tpu.memory_space<hbm>> -> memref<64xi32, #tpu.memory_space<hbm>>
    %dma_start3A_92 = arith.constant 0 : i32
    %dma_start3A_93 = tpu.memref_slice %arg8[%dma_start3A_87, %dma_start3A_92] : memref<2x64xi32, #tpu.memory_space<vmem>> -> memref<1x64xi32, #tpu.memory_space<vmem>>
    %dma_start3A_94 = tpu.memref_squeeze %dma_start3A_93 : memref<1x64xi32, #tpu.memory_space<vmem>> -> memref<64xi32, #tpu.memory_space<vmem>>
    %dma_start3A_95 = tpu.memref_slice %arg3[%add3A_73] : memref<320000xi32, #tpu.memory_space<hbm>> -> memref<64xi32, #tpu.memory_space<hbm>>
    tpu.enqueue_dma source(%dma_start3A_95 : memref<64xi32, #tpu.memory_space<hbm>>) target(%dma_start3A_94 : memref<64xi32, #tpu.memory_space<vmem>>) target_semaphore(%arg15 : memref<!tpu.dma_semaphore, #tpu.memory_space<semaphore_mem>>)
    %scan3A_96 = arith.constant 0 : i32
    %scan3A_97 = arith.constant 0 : i32
    %scan3A_98 = arith.constant 78 : i32
    %scan3A_99 = arith.addi %scan3A_97, %scan3A_98 : i32
    %scan3A_100 = arith.constant 1 : i32
    scf.for %scan3A_115 = %scan3A_97 to %scan3A_99 step %scan3A_100  : i32 {
      %mul3A_116 = arith.constant 2 : i32
      %mul3A_117 = arith.muli %scan3A_115, %mul3A_116 : i32
      %add3A_118 = arith.constant 0 : i32
      %add3A_119 = arith.addi %mul3A_117, %add3A_118 : i32
      %dma_wait3A = arith.constant 0 : i32
      %dma_wait3A_120 = arith.constant 0 : i32
      %dma_wait3A_121 = arith.constant 0 : i32
      %dma_wait3A_122 = tpu.memref_slice %arg7[%dma_wait3A, %dma_wait3A_120, %dma_wait3A_121] : memref<2x64x128xf32, #tpu.memory_space<vmem>> -> memref<1x64x128xf32, #tpu.memory_space<vmem>>
      %dma_wait3A_123 = tpu.memref_squeeze %dma_wait3A_122 : memref<1x64x128xf32, #tpu.memory_space<vmem>> -> memref<64x128xf32, #tpu.memory_space<vmem>>
      %dma_wait3A_124 = arith.constant 0 : i32
      %dma_wait3A_125 = arith.constant 0 : i32
      %dma_wait3A_126 = tpu.memref_slice %arg2[%dma_wait3A_124, %dma_wait3A_125] : memref<320000x128xf32, #tpu.memory_space<hbm>> -> memref<64x128xf32, #tpu.memory_space<hbm>>
      %dma_wait3A_127 = arith.constant 0 : i32
      %dma_wait3A_128 = arith.constant 0 : i32
      %dma_wait3A_129 = tpu.memref_slice %arg7[%dma_wait3A, %dma_wait3A_127, %dma_wait3A_128] : memref<2x64x128xf32, #tpu.memory_space<vmem>> -> memref<1x64x128xf32, #tpu.memory_space<vmem>>
      %dma_wait3A_130 = tpu.memref_squeeze %dma_wait3A_129 : memref<1x64x128xf32, #tpu.memory_space<vmem>> -> memref<64x128xf32, #tpu.memory_space<vmem>>
      %dma_wait3A_131 = arith.constant 0 : i32
      %dma_wait3A_132 = arith.constant 0 : i32
      %dma_wait3A_133 = tpu.memref_slice %arg2[%dma_wait3A_131, %dma_wait3A_132] : memref<320000x128xf32, #tpu.memory_space<hbm>> -> memref<64x128xf32, #tpu.memory_space<hbm>>
      tpu.wait_dma2 semaphore(%arg12 : memref<!tpu.dma_semaphore, #tpu.memory_space<semaphore_mem>>) src(%dma_wait3A_133 : memref<64x128xf32, #tpu.memory_space<hbm>>) dst(%dma_wait3A_130 : memref<64x128xf32, #tpu.memory_space<vmem>>)
      %dma_wait3A_134 = arith.constant 0 : i32
      %dma_wait3A_135 = arith.constant 0 : i32
      %dma_wait3A_136 = tpu.memref_slice %arg8[%dma_wait3A_134, %dma_wait3A_135] : memref<2x64xi32, #tpu.memory_space<vmem>> -> memref<1x64xi32, #tpu.memory_space<vmem>>
      %dma_wait3A_137 = tpu.memref_squeeze %dma_wait3A_136 : memref<1x64xi32, #tpu.memory_space<vmem>> -> memref<64xi32, #tpu.memory_space<vmem>>
      %dma_wait3A_138 = arith.constant 0 : i32
      %dma_wait3A_139 = tpu.memref_slice %arg3[%dma_wait3A_138] : memref<320000xi32, #tpu.memory_space<hbm>> -> memref<64xi32, #tpu.memory_space<hbm>>
      %dma_wait3A_140 = arith.constant 0 : i32
      %dma_wait3A_141 = tpu.memref_slice %arg8[%dma_wait3A_134, %dma_wait3A_140] : memref<2x64xi32, #tpu.memory_space<vmem>> -> memref<1x64xi32, #tpu.memory_space<vmem>>
      %dma_wait3A_142 = tpu.memref_squeeze %dma_wait3A_141 : memref<1x64xi32, #tpu.memory_space<vmem>> -> memref<64xi32, #tpu.memory_space<vmem>>
      %dma_wait3A_143 = arith.constant 0 : i32
      %dma_wait3A_144 = tpu.memref_slice %arg3[%dma_wait3A_143] : memref<320000xi32, #tpu.memory_space<hbm>> -> memref<64xi32, #tpu.memory_space<hbm>>
      tpu.wait_dma2 semaphore(%arg14 : memref<!tpu.dma_semaphore, #tpu.memory_space<semaphore_mem>>) src(%dma_wait3A_144 : memref<64xi32, #tpu.memory_space<hbm>>) dst(%dma_wait3A_142 : memref<64xi32, #tpu.memory_space<vmem>>)
      %run_scoped3A_145 = arith.constant 0 : i32
      %run_scoped3A_146 = arith.constant 0 : i32
      "tpu.region"() ({
        %run_scoped3A_192 = tpu.sem_alloc : memref<!tpu.dma_semaphore, #tpu.memory_space<semaphore_mem>>
        %dma_start3A_193 = arith.constant 0 : i32
        %dma_start3A_194 = arith.constant 0 : i32
        %dma_start3A_195 = tpu.memref_slice %arg7[%run_scoped3A_145, %dma_start3A_193, %dma_start3A_194] : memref<2x64x128xf32, #tpu.memory_space<vmem>> -> memref<1x64x128xf32, #tpu.memory_space<vmem>>
        %dma_start3A_196 = tpu.memref_squeeze %dma_start3A_195 : memref<1x64x128xf32, #tpu.memory_space<vmem>> -> memref<64x128xf32, #tpu.memory_space<vmem>>
        %dma_start3A_197 = arith.constant 0 : i32
        %dma_start3A_198 = tpu.memref_slice %arg8[%run_scoped3A_146, %dma_start3A_197] : memref<2x64xi32, #tpu.memory_space<vmem>> -> memref<1x64xi32, #tpu.memory_space<vmem>>
        %dma_start3A_199 = tpu.memref_squeeze %dma_start3A_198 : memref<1x64xi32, #tpu.memory_space<vmem>> -> memref<64xi32, #tpu.memory_space<vmem>>
        %dma_start3A_200 = arith.constant 0 : i32
        %dma_start3A_201 = arith.constant 0 : i32
        %dma_start3A_202 = tpu.memref_slice %arg6[%dma_start3A_200, %dma_start3A_201] : memref<10240x128xf32, #tpu.memory_space<vmem_shared>> -> memref<10240x128xf32, #tpu.memory_space<vmem_shared>>
        tpu.enqueue_indirect_dma source(%dma_start3A_196 : memref<64x128xf32, #tpu.memory_space<vmem>>) target(%dma_start3A_202 : memref<10240x128xf32, #tpu.memory_space<vmem_shared>>) offsets(%dma_start3A_199 : memref<64xi32, #tpu.memory_space<vmem>>) semaphore(%run_scoped3A_192 : memref<!tpu.dma_semaphore, #tpu.memory_space<semaphore_mem>>) {add = true}
        %dma_wait3A_203 = arith.constant 0 : i32
        %dma_wait3A_204 = arith.constant 0 : i32
        %dma_wait3A_205 = tpu.memref_slice %arg7[%run_scoped3A_145, %dma_wait3A_203, %dma_wait3A_204] : memref<2x64x128xf32, #tpu.memory_space<vmem>> -> memref<1x64x128xf32, #tpu.memory_space<vmem>>
        %dma_wait3A_206 = tpu.memref_squeeze %dma_wait3A_205 : memref<1x64x128xf32, #tpu.memory_space<vmem>> -> memref<64x128xf32, #tpu.memory_space<vmem>>
        %dma_wait3A_207 = arith.constant 0 : i32
        %dma_wait3A_208 = tpu.memref_slice %arg8[%run_scoped3A_146, %dma_wait3A_207] : memref<2x64xi32, #tpu.memory_space<vmem>> -> memref<1x64xi32, #tpu.memory_space<vmem>>
        %dma_wait3A_209 = tpu.memref_squeeze %dma_wait3A_208 : memref<1x64xi32, #tpu.memory_space<vmem>> -> memref<64xi32, #tpu.memory_space<vmem>>
        %dma_wait3A_210 = arith.constant 0 : i32
        %dma_wait3A_211 = arith.constant 0 : i32
        %dma_wait3A_212 = tpu.memref_slice %arg6[%dma_wait3A_210, %dma_wait3A_211] : memref<10240x128xf32, #tpu.memory_space<vmem_shared>> -> memref<10240x128xf32, #tpu.memory_space<vmem_shared>>
        tpu.wait_indirect_dma semaphore(%run_scoped3A_192 : memref<!tpu.dma_semaphore, #tpu.memory_space<semaphore_mem>>) src(%dma_wait3A_206 : memref<64x128xf32, #tpu.memory_space<vmem>>) dst(%dma_wait3A_212 : memref<10240x128xf32, #tpu.memory_space<vmem_shared>>)
        tpu.yield
      }) : () -> ()
      %add3A_147 = arith.constant 2 : i32
      %add3A_148 = arith.addi %add3A_119, %add3A_147 : i32
      %lt3A = arith.constant 156 : i32
      %lt3A_149 = arith.cmpi slt, %add3A_148, %lt3A : i32
      %convert_element_type3A_150 = arith.extui %lt3A_149 : i1 to i32
      %cond3A_151 = arith.constant 0 : i32
      %cond3A_152 = arith.cmpi ne, %convert_element_type3A_150, %cond3A_151 : i32
      scf.if %cond3A_152 {
        %add3A_192 = arith.constant 2 : i32
        %add3A_193 = arith.addi %add3A_119, %add3A_192 : i32
        %mul3A_194 = arith.constant 64 : i32
        %mul3A_195 = arith.muli %add3A_193, %mul3A_194 : i32
        %add3A_196 = arith.addi %mul3A_2, %mul3A_195 : i32
        %dma_start3A_197 = arith.constant 0 : i32
        %dma_start3A_198 = arith.constant 0 : i32
        %dma_start3A_199 = arith.constant 0 : i32
        %dma_start3A_200 = tpu.memref_slice %arg7[%dma_start3A_197, %dma_start3A_198, %dma_start3A_199] : memref<2x64x128xf32, #tpu.memory_space<vmem>> -> memref<1x64x128xf32, #tpu.memory_space<vmem>>
        %dma_start3A_201 = tpu.memref_squeeze %dma_start3A_200 : memref<1x64x128xf32, #tpu.memory_space<vmem>> -> memref<64x128xf32, #tpu.memory_space<vmem>>
        %dma_start3A_202 = arith.constant 0 : i32
        %dma_start3A_203 = tpu.memref_slice %arg2[%add3A_196, %dma_start3A_202] : memref<320000x128xf32, #tpu.memory_space<hbm>> -> memref<64x128xf32, #tpu.memory_space<hbm>>
        %dma_start3A_204 = arith.constant 0 : i32
        %dma_start3A_205 = arith.constant 0 : i32
        %dma_start3A_206 = tpu.memref_slice %arg7[%dma_start3A_197, %dma_start3A_204, %dma_start3A_205] : memref<2x64x128xf32, #tpu.memory_space<vmem>> -> memref<1x64x128xf32, #tpu.memory_space<vmem>>
        %dma_start3A_207 = tpu.memref_squeeze %dma_start3A_206 : memref<1x64x128xf32, #tpu.memory_space<vmem>> -> memref<64x128xf32, #tpu.memory_space<vmem>>
        %dma_start3A_208 = arith.constant 0 : i32
        %dma_start3A_209 = tpu.memref_slice %arg2[%add3A_196, %dma_start3A_208] : memref<320000x128xf32, #tpu.memory_space<hbm>> -> memref<64x128xf32, #tpu.memory_space<hbm>>
        tpu.enqueue_dma source(%dma_start3A_209 : memref<64x128xf32, #tpu.memory_space<hbm>>) target(%dma_start3A_207 : memref<64x128xf32, #tpu.memory_space<vmem>>) target_semaphore(%arg12 : memref<!tpu.dma_semaphore, #tpu.memory_space<semaphore_mem>>)
        %dma_start3A_210 = arith.constant 0 : i32
        %dma_start3A_211 = arith.constant 0 : i32
        %dma_start3A_212 = tpu.memref_slice %arg8[%dma_start3A_210, %dma_start3A_211] : memref<2x64xi32, #tpu.memory_space<vmem>> -> memref<1x64xi32, #tpu.memory_space<vmem>>
        %dma_start3A_213 = tpu.memref_squeeze %dma_start3A_212 : memref<1x64xi32, #tpu.memory_space<vmem>> -> memref<64xi32, #tpu.memory_space<vmem>>
        %dma_start3A_214 = tpu.memref_slice %arg3[%add3A_196] : memref<320000xi32, #tpu.memory_space<hbm>> -> memref<64xi32, #tpu.memory_space<hbm>>
        %dma_start3A_215 = arith.constant 0 : i32
        %dma_start3A_216 = tpu.memref_slice %arg8[%dma_start3A_210, %dma_start3A_215] : memref<2x64xi32, #tpu.memory_space<vmem>> -> memref<1x64xi32, #tpu.memory_space<vmem>>
        %dma_start3A_217 = tpu.memref_squeeze %dma_start3A_216 : memref<1x64xi32, #tpu.memory_space<vmem>> -> memref<64xi32, #tpu.memory_space<vmem>>
        %dma_start3A_218 = tpu.memref_slice %arg3[%add3A_196] : memref<320000xi32, #tpu.memory_space<hbm>> -> memref<64xi32, #tpu.memory_space<hbm>>
        tpu.enqueue_dma source(%dma_start3A_218 : memref<64xi32, #tpu.memory_space<hbm>>) target(%dma_start3A_217 : memref<64xi32, #tpu.memory_space<vmem>>) target_semaphore(%arg14 : memref<!tpu.dma_semaphore, #tpu.memory_space<semaphore_mem>>)
      } else {
      }
      %mul3A_153 = arith.constant 2 : i32
      %mul3A_154 = arith.muli %scan3A_115, %mul3A_153 : i32
      %add3A_155 = arith.constant 1 : i32
      %add3A_156 = arith.addi %mul3A_154, %add3A_155 : i32
      %dma_wait3A_157 = arith.constant 1 : i32
      %dma_wait3A_158 = arith.constant 0 : i32
      %dma_wait3A_159 = arith.constant 0 : i32
      %dma_wait3A_160 = tpu.memref_slice %arg7[%dma_wait3A_157, %dma_wait3A_158, %dma_wait3A_159] : memref<2x64x128xf32, #tpu.memory_space<vmem>> -> memref<1x64x128xf32, #tpu.memory_space<vmem>>
      %dma_wait3A_161 = tpu.memref_squeeze %dma_wait3A_160 : memref<1x64x128xf32, #tpu.memory_space<vmem>> -> memref<64x128xf32, #tpu.memory_space<vmem>>
      %dma_wait3A_162 = arith.constant 0 : i32
      %dma_wait3A_163 = arith.constant 0 : i32
      %dma_wait3A_164 = tpu.memref_slice %arg2[%dma_wait3A_162, %dma_wait3A_163] : memref<320000x128xf32, #tpu.memory_space<hbm>> -> memref<64x128xf32, #tpu.memory_space<hbm>>
      %dma_wait3A_165 = arith.constant 0 : i32
      %dma_wait3A_166 = arith.constant 0 : i32
      %dma_wait3A_167 = tpu.memref_slice %arg7[%dma_wait3A_157, %dma_wait3A_165, %dma_wait3A_166] : memref<2x64x128xf32, #tpu.memory_space<vmem>> -> memref<1x64x128xf32, #tpu.memory_space<vmem>>
      %dma_wait3A_168 = tpu.memref_squeeze %dma_wait3A_167 : memref<1x64x128xf32, #tpu.memory_space<vmem>> -> memref<64x128xf32, #tpu.memory_space<vmem>>
      %dma_wait3A_169 = arith.constant 0 : i32
      %dma_wait3A_170 = arith.constant 0 : i32
      %dma_wait3A_171 = tpu.memref_slice %arg2[%dma_wait3A_169, %dma_wait3A_170] : memref<320000x128xf32, #tpu.memory_space<hbm>> -> memref<64x128xf32, #tpu.memory_space<hbm>>
      tpu.wait_dma2 semaphore(%arg13 : memref<!tpu.dma_semaphore, #tpu.memory_space<semaphore_mem>>) src(%dma_wait3A_171 : memref<64x128xf32, #tpu.memory_space<hbm>>) dst(%dma_wait3A_168 : memref<64x128xf32, #tpu.memory_space<vmem>>)
      %dma_wait3A_172 = arith.constant 1 : i32
      %dma_wait3A_173 = arith.constant 0 : i32
      %dma_wait3A_174 = tpu.memref_slice %arg8[%dma_wait3A_172, %dma_wait3A_173] : memref<2x64xi32, #tpu.memory_space<vmem>> -> memref<1x64xi32, #tpu.memory_space<vmem>>
      %dma_wait3A_175 = tpu.memref_squeeze %dma_wait3A_174 : memref<1x64xi32, #tpu.memory_space<vmem>> -> memref<64xi32, #tpu.memory_space<vmem>>
      %dma_wait3A_176 = arith.constant 0 : i32
      %dma_wait3A_177 = tpu.memref_slice %arg3[%dma_wait3A_176] : memref<320000xi32, #tpu.memory_space<hbm>> -> memref<64xi32, #tpu.memory_space<hbm>>
      %dma_wait3A_178 = arith.constant 0 : i32
      %dma_wait3A_179 = tpu.memref_slice %arg8[%dma_wait3A_172, %dma_wait3A_178] : memref<2x64xi32, #tpu.memory_space<vmem>> -> memref<1x64xi32, #tpu.memory_space<vmem>>
      %dma_wait3A_180 = tpu.memref_squeeze %dma_wait3A_179 : memref<1x64xi32, #tpu.memory_space<vmem>> -> memref<64xi32, #tpu.memory_space<vmem>>
      %dma_wait3A_181 = arith.constant 0 : i32
      %dma_wait3A_182 = tpu.memref_slice %arg3[%dma_wait3A_181] : memref<320000xi32, #tpu.memory_space<hbm>> -> memref<64xi32, #tpu.memory_space<hbm>>
      tpu.wait_dma2 semaphore(%arg15 : memref<!tpu.dma_semaphore, #tpu.memory_space<semaphore_mem>>) src(%dma_wait3A_182 : memref<64xi32, #tpu.memory_space<hbm>>) dst(%dma_wait3A_180 : memref<64xi32, #tpu.memory_space<vmem>>)
      %run_scoped3A_183 = arith.constant 1 : i32
      %run_scoped3A_184 = arith.constant 1 : i32
      "tpu.region"() ({
        %run_scoped3A_192 = tpu.sem_alloc : memref<!tpu.dma_semaphore, #tpu.memory_space<semaphore_mem>>
        %dma_start3A_193 = arith.constant 0 : i32
        %dma_start3A_194 = arith.constant 0 : i32
        %dma_start3A_195 = tpu.memref_slice %arg7[%run_scoped3A_183, %dma_start3A_193, %dma_start3A_194] : memref<2x64x128xf32, #tpu.memory_space<vmem>> -> memref<1x64x128xf32, #tpu.memory_space<vmem>>
        %dma_start3A_196 = tpu.memref_squeeze %dma_start3A_195 : memref<1x64x128xf32, #tpu.memory_space<vmem>> -> memref<64x128xf32, #tpu.memory_space<vmem>>
        %dma_start3A_197 = arith.constant 0 : i32
        %dma_start3A_198 = tpu.memref_slice %arg8[%run_scoped3A_184, %dma_start3A_197] : memref<2x64xi32, #tpu.memory_space<vmem>> -> memref<1x64xi32, #tpu.memory_space<vmem>>
        %dma_start3A_199 = tpu.memref_squeeze %dma_start3A_198 : memref<1x64xi32, #tpu.memory_space<vmem>> -> memref<64xi32, #tpu.memory_space<vmem>>
        %dma_start3A_200 = arith.constant 0 : i32
        %dma_start3A_201 = arith.constant 0 : i32
        %dma_start3A_202 = tpu.memref_slice %arg6[%dma_start3A_200, %dma_start3A_201] : memref<10240x128xf32, #tpu.memory_space<vmem_shared>> -> memref<10240x128xf32, #tpu.memory_space<vmem_shared>>
        tpu.enqueue_indirect_dma source(%dma_start3A_196 : memref<64x128xf32, #tpu.memory_space<vmem>>) target(%dma_start3A_202 : memref<10240x128xf32, #tpu.memory_space<vmem_shared>>) offsets(%dma_start3A_199 : memref<64xi32, #tpu.memory_space<vmem>>) semaphore(%run_scoped3A_192 : memref<!tpu.dma_semaphore, #tpu.memory_space<semaphore_mem>>) {add = true}
        %dma_wait3A_203 = arith.constant 0 : i32
        %dma_wait3A_204 = arith.constant 0 : i32
        %dma_wait3A_205 = tpu.memref_slice %arg7[%run_scoped3A_183, %dma_wait3A_203, %dma_wait3A_204] : memref<2x64x128xf32, #tpu.memory_space<vmem>> -> memref<1x64x128xf32, #tpu.memory_space<vmem>>
        %dma_wait3A_206 = tpu.memref_squeeze %dma_wait3A_205 : memref<1x64x128xf32, #tpu.memory_space<vmem>> -> memref<64x128xf32, #tpu.memory_space<vmem>>
        %dma_wait3A_207 = arith.constant 0 : i32
        %dma_wait3A_208 = tpu.memref_slice %arg8[%run_scoped3A_184, %dma_wait3A_207] : memref<2x64xi32, #tpu.memory_space<vmem>> -> memref<1x64xi32, #tpu.memory_space<vmem>>
        %dma_wait3A_209 = tpu.memref_squeeze %dma_wait3A_208 : memref<1x64xi32, #tpu.memory_space<vmem>> -> memref<64xi32, #tpu.memory_space<vmem>>
        %dma_wait3A_210 = arith.constant 0 : i32
        %dma_wait3A_211 = arith.constant 0 : i32
        %dma_wait3A_212 = tpu.memref_slice %arg6[%dma_wait3A_210, %dma_wait3A_211] : memref<10240x128xf32, #tpu.memory_space<vmem_shared>> -> memref<10240x128xf32, #tpu.memory_space<vmem_shared>>
        tpu.wait_indirect_dma semaphore(%run_scoped3A_192 : memref<!tpu.dma_semaphore, #tpu.memory_space<semaphore_mem>>) src(%dma_wait3A_206 : memref<64x128xf32, #tpu.memory_space<vmem>>) dst(%dma_wait3A_212 : memref<10240x128xf32, #tpu.memory_space<vmem_shared>>)
        tpu.yield
      }) : () -> ()
      %add3A_185 = arith.constant 2 : i32
      %add3A_186 = arith.addi %add3A_156, %add3A_185 : i32
      %lt3A_187 = arith.constant 156 : i32
      %lt3A_188 = arith.cmpi slt, %add3A_186, %lt3A_187 : i32
      %convert_element_type3A_189 = arith.extui %lt3A_188 : i1 to i32
      %cond3A_190 = arith.constant 0 : i32
      %cond3A_191 = arith.cmpi ne, %convert_element_type3A_189, %cond3A_190 : i32
      scf.if %cond3A_191 {
        %add3A_192 = arith.constant 2 : i32
        %add3A_193 = arith.addi %add3A_156, %add3A_192 : i32
        %mul3A_194 = arith.constant 64 : i32
        %mul3A_195 = arith.muli %add3A_193, %mul3A_194 : i32
        %add3A_196 = arith.addi %mul3A_2, %mul3A_195 : i32
        %dma_start3A_197 = arith.constant 1 : i32
        %dma_start3A_198 = arith.constant 0 : i32
        %dma_start3A_199 = arith.constant 0 : i32
        %dma_start3A_200 = tpu.memref_slice %arg7[%dma_start3A_197, %dma_start3A_198, %dma_start3A_199] : memref<2x64x128xf32, #tpu.memory_space<vmem>> -> memref<1x64x128xf32, #tpu.memory_space<vmem>>
        %dma_start3A_201 = tpu.memref_squeeze %dma_start3A_200 : memref<1x64x128xf32, #tpu.memory_space<vmem>> -> memref<64x128xf32, #tpu.memory_space<vmem>>
        %dma_start3A_202 = arith.constant 0 : i32
        %dma_start3A_203 = tpu.memref_slice %arg2[%add3A_196, %dma_start3A_202] : memref<320000x128xf32, #tpu.memory_space<hbm>> -> memref<64x128xf32, #tpu.memory_space<hbm>>
        %dma_start3A_204 = arith.constant 0 : i32
        %dma_start3A_205 = arith.constant 0 : i32
        %dma_start3A_206 = tpu.memref_slice %arg7[%dma_start3A_197, %dma_start3A_204, %dma_start3A_205] : memref<2x64x128xf32, #tpu.memory_space<vmem>> -> memref<1x64x128xf32, #tpu.memory_space<vmem>>
        %dma_start3A_207 = tpu.memref_squeeze %dma_start3A_206 : memref<1x64x128xf32, #tpu.memory_space<vmem>> -> memref<64x128xf32, #tpu.memory_space<vmem>>
        %dma_start3A_208 = arith.constant 0 : i32
        %dma_start3A_209 = tpu.memref_slice %arg2[%add3A_196, %dma_start3A_208] : memref<320000x128xf32, #tpu.memory_space<hbm>> -> memref<64x128xf32, #tpu.memory_space<hbm>>
        tpu.enqueue_dma source(%dma_start3A_209 : memref<64x128xf32, #tpu.memory_space<hbm>>) target(%dma_start3A_207 : memref<64x128xf32, #tpu.memory_space<vmem>>) target_semaphore(%arg13 : memref<!tpu.dma_semaphore, #tpu.memory_space<semaphore_mem>>)
        %dma_start3A_210 = arith.constant 1 : i32
        %dma_start3A_211 = arith.constant 0 : i32
        %dma_start3A_212 = tpu.memref_slice %arg8[%dma_start3A_210, %dma_start3A_211] : memref<2x64xi32, #tpu.memory_space<vmem>> -> memref<1x64xi32, #tpu.memory_space<vmem>>
        %dma_start3A_213 = tpu.memref_squeeze %dma_start3A_212 : memref<1x64xi32, #tpu.memory_space<vmem>> -> memref<64xi32, #tpu.memory_space<vmem>>
        %dma_start3A_214 = tpu.memref_slice %arg3[%add3A_196] : memref<320000xi32, #tpu.memory_space<hbm>> -> memref<64xi32, #tpu.memory_space<hbm>>
        %dma_start3A_215 = arith.constant 0 : i32
        %dma_start3A_216 = tpu.memref_slice %arg8[%dma_start3A_210, %dma_start3A_215] : memref<2x64xi32, #tpu.memory_space<vmem>> -> memref<1x64xi32, #tpu.memory_space<vmem>>
        %dma_start3A_217 = tpu.memref_squeeze %dma_start3A_216 : memref<1x64xi32, #tpu.memory_space<vmem>> -> memref<64xi32, #tpu.memory_space<vmem>>
        %dma_start3A_218 = tpu.memref_slice %arg3[%add3A_196] : memref<320000xi32, #tpu.memory_space<hbm>> -> memref<64xi32, #tpu.memory_space<hbm>>
        tpu.enqueue_dma source(%dma_start3A_218 : memref<64xi32, #tpu.memory_space<hbm>>) target(%dma_start3A_217 : memref<64xi32, #tpu.memory_space<vmem>>) target_semaphore(%arg15 : memref<!tpu.dma_semaphore, #tpu.memory_space<semaphore_mem>>)
      } else {
      }
    }
    %scan3A_101 = arith.constant 78 : i32
    %add3A_102 = arith.constant 9984 : i32
    %add3A_103 = arith.addi %mul3A_2, %add3A_102 : i32
    "tpu.region"() ({
      %run_scoped3A_115 = tpu.sem_alloc : memref<!tpu.dma_semaphore, #tpu.memory_space<semaphore_mem>>
      %dma_start3A_116 = arith.constant 0 : i32
      %dma_start3A_117 = tpu.memref_slice %arg2[%add3A_103, %dma_start3A_116] : memref<320000x128xf32, #tpu.memory_space<hbm>> -> memref<16x128xf32, #tpu.memory_space<hbm>>
      %dma_start3A_118 = arith.constant 0 : i32
      %dma_start3A_119 = tpu.memref_slice %arg2[%add3A_103, %dma_start3A_118] : memref<320000x128xf32, #tpu.memory_space<hbm>> -> memref<16x128xf32, #tpu.memory_space<hbm>>
      tpu.enqueue_dma source(%dma_start3A_119 : memref<16x128xf32, #tpu.memory_space<hbm>>) target(%arg10 : memref<16x128xf32, #tpu.memory_space<vmem>>) target_semaphore(%run_scoped3A_115 : memref<!tpu.dma_semaphore, #tpu.memory_space<semaphore_mem>>)
      %dma_wait3A = arith.constant 0 : i32
      %dma_wait3A_120 = tpu.memref_slice %arg2[%add3A_103, %dma_wait3A] : memref<320000x128xf32, #tpu.memory_space<hbm>> -> memref<16x128xf32, #tpu.memory_space<hbm>>
      %dma_wait3A_121 = arith.constant 0 : i32
      %dma_wait3A_122 = tpu.memref_slice %arg2[%add3A_103, %dma_wait3A_121] : memref<320000x128xf32, #tpu.memory_space<hbm>> -> memref<16x128xf32, #tpu.memory_space<hbm>>
      tpu.wait_dma2 semaphore(%run_scoped3A_115 : memref<!tpu.dma_semaphore, #tpu.memory_space<semaphore_mem>>) src(%dma_wait3A_122 : memref<16x128xf32, #tpu.memory_space<hbm>>) dst(%arg10 : memref<16x128xf32, #tpu.memory_space<vmem>>)
      tpu.yield
    }) : () -> ()
    %add3A_104 = arith.constant 9984 : i32
    %add3A_105 = arith.addi %mul3A_2, %add3A_104 : i32
    %run_scoped3A = arith.constant 0 : i32
    "tpu.region"() ({
      %run_scoped3A_115 = tpu.sem_alloc : memref<!tpu.dma_semaphore, #tpu.memory_space<semaphore_mem>>
      %dma_start3A_116 = arith.constant 0 : i32
      %dma_start3A_117 = tpu.memref_slice %arg11[%run_scoped3A, %dma_start3A_116] : memref<1x16xi32, #tpu.memory_space<vmem>> -> memref<1x16xi32, #tpu.memory_space<vmem>>
      %dma_start3A_118 = tpu.memref_squeeze %dma_start3A_117 : memref<1x16xi32, #tpu.memory_space<vmem>> -> memref<16xi32, #tpu.memory_space<vmem>>
      %dma_start3A_119 = tpu.memref_slice %arg3[%add3A_105] : memref<320000xi32, #tpu.memory_space<hbm>> -> memref<16xi32, #tpu.memory_space<hbm>>
      %dma_start3A_120 = arith.constant 0 : i32
      %dma_start3A_121 = tpu.memref_slice %arg11[%run_scoped3A, %dma_start3A_120] : memref<1x16xi32, #tpu.memory_space<vmem>> -> memref<1x16xi32, #tpu.memory_space<vmem>>
      %dma_start3A_122 = tpu.memref_squeeze %dma_start3A_121 : memref<1x16xi32, #tpu.memory_space<vmem>> -> memref<16xi32, #tpu.memory_space<vmem>>
      %dma_start3A_123 = tpu.memref_slice %arg3[%add3A_105] : memref<320000xi32, #tpu.memory_space<hbm>> -> memref<16xi32, #tpu.memory_space<hbm>>
      tpu.enqueue_dma source(%dma_start3A_123 : memref<16xi32, #tpu.memory_space<hbm>>) target(%dma_start3A_122 : memref<16xi32, #tpu.memory_space<vmem>>) target_semaphore(%run_scoped3A_115 : memref<!tpu.dma_semaphore, #tpu.memory_space<semaphore_mem>>)
      %dma_wait3A = arith.constant 0 : i32
      %dma_wait3A_124 = tpu.memref_slice %arg11[%run_scoped3A, %dma_wait3A] : memref<1x16xi32, #tpu.memory_space<vmem>> -> memref<1x16xi32, #tpu.memory_space<vmem>>
      %dma_wait3A_125 = tpu.memref_squeeze %dma_wait3A_124 : memref<1x16xi32, #tpu.memory_space<vmem>> -> memref<16xi32, #tpu.memory_space<vmem>>
      %dma_wait3A_126 = tpu.memref_slice %arg3[%add3A_105] : memref<320000xi32, #tpu.memory_space<hbm>> -> memref<16xi32, #tpu.memory_space<hbm>>
      %dma_wait3A_127 = arith.constant 0 : i32
      %dma_wait3A_128 = tpu.memref_slice %arg11[%run_scoped3A, %dma_wait3A_127] : memref<1x16xi32, #tpu.memory_space<vmem>> -> memref<1x16xi32, #tpu.memory_space<vmem>>
      %dma_wait3A_129 = tpu.memref_squeeze %dma_wait3A_128 : memref<1x16xi32, #tpu.memory_space<vmem>> -> memref<16xi32, #tpu.memory_space<vmem>>
      %dma_wait3A_130 = tpu.memref_slice %arg3[%add3A_105] : memref<320000xi32, #tpu.memory_space<hbm>> -> memref<16xi32, #tpu.memory_space<hbm>>
      tpu.wait_dma2 semaphore(%run_scoped3A_115 : memref<!tpu.dma_semaphore, #tpu.memory_space<semaphore_mem>>) src(%dma_wait3A_130 : memref<16xi32, #tpu.memory_space<hbm>>) dst(%dma_wait3A_129 : memref<16xi32, #tpu.memory_space<vmem>>)
      tpu.yield
    }) : () -> ()
    %run_scoped3A_106 = arith.constant 0 : i32
    "tpu.region"() ({
      %run_scoped3A_115 = tpu.sem_alloc : memref<!tpu.dma_semaphore, #tpu.memory_space<semaphore_mem>>
      %dma_start3A_116 = arith.constant 0 : i32
      %dma_start3A_117 = tpu.memref_slice %arg11[%run_scoped3A_106, %dma_start3A_116] : memref<1x16xi32, #tpu.memory_space<vmem>> -> memref<1x16xi32, #tpu.memory_space<vmem>>
      %dma_start3A_118 = tpu.memref_squeeze %dma_start3A_117 : memref<1x16xi32, #tpu.memory_space<vmem>> -> memref<16xi32, #tpu.memory_space<vmem>>
      %dma_start3A_119 = arith.constant 0 : i32
      %dma_start3A_120 = arith.constant 0 : i32
      %dma_start3A_121 = tpu.memref_slice %arg6[%dma_start3A_119, %dma_start3A_120] : memref<10240x128xf32, #tpu.memory_space<vmem_shared>> -> memref<10240x128xf32, #tpu.memory_space<vmem_shared>>
      tpu.enqueue_indirect_dma source(%arg10 : memref<16x128xf32, #tpu.memory_space<vmem>>) target(%dma_start3A_121 : memref<10240x128xf32, #tpu.memory_space<vmem_shared>>) offsets(%dma_start3A_118 : memref<16xi32, #tpu.memory_space<vmem>>) semaphore(%run_scoped3A_115 : memref<!tpu.dma_semaphore, #tpu.memory_space<semaphore_mem>>) {add = true}
      %dma_wait3A = arith.constant 0 : i32
      %dma_wait3A_122 = tpu.memref_slice %arg11[%run_scoped3A_106, %dma_wait3A] : memref<1x16xi32, #tpu.memory_space<vmem>> -> memref<1x16xi32, #tpu.memory_space<vmem>>
      %dma_wait3A_123 = tpu.memref_squeeze %dma_wait3A_122 : memref<1x16xi32, #tpu.memory_space<vmem>> -> memref<16xi32, #tpu.memory_space<vmem>>
      %dma_wait3A_124 = arith.constant 0 : i32
      %dma_wait3A_125 = arith.constant 0 : i32
      %dma_wait3A_126 = tpu.memref_slice %arg6[%dma_wait3A_124, %dma_wait3A_125] : memref<10240x128xf32, #tpu.memory_space<vmem_shared>> -> memref<10240x128xf32, #tpu.memory_space<vmem_shared>>
      tpu.wait_indirect_dma semaphore(%run_scoped3A_115 : memref<!tpu.dma_semaphore, #tpu.memory_space<semaphore_mem>>) src(%arg10 : memref<16x128xf32, #tpu.memory_space<vmem>>) dst(%dma_wait3A_126 : memref<10240x128xf32, #tpu.memory_space<vmem_shared>>)
      tpu.yield
    }) : () -> ()
    %barrier3A_107 = arith.constant 0 : index
    tpu.barrier barrier_id(%barrier3A_107)
    %eq3A = arith.constant 0 : i32
    %eq3A_108 = arith.cmpi eq, %arg0, %eq3A : i32
    %convert_element_type3A = arith.extui %eq3A_108 : i1 to i32
    %cond3A = arith.constant 0 : i32
    %cond3A_109 = arith.cmpi ne, %convert_element_type3A, %cond3A : i32
    scf.if %cond3A_109 {
      %mul3A_115 = arith.constant 640 : i32
      %mul3A_116 = arith.muli %arg1, %mul3A_115 : i32
      %add3A_117 = arith.constant 0 : i32
      %add3A_118 = arith.addi %mul3A_116, %add3A_117 : i32
      "tpu.region"() ({
        %run_scoped3A_155 = tpu.sem_alloc : memref<!tpu.dma_semaphore, #tpu.memory_space<semaphore_mem>>
        %dma_start3A_156 = arith.constant 0 : i32
        %dma_start3A_157 = tpu.memref_slice %arg4[%add3A_118, %dma_start3A_156] : memref<10240x128xf32, #tpu.memory_space<hbm>> -> memref<64x128xf32, #tpu.memory_space<hbm>>
        %dma_start3A_158 = arith.constant 0 : i32
        %dma_start3A_159 = tpu.memref_slice %arg6[%add3A_118, %dma_start3A_158] : memref<10240x128xf32, #tpu.memory_space<vmem_shared>> -> memref<64x128xf32, #tpu.memory_space<vmem_shared>>
        tpu.enqueue_dma source(%dma_start3A_159 : memref<64x128xf32, #tpu.memory_space<vmem_shared>>) target(%dma_start3A_157 : memref<64x128xf32, #tpu.memory_space<hbm>>) target_semaphore(%run_scoped3A_155 : memref<!tpu.dma_semaphore, #tpu.memory_space<semaphore_mem>>)
        %dma_wait3A = arith.constant 0 : i32
        %dma_wait3A_160 = tpu.memref_slice %arg4[%add3A_118, %dma_wait3A] : memref<10240x128xf32, #tpu.memory_space<hbm>> -> memref<64x128xf32, #tpu.memory_space<hbm>>
        %dma_wait3A_161 = arith.constant 0 : i32
        %dma_wait3A_162 = tpu.memref_slice %arg6[%add3A_118, %dma_wait3A_161] : memref<10240x128xf32, #tpu.memory_space<vmem_shared>> -> memref<64x128xf32, #tpu.memory_space<vmem_shared>>
        tpu.wait_dma2 semaphore(%run_scoped3A_155 : memref<!tpu.dma_semaphore, #tpu.memory_space<semaphore_mem>>) src(%dma_wait3A_162 : memref<64x128xf32, #tpu.memory_space<vmem_shared>>) dst(%dma_wait3A_160 : memref<64x128xf32, #tpu.memory_space<hbm>>)
        tpu.yield
      }) : () -> ()
      %mul3A_119 = arith.constant 640 : i32
      %mul3A_120 = arith.muli %arg1, %mul3A_119 : i32
      %add3A_121 = arith.constant 64 : i32
      %add3A_122 = arith.addi %mul3A_120, %add3A_121 : i32
      "tpu.region"() ({
        %run_scoped3A_155 = tpu.sem_alloc : memref<!tpu.dma_semaphore, #tpu.memory_space<semaphore_mem>>
        %dma_start3A_156 = arith.constant 0 : i32
        %dma_start3A_157 = tpu.memref_slice %arg4[%add3A_122, %dma_start3A_156] : memref<10240x128xf32, #tpu.memory_space<hbm>> -> memref<64x128xf32, #tpu.memory_space<hbm>>
        %dma_start3A_158 = arith.constant 0 : i32
        %dma_start3A_159 = tpu.memref_slice %arg6[%add3A_122, %dma_start3A_158] : memref<10240x128xf32, #tpu.memory_space<vmem_shared>> -> memref<64x128xf32, #tpu.memory_space<vmem_shared>>
        tpu.enqueue_dma source(%dma_start3A_159 : memref<64x128xf32, #tpu.memory_space<vmem_shared>>) target(%dma_start3A_157 : memref<64x128xf32, #tpu.memory_space<hbm>>) target_semaphore(%run_scoped3A_155 : memref<!tpu.dma_semaphore, #tpu.memory_space<semaphore_mem>>)
        %dma_wait3A = arith.constant 0 : i32
        %dma_wait3A_160 = tpu.memref_slice %arg4[%add3A_122, %dma_wait3A] : memref<10240x128xf32, #tpu.memory_space<hbm>> -> memref<64x128xf32, #tpu.memory_space<hbm>>
        %dma_wait3A_161 = arith.constant 0 : i32
        %dma_wait3A_162 = tpu.memref_slice %arg6[%add3A_122, %dma_wait3A_161] : memref<10240x128xf32, #tpu.memory_space<vmem_shared>> -> memref<64x128xf32, #tpu.memory_space<vmem_shared>>
        tpu.wait_dma2 semaphore(%run_scoped3A_155 : memref<!tpu.dma_semaphore, #tpu.memory_space<semaphore_mem>>) src(%dma_wait3A_162 : memref<64x128xf32, #tpu.memory_space<vmem_shared>>) dst(%dma_wait3A_160 : memref<64x128xf32, #tpu.memory_space<hbm>>)
        tpu.yield
      }) : () -> ()
      %mul3A_123 = arith.constant 640 : i32
      %mul3A_124 = arith.muli %arg1, %mul3A_123 : i32
      %add3A_125 = arith.constant 128 : i32
      %add3A_126 = arith.addi %mul3A_124, %add3A_125 : i32
      "tpu.region"() ({
        %run_scoped3A_155 = tpu.sem_alloc : memref<!tpu.dma_semaphore, #tpu.memory_space<semaphore_mem>>
        %dma_start3A_156 = arith.constant 0 : i32
        %dma_start3A_157 = tpu.memref_slice %arg4[%add3A_126, %dma_start3A_156] : memref<10240x128xf32, #tpu.memory_space<hbm>> -> memref<64x128xf32, #tpu.memory_space<hbm>>
        %dma_start3A_158 = arith.constant 0 : i32
        %dma_start3A_159 = tpu.memref_slice %arg6[%add3A_126, %dma_start3A_158] : memref<10240x128xf32, #tpu.memory_space<vmem_shared>> -> memref<64x128xf32, #tpu.memory_space<vmem_shared>>
        tpu.enqueue_dma source(%dma_start3A_159 : memref<64x128xf32, #tpu.memory_space<vmem_shared>>) target(%dma_start3A_157 : memref<64x128xf32, #tpu.memory_space<hbm>>) target_semaphore(%run_scoped3A_155 : memref<!tpu.dma_semaphore, #tpu.memory_space<semaphore_mem>>)
        %dma_wait3A = arith.constant 0 : i32
        %dma_wait3A_160 = tpu.memref_slice %arg4[%add3A_126, %dma_wait3A] : memref<10240x128xf32, #tpu.memory_space<hbm>> -> memref<64x128xf32, #tpu.memory_space<hbm>>
        %dma_wait3A_161 = arith.constant 0 : i32
        %dma_wait3A_162 = tpu.memref_slice %arg6[%add3A_126, %dma_wait3A_161] : memref<10240x128xf32, #tpu.memory_space<vmem_shared>> -> memref<64x128xf32, #tpu.memory_space<vmem_shared>>
        tpu.wait_dma2 semaphore(%run_scoped3A_155 : memref<!tpu.dma_semaphore, #tpu.memory_space<semaphore_mem>>) src(%dma_wait3A_162 : memref<64x128xf32, #tpu.memory_space<vmem_shared>>) dst(%dma_wait3A_160 : memref<64x128xf32, #tpu.memory_space<hbm>>)
        tpu.yield
      }) : () -> ()
      %mul3A_127 = arith.constant 640 : i32
      %mul3A_128 = arith.muli %arg1, %mul3A_127 : i32
      %add3A_129 = arith.constant 192 : i32
      %add3A_130 = arith.addi %mul3A_128, %add3A_129 : i32
      "tpu.region"() ({
        %run_scoped3A_155 = tpu.sem_alloc : memref<!tpu.dma_semaphore, #tpu.memory_space<semaphore_mem>>
        %dma_start3A_156 = arith.constant 0 : i32
        %dma_start3A_157 = tpu.memref_slice %arg4[%add3A_130, %dma_start3A_156] : memref<10240x128xf32, #tpu.memory_space<hbm>> -> memref<64x128xf32, #tpu.memory_space<hbm>>
        %dma_start3A_158 = arith.constant 0 : i32
        %dma_start3A_159 = tpu.memref_slice %arg6[%add3A_130, %dma_start3A_158] : memref<10240x128xf32, #tpu.memory_space<vmem_shared>> -> memref<64x128xf32, #tpu.memory_space<vmem_shared>>
        tpu.enqueue_dma source(%dma_start3A_159 : memref<64x128xf32, #tpu.memory_space<vmem_shared>>) target(%dma_start3A_157 : memref<64x128xf32, #tpu.memory_space<hbm>>) target_semaphore(%run_scoped3A_155 : memref<!tpu.dma_semaphore, #tpu.memory_space<semaphore_mem>>)
        %dma_wait3A = arith.constant 0 : i32
        %dma_wait3A_160 = tpu.memref_slice %arg4[%add3A_130, %dma_wait3A] : memref<10240x128xf32, #tpu.memory_space<hbm>> -> memref<64x128xf32, #tpu.memory_space<hbm>>
        %dma_wait3A_161 = arith.constant 0 : i32
        %dma_wait3A_162 = tpu.memref_slice %arg6[%add3A_130, %dma_wait3A_161] : memref<10240x128xf32, #tpu.memory_space<vmem_shared>> -> memref<64x128xf32, #tpu.memory_space<vmem_shared>>
        tpu.wait_dma2 semaphore(%run_scoped3A_155 : memref<!tpu.dma_semaphore, #tpu.memory_space<semaphore_mem>>) src(%dma_wait3A_162 : memref<64x128xf32, #tpu.memory_space<vmem_shared>>) dst(%dma_wait3A_160 : memref<64x128xf32, #tpu.memory_space<hbm>>)
        tpu.yield
      }) : () -> ()
      %mul3A_131 = arith.constant 640 : i32
      %mul3A_132 = arith.muli %arg1, %mul3A_131 : i32
      %add3A_133 = arith.constant 256 : i32
      %add3A_134 = arith.addi %mul3A_132, %add3A_133 : i32
      "tpu.region"() ({
        %run_scoped3A_155 = tpu.sem_alloc : memref<!tpu.dma_semaphore, #tpu.memory_space<semaphore_mem>>
        %dma_start3A_156 = arith.constant 0 : i32
        %dma_start3A_157 = tpu.memref_slice %arg4[%add3A_134, %dma_start3A_156] : memref<10240x128xf32, #tpu.memory_space<hbm>> -> memref<64x128xf32, #tpu.memory_space<hbm>>
        %dma_start3A_158 = arith.constant 0 : i32
        %dma_start3A_159 = tpu.memref_slice %arg6[%add3A_134, %dma_start3A_158] : memref<10240x128xf32, #tpu.memory_space<vmem_shared>> -> memref<64x128xf32, #tpu.memory_space<vmem_shared>>
        tpu.enqueue_dma source(%dma_start3A_159 : memref<64x128xf32, #tpu.memory_space<vmem_shared>>) target(%dma_start3A_157 : memref<64x128xf32, #tpu.memory_space<hbm>>) target_semaphore(%run_scoped3A_155 : memref<!tpu.dma_semaphore, #tpu.memory_space<semaphore_mem>>)
        %dma_wait3A = arith.constant 0 : i32
        %dma_wait3A_160 = tpu.memref_slice %arg4[%add3A_134, %dma_wait3A] : memref<10240x128xf32, #tpu.memory_space<hbm>> -> memref<64x128xf32, #tpu.memory_space<hbm>>
        %dma_wait3A_161 = arith.constant 0 : i32
        %dma_wait3A_162 = tpu.memref_slice %arg6[%add3A_134, %dma_wait3A_161] : memref<10240x128xf32, #tpu.memory_space<vmem_shared>> -> memref<64x128xf32, #tpu.memory_space<vmem_shared>>
        tpu.wait_dma2 semaphore(%run_scoped3A_155 : memref<!tpu.dma_semaphore, #tpu.memory_space<semaphore_mem>>) src(%dma_wait3A_162 : memref<64x128xf32, #tpu.memory_space<vmem_shared>>) dst(%dma_wait3A_160 : memref<64x128xf32, #tpu.memory_space<hbm>>)
        tpu.yield
      }) : () -> ()
      %mul3A_135 = arith.constant 640 : i32
      %mul3A_136 = arith.muli %arg1, %mul3A_135 : i32
      %add3A_137 = arith.constant 320 : i32
      %add3A_138 = arith.addi %mul3A_136, %add3A_137 : i32
      "tpu.region"() ({
        %run_scoped3A_155 = tpu.sem_alloc : memref<!tpu.dma_semaphore, #tpu.memory_space<semaphore_mem>>
        %dma_start3A_156 = arith.constant 0 : i32
        %dma_start3A_157 = tpu.memref_slice %arg4[%add3A_138, %dma_start3A_156] : memref<10240x128xf32, #tpu.memory_space<hbm>> -> memref<64x128xf32, #tpu.memory_space<hbm>>
        %dma_start3A_158 = arith.constant 0 : i32
        %dma_start3A_159 = tpu.memref_slice %arg6[%add3A_138, %dma_start3A_158] : memref<10240x128xf32, #tpu.memory_space<vmem_shared>> -> memref<64x128xf32, #tpu.memory_space<vmem_shared>>
        tpu.enqueue_dma source(%dma_start3A_159 : memref<64x128xf32, #tpu.memory_space<vmem_shared>>) target(%dma_start3A_157 : memref<64x128xf32, #tpu.memory_space<hbm>>) target_semaphore(%run_scoped3A_155 : memref<!tpu.dma_semaphore, #tpu.memory_space<semaphore_mem>>)
        %dma_wait3A = arith.constant 0 : i32
        %dma_wait3A_160 = tpu.memref_slice %arg4[%add3A_138, %dma_wait3A] : memref<10240x128xf32, #tpu.memory_space<hbm>> -> memref<64x128xf32, #tpu.memory_space<hbm>>
        %dma_wait3A_161 = arith.constant 0 : i32
        %dma_wait3A_162 = tpu.memref_slice %arg6[%add3A_138, %dma_wait3A_161] : memref<10240x128xf32, #tpu.memory_space<vmem_shared>> -> memref<64x128xf32, #tpu.memory_space<vmem_shared>>
        tpu.wait_dma2 semaphore(%run_scoped3A_155 : memref<!tpu.dma_semaphore, #tpu.memory_space<semaphore_mem>>) src(%dma_wait3A_162 : memref<64x128xf32, #tpu.memory_space<vmem_shared>>) dst(%dma_wait3A_160 : memref<64x128xf32, #tpu.memory_space<hbm>>)
        tpu.yield
      }) : () -> ()
      %mul3A_139 = arith.constant 640 : i32
      %mul3A_140 = arith.muli %arg1, %mul3A_139 : i32
      %add3A_141 = arith.constant 384 : i32
      %add3A_142 = arith.addi %mul3A_140, %add3A_141 : i32
      "tpu.region"() ({
        %run_scoped3A_155 = tpu.sem_alloc : memref<!tpu.dma_semaphore, #tpu.memory_space<semaphore_mem>>
        %dma_start3A_156 = arith.constant 0 : i32
        %dma_start3A_157 = tpu.memref_slice %arg4[%add3A_142, %dma_start3A_156] : memref<10240x128xf32, #tpu.memory_space<hbm>> -> memref<64x128xf32, #tpu.memory_space<hbm>>
        %dma_start3A_158 = arith.constant 0 : i32
        %dma_start3A_159 = tpu.memref_slice %arg6[%add3A_142, %dma_start3A_158] : memref<10240x128xf32, #tpu.memory_space<vmem_shared>> -> memref<64x128xf32, #tpu.memory_space<vmem_shared>>
        tpu.enqueue_dma source(%dma_start3A_159 : memref<64x128xf32, #tpu.memory_space<vmem_shared>>) target(%dma_start3A_157 : memref<64x128xf32, #tpu.memory_space<hbm>>) target_semaphore(%run_scoped3A_155 : memref<!tpu.dma_semaphore, #tpu.memory_space<semaphore_mem>>)
        %dma_wait3A = arith.constant 0 : i32
        %dma_wait3A_160 = tpu.memref_slice %arg4[%add3A_142, %dma_wait3A] : memref<10240x128xf32, #tpu.memory_space<hbm>> -> memref<64x128xf32, #tpu.memory_space<hbm>>
        %dma_wait3A_161 = arith.constant 0 : i32
        %dma_wait3A_162 = tpu.memref_slice %arg6[%add3A_142, %dma_wait3A_161] : memref<10240x128xf32, #tpu.memory_space<vmem_shared>> -> memref<64x128xf32, #tpu.memory_space<vmem_shared>>
        tpu.wait_dma2 semaphore(%run_scoped3A_155 : memref<!tpu.dma_semaphore, #tpu.memory_space<semaphore_mem>>) src(%dma_wait3A_162 : memref<64x128xf32, #tpu.memory_space<vmem_shared>>) dst(%dma_wait3A_160 : memref<64x128xf32, #tpu.memory_space<hbm>>)
        tpu.yield
      }) : () -> ()
      %mul3A_143 = arith.constant 640 : i32
      %mul3A_144 = arith.muli %arg1, %mul3A_143 : i32
      %add3A_145 = arith.constant 448 : i32
      %add3A_146 = arith.addi %mul3A_144, %add3A_145 : i32
      "tpu.region"() ({
        %run_scoped3A_155 = tpu.sem_alloc : memref<!tpu.dma_semaphore, #tpu.memory_space<semaphore_mem>>
        %dma_start3A_156 = arith.constant 0 : i32
        %dma_start3A_157 = tpu.memref_slice %arg4[%add3A_146, %dma_start3A_156] : memref<10240x128xf32, #tpu.memory_space<hbm>> -> memref<64x128xf32, #tpu.memory_space<hbm>>
        %dma_start3A_158 = arith.constant 0 : i32
        %dma_start3A_159 = tpu.memref_slice %arg6[%add3A_146, %dma_start3A_158] : memref<10240x128xf32, #tpu.memory_space<vmem_shared>> -> memref<64x128xf32, #tpu.memory_space<vmem_shared>>
        tpu.enqueue_dma source(%dma_start3A_159 : memref<64x128xf32, #tpu.memory_space<vmem_shared>>) target(%dma_start3A_157 : memref<64x128xf32, #tpu.memory_space<hbm>>) target_semaphore(%run_scoped3A_155 : memref<!tpu.dma_semaphore, #tpu.memory_space<semaphore_mem>>)
        %dma_wait3A = arith.constant 0 : i32
        %dma_wait3A_160 = tpu.memref_slice %arg4[%add3A_146, %dma_wait3A] : memref<10240x128xf32, #tpu.memory_space<hbm>> -> memref<64x128xf32, #tpu.memory_space<hbm>>
        %dma_wait3A_161 = arith.constant 0 : i32
        %dma_wait3A_162 = tpu.memref_slice %arg6[%add3A_146, %dma_wait3A_161] : memref<10240x128xf32, #tpu.memory_space<vmem_shared>> -> memref<64x128xf32, #tpu.memory_space<vmem_shared>>
        tpu.wait_dma2 semaphore(%run_scoped3A_155 : memref<!tpu.dma_semaphore, #tpu.memory_space<semaphore_mem>>) src(%dma_wait3A_162 : memref<64x128xf32, #tpu.memory_space<vmem_shared>>) dst(%dma_wait3A_160 : memref<64x128xf32, #tpu.memory_space<hbm>>)
        tpu.yield
      }) : () -> ()
      %mul3A_147 = arith.constant 640 : i32
      %mul3A_148 = arith.muli %arg1, %mul3A_147 : i32
      %add3A_149 = arith.constant 512 : i32
      %add3A_150 = arith.addi %mul3A_148, %add3A_149 : i32
      "tpu.region"() ({
        %run_scoped3A_155 = tpu.sem_alloc : memref<!tpu.dma_semaphore, #tpu.memory_space<semaphore_mem>>
        %dma_start3A_156 = arith.constant 0 : i32
        %dma_start3A_157 = tpu.memref_slice %arg4[%add3A_150, %dma_start3A_156] : memref<10240x128xf32, #tpu.memory_space<hbm>> -> memref<64x128xf32, #tpu.memory_space<hbm>>
        %dma_start3A_158 = arith.constant 0 : i32
        %dma_start3A_159 = tpu.memref_slice %arg6[%add3A_150, %dma_start3A_158] : memref<10240x128xf32, #tpu.memory_space<vmem_shared>> -> memref<64x128xf32, #tpu.memory_space<vmem_shared>>
        tpu.enqueue_dma source(%dma_start3A_159 : memref<64x128xf32, #tpu.memory_space<vmem_shared>>) target(%dma_start3A_157 : memref<64x128xf32, #tpu.memory_space<hbm>>) target_semaphore(%run_scoped3A_155 : memref<!tpu.dma_semaphore, #tpu.memory_space<semaphore_mem>>)
        %dma_wait3A = arith.constant 0 : i32
        %dma_wait3A_160 = tpu.memref_slice %arg4[%add3A_150, %dma_wait3A] : memref<10240x128xf32, #tpu.memory_space<hbm>> -> memref<64x128xf32, #tpu.memory_space<hbm>>
        %dma_wait3A_161 = arith.constant 0 : i32
        %dma_wait3A_162 = tpu.memref_slice %arg6[%add3A_150, %dma_wait3A_161] : memref<10240x128xf32, #tpu.memory_space<vmem_shared>> -> memref<64x128xf32, #tpu.memory_space<vmem_shared>>
        tpu.wait_dma2 semaphore(%run_scoped3A_155 : memref<!tpu.dma_semaphore, #tpu.memory_space<semaphore_mem>>) src(%dma_wait3A_162 : memref<64x128xf32, #tpu.memory_space<vmem_shared>>) dst(%dma_wait3A_160 : memref<64x128xf32, #tpu.memory_space<hbm>>)
        tpu.yield
      }) : () -> ()
      %mul3A_151 = arith.constant 640 : i32
      %mul3A_152 = arith.muli %arg1, %mul3A_151 : i32
      %add3A_153 = arith.constant 576 : i32
      %add3A_154 = arith.addi %mul3A_152, %add3A_153 : i32
      "tpu.region"() ({
        %run_scoped3A_155 = tpu.sem_alloc : memref<!tpu.dma_semaphore, #tpu.memory_space<semaphore_mem>>
        %dma_start3A_156 = arith.constant 0 : i32
        %dma_start3A_157 = tpu.memref_slice %arg4[%add3A_154, %dma_start3A_156] : memref<10240x128xf32, #tpu.memory_space<hbm>> -> memref<64x128xf32, #tpu.memory_space<hbm>>
        %dma_start3A_158 = arith.constant 0 : i32
        %dma_start3A_159 = tpu.memref_slice %arg6[%add3A_154, %dma_start3A_158] : memref<10240x128xf32, #tpu.memory_space<vmem_shared>> -> memref<64x128xf32, #tpu.memory_space<vmem_shared>>
        tpu.enqueue_dma source(%dma_start3A_159 : memref<64x128xf32, #tpu.memory_space<vmem_shared>>) target(%dma_start3A_157 : memref<64x128xf32, #tpu.memory_space<hbm>>) target_semaphore(%run_scoped3A_155 : memref<!tpu.dma_semaphore, #tpu.memory_space<semaphore_mem>>)
        %dma_wait3A = arith.constant 0 : i32
        %dma_wait3A_160 = tpu.memref_slice %arg4[%add3A_154, %dma_wait3A] : memref<10240x128xf32, #tpu.memory_space<hbm>> -> memref<64x128xf32, #tpu.memory_space<hbm>>
        %dma_wait3A_161 = arith.constant 0 : i32
        %dma_wait3A_162 = tpu.memref_slice %arg6[%add3A_154, %dma_wait3A_161] : memref<10240x128xf32, #tpu.memory_space<vmem_shared>> -> memref<64x128xf32, #tpu.memory_space<vmem_shared>>
        tpu.wait_dma2 semaphore(%run_scoped3A_155 : memref<!tpu.dma_semaphore, #tpu.memory_space<semaphore_mem>>) src(%dma_wait3A_162 : memref<64x128xf32, #tpu.memory_space<vmem_shared>>) dst(%dma_wait3A_160 : memref<64x128xf32, #tpu.memory_space<hbm>>)
        tpu.yield
      }) : () -> ()
    } else {
    }
    %eq3A_110 = arith.constant 1 : i32
    %eq3A_111 = arith.cmpi eq, %arg0, %eq3A_110 : i32
    %convert_element_type3A_112 = arith.extui %eq3A_111 : i1 to i32
    %cond3A_113 = arith.constant 0 : i32
    %cond3A_114 = arith.cmpi ne, %convert_element_type3A_112, %cond3A_113 : i32
    scf.if %cond3A_114 {
      %mul3A_115 = arith.constant 640 : i32
      %mul3A_116 = arith.muli %arg1, %mul3A_115 : i32
      %add3A_117 = arith.constant 0 : i32
      %add3A_118 = arith.addi %mul3A_116, %add3A_117 : i32
      "tpu.region"() ({
        %run_scoped3A_155 = tpu.sem_alloc : memref<!tpu.dma_semaphore, #tpu.memory_space<semaphore_mem>>
        %dma_start3A_156 = arith.constant 0 : i32
        %dma_start3A_157 = tpu.memref_slice %arg5[%add3A_118, %dma_start3A_156] : memref<10240x128xf32, #tpu.memory_space<hbm>> -> memref<64x128xf32, #tpu.memory_space<hbm>>
        %dma_start3A_158 = arith.constant 0 : i32
        %dma_start3A_159 = tpu.memref_slice %arg6[%add3A_118, %dma_start3A_158] : memref<10240x128xf32, #tpu.memory_space<vmem_shared>> -> memref<64x128xf32, #tpu.memory_space<vmem_shared>>
        tpu.enqueue_dma source(%dma_start3A_159 : memref<64x128xf32, #tpu.memory_space<vmem_shared>>) target(%dma_start3A_157 : memref<64x128xf32, #tpu.memory_space<hbm>>) target_semaphore(%run_scoped3A_155 : memref<!tpu.dma_semaphore, #tpu.memory_space<semaphore_mem>>)
        %dma_wait3A = arith.constant 0 : i32
        %dma_wait3A_160 = tpu.memref_slice %arg5[%add3A_118, %dma_wait3A] : memref<10240x128xf32, #tpu.memory_space<hbm>> -> memref<64x128xf32, #tpu.memory_space<hbm>>
        %dma_wait3A_161 = arith.constant 0 : i32
        %dma_wait3A_162 = tpu.memref_slice %arg6[%add3A_118, %dma_wait3A_161] : memref<10240x128xf32, #tpu.memory_space<vmem_shared>> -> memref<64x128xf32, #tpu.memory_space<vmem_shared>>
        tpu.wait_dma2 semaphore(%run_scoped3A_155 : memref<!tpu.dma_semaphore, #tpu.memory_space<semaphore_mem>>) src(%dma_wait3A_162 : memref<64x128xf32, #tpu.memory_space<vmem_shared>>) dst(%dma_wait3A_160 : memref<64x128xf32, #tpu.memory_space<hbm>>)
        tpu.yield
      }) : () -> ()
      %mul3A_119 = arith.constant 640 : i32
      %mul3A_120 = arith.muli %arg1, %mul3A_119 : i32
      %add3A_121 = arith.constant 64 : i32
      %add3A_122 = arith.addi %mul3A_120, %add3A_121 : i32
      "tpu.region"() ({
        %run_scoped3A_155 = tpu.sem_alloc : memref<!tpu.dma_semaphore, #tpu.memory_space<semaphore_mem>>
        %dma_start3A_156 = arith.constant 0 : i32
        %dma_start3A_157 = tpu.memref_slice %arg5[%add3A_122, %dma_start3A_156] : memref<10240x128xf32, #tpu.memory_space<hbm>> -> memref<64x128xf32, #tpu.memory_space<hbm>>
        %dma_start3A_158 = arith.constant 0 : i32
        %dma_start3A_159 = tpu.memref_slice %arg6[%add3A_122, %dma_start3A_158] : memref<10240x128xf32, #tpu.memory_space<vmem_shared>> -> memref<64x128xf32, #tpu.memory_space<vmem_shared>>
        tpu.enqueue_dma source(%dma_start3A_159 : memref<64x128xf32, #tpu.memory_space<vmem_shared>>) target(%dma_start3A_157 : memref<64x128xf32, #tpu.memory_space<hbm>>) target_semaphore(%run_scoped3A_155 : memref<!tpu.dma_semaphore, #tpu.memory_space<semaphore_mem>>)
        %dma_wait3A = arith.constant 0 : i32
        %dma_wait3A_160 = tpu.memref_slice %arg5[%add3A_122, %dma_wait3A] : memref<10240x128xf32, #tpu.memory_space<hbm>> -> memref<64x128xf32, #tpu.memory_space<hbm>>
        %dma_wait3A_161 = arith.constant 0 : i32
        %dma_wait3A_162 = tpu.memref_slice %arg6[%add3A_122, %dma_wait3A_161] : memref<10240x128xf32, #tpu.memory_space<vmem_shared>> -> memref<64x128xf32, #tpu.memory_space<vmem_shared>>
        tpu.wait_dma2 semaphore(%run_scoped3A_155 : memref<!tpu.dma_semaphore, #tpu.memory_space<semaphore_mem>>) src(%dma_wait3A_162 : memref<64x128xf32, #tpu.memory_space<vmem_shared>>) dst(%dma_wait3A_160 : memref<64x128xf32, #tpu.memory_space<hbm>>)
        tpu.yield
      }) : () -> ()
      %mul3A_123 = arith.constant 640 : i32
      %mul3A_124 = arith.muli %arg1, %mul3A_123 : i32
      %add3A_125 = arith.constant 128 : i32
      %add3A_126 = arith.addi %mul3A_124, %add3A_125 : i32
      "tpu.region"() ({
        %run_scoped3A_155 = tpu.sem_alloc : memref<!tpu.dma_semaphore, #tpu.memory_space<semaphore_mem>>
        %dma_start3A_156 = arith.constant 0 : i32
        %dma_start3A_157 = tpu.memref_slice %arg5[%add3A_126, %dma_start3A_156] : memref<10240x128xf32, #tpu.memory_space<hbm>> -> memref<64x128xf32, #tpu.memory_space<hbm>>
        %dma_start3A_158 = arith.constant 0 : i32
        %dma_start3A_159 = tpu.memref_slice %arg6[%add3A_126, %dma_start3A_158] : memref<10240x128xf32, #tpu.memory_space<vmem_shared>> -> memref<64x128xf32, #tpu.memory_space<vmem_shared>>
        tpu.enqueue_dma source(%dma_start3A_159 : memref<64x128xf32, #tpu.memory_space<vmem_shared>>) target(%dma_start3A_157 : memref<64x128xf32, #tpu.memory_space<hbm>>) target_semaphore(%run_scoped3A_155 : memref<!tpu.dma_semaphore, #tpu.memory_space<semaphore_mem>>)
        %dma_wait3A = arith.constant 0 : i32
        %dma_wait3A_160 = tpu.memref_slice %arg5[%add3A_126, %dma_wait3A] : memref<10240x128xf32, #tpu.memory_space<hbm>> -> memref<64x128xf32, #tpu.memory_space<hbm>>
        %dma_wait3A_161 = arith.constant 0 : i32
        %dma_wait3A_162 = tpu.memref_slice %arg6[%add3A_126, %dma_wait3A_161] : memref<10240x128xf32, #tpu.memory_space<vmem_shared>> -> memref<64x128xf32, #tpu.memory_space<vmem_shared>>
        tpu.wait_dma2 semaphore(%run_scoped3A_155 : memref<!tpu.dma_semaphore, #tpu.memory_space<semaphore_mem>>) src(%dma_wait3A_162 : memref<64x128xf32, #tpu.memory_space<vmem_shared>>) dst(%dma_wait3A_160 : memref<64x128xf32, #tpu.memory_space<hbm>>)
        tpu.yield
      }) : () -> ()
      %mul3A_127 = arith.constant 640 : i32
      %mul3A_128 = arith.muli %arg1, %mul3A_127 : i32
      %add3A_129 = arith.constant 192 : i32
      %add3A_130 = arith.addi %mul3A_128, %add3A_129 : i32
      "tpu.region"() ({
        %run_scoped3A_155 = tpu.sem_alloc : memref<!tpu.dma_semaphore, #tpu.memory_space<semaphore_mem>>
        %dma_start3A_156 = arith.constant 0 : i32
        %dma_start3A_157 = tpu.memref_slice %arg5[%add3A_130, %dma_start3A_156] : memref<10240x128xf32, #tpu.memory_space<hbm>> -> memref<64x128xf32, #tpu.memory_space<hbm>>
        %dma_start3A_158 = arith.constant 0 : i32
        %dma_start3A_159 = tpu.memref_slice %arg6[%add3A_130, %dma_start3A_158] : memref<10240x128xf32, #tpu.memory_space<vmem_shared>> -> memref<64x128xf32, #tpu.memory_space<vmem_shared>>
        tpu.enqueue_dma source(%dma_start3A_159 : memref<64x128xf32, #tpu.memory_space<vmem_shared>>) target(%dma_start3A_157 : memref<64x128xf32, #tpu.memory_space<hbm>>) target_semaphore(%run_scoped3A_155 : memref<!tpu.dma_semaphore, #tpu.memory_space<semaphore_mem>>)
        %dma_wait3A = arith.constant 0 : i32
        %dma_wait3A_160 = tpu.memref_slice %arg5[%add3A_130, %dma_wait3A] : memref<10240x128xf32, #tpu.memory_space<hbm>> -> memref<64x128xf32, #tpu.memory_space<hbm>>
        %dma_wait3A_161 = arith.constant 0 : i32
        %dma_wait3A_162 = tpu.memref_slice %arg6[%add3A_130, %dma_wait3A_161] : memref<10240x128xf32, #tpu.memory_space<vmem_shared>> -> memref<64x128xf32, #tpu.memory_space<vmem_shared>>
        tpu.wait_dma2 semaphore(%run_scoped3A_155 : memref<!tpu.dma_semaphore, #tpu.memory_space<semaphore_mem>>) src(%dma_wait3A_162 : memref<64x128xf32, #tpu.memory_space<vmem_shared>>) dst(%dma_wait3A_160 : memref<64x128xf32, #tpu.memory_space<hbm>>)
        tpu.yield
      }) : () -> ()
      %mul3A_131 = arith.constant 640 : i32
      %mul3A_132 = arith.muli %arg1, %mul3A_131 : i32
      %add3A_133 = arith.constant 256 : i32
      %add3A_134 = arith.addi %mul3A_132, %add3A_133 : i32
      "tpu.region"() ({
        %run_scoped3A_155 = tpu.sem_alloc : memref<!tpu.dma_semaphore, #tpu.memory_space<semaphore_mem>>
        %dma_start3A_156 = arith.constant 0 : i32
        %dma_start3A_157 = tpu.memref_slice %arg5[%add3A_134, %dma_start3A_156] : memref<10240x128xf32, #tpu.memory_space<hbm>> -> memref<64x128xf32, #tpu.memory_space<hbm>>
        %dma_start3A_158 = arith.constant 0 : i32
        %dma_start3A_159 = tpu.memref_slice %arg6[%add3A_134, %dma_start3A_158] : memref<10240x128xf32, #tpu.memory_space<vmem_shared>> -> memref<64x128xf32, #tpu.memory_space<vmem_shared>>
        tpu.enqueue_dma source(%dma_start3A_159 : memref<64x128xf32, #tpu.memory_space<vmem_shared>>) target(%dma_start3A_157 : memref<64x128xf32, #tpu.memory_space<hbm>>) target_semaphore(%run_scoped3A_155 : memref<!tpu.dma_semaphore, #tpu.memory_space<semaphore_mem>>)
        %dma_wait3A = arith.constant 0 : i32
        %dma_wait3A_160 = tpu.memref_slice %arg5[%add3A_134, %dma_wait3A] : memref<10240x128xf32, #tpu.memory_space<hbm>> -> memref<64x128xf32, #tpu.memory_space<hbm>>
        %dma_wait3A_161 = arith.constant 0 : i32
        %dma_wait3A_162 = tpu.memref_slice %arg6[%add3A_134, %dma_wait3A_161] : memref<10240x128xf32, #tpu.memory_space<vmem_shared>> -> memref<64x128xf32, #tpu.memory_space<vmem_shared>>
        tpu.wait_dma2 semaphore(%run_scoped3A_155 : memref<!tpu.dma_semaphore, #tpu.memory_space<semaphore_mem>>) src(%dma_wait3A_162 : memref<64x128xf32, #tpu.memory_space<vmem_shared>>) dst(%dma_wait3A_160 : memref<64x128xf32, #tpu.memory_space<hbm>>)
        tpu.yield
      }) : () -> ()
      %mul3A_135 = arith.constant 640 : i32
      %mul3A_136 = arith.muli %arg1, %mul3A_135 : i32
      %add3A_137 = arith.constant 320 : i32
      %add3A_138 = arith.addi %mul3A_136, %add3A_137 : i32
      "tpu.region"() ({
        %run_scoped3A_155 = tpu.sem_alloc : memref<!tpu.dma_semaphore, #tpu.memory_space<semaphore_mem>>
        %dma_start3A_156 = arith.constant 0 : i32
        %dma_start3A_157 = tpu.memref_slice %arg5[%add3A_138, %dma_start3A_156] : memref<10240x128xf32, #tpu.memory_space<hbm>> -> memref<64x128xf32, #tpu.memory_space<hbm>>
        %dma_start3A_158 = arith.constant 0 : i32
        %dma_start3A_159 = tpu.memref_slice %arg6[%add3A_138, %dma_start3A_158] : memref<10240x128xf32, #tpu.memory_space<vmem_shared>> -> memref<64x128xf32, #tpu.memory_space<vmem_shared>>
        tpu.enqueue_dma source(%dma_start3A_159 : memref<64x128xf32, #tpu.memory_space<vmem_shared>>) target(%dma_start3A_157 : memref<64x128xf32, #tpu.memory_space<hbm>>) target_semaphore(%run_scoped3A_155 : memref<!tpu.dma_semaphore, #tpu.memory_space<semaphore_mem>>)
        %dma_wait3A = arith.constant 0 : i32
        %dma_wait3A_160 = tpu.memref_slice %arg5[%add3A_138, %dma_wait3A] : memref<10240x128xf32, #tpu.memory_space<hbm>> -> memref<64x128xf32, #tpu.memory_space<hbm>>
        %dma_wait3A_161 = arith.constant 0 : i32
        %dma_wait3A_162 = tpu.memref_slice %arg6[%add3A_138, %dma_wait3A_161] : memref<10240x128xf32, #tpu.memory_space<vmem_shared>> -> memref<64x128xf32, #tpu.memory_space<vmem_shared>>
        tpu.wait_dma2 semaphore(%run_scoped3A_155 : memref<!tpu.dma_semaphore, #tpu.memory_space<semaphore_mem>>) src(%dma_wait3A_162 : memref<64x128xf32, #tpu.memory_space<vmem_shared>>) dst(%dma_wait3A_160 : memref<64x128xf32, #tpu.memory_space<hbm>>)
        tpu.yield
      }) : () -> ()
      %mul3A_139 = arith.constant 640 : i32
      %mul3A_140 = arith.muli %arg1, %mul3A_139 : i32
      %add3A_141 = arith.constant 384 : i32
      %add3A_142 = arith.addi %mul3A_140, %add3A_141 : i32
      "tpu.region"() ({
        %run_scoped3A_155 = tpu.sem_alloc : memref<!tpu.dma_semaphore, #tpu.memory_space<semaphore_mem>>
        %dma_start3A_156 = arith.constant 0 : i32
        %dma_start3A_157 = tpu.memref_slice %arg5[%add3A_142, %dma_start3A_156] : memref<10240x128xf32, #tpu.memory_space<hbm>> -> memref<64x128xf32, #tpu.memory_space<hbm>>
        %dma_start3A_158 = arith.constant 0 : i32
        %dma_start3A_159 = tpu.memref_slice %arg6[%add3A_142, %dma_start3A_158] : memref<10240x128xf32, #tpu.memory_space<vmem_shared>> -> memref<64x128xf32, #tpu.memory_space<vmem_shared>>
        tpu.enqueue_dma source(%dma_start3A_159 : memref<64x128xf32, #tpu.memory_space<vmem_shared>>) target(%dma_start3A_157 : memref<64x128xf32, #tpu.memory_space<hbm>>) target_semaphore(%run_scoped3A_155 : memref<!tpu.dma_semaphore, #tpu.memory_space<semaphore_mem>>)
        %dma_wait3A = arith.constant 0 : i32
        %dma_wait3A_160 = tpu.memref_slice %arg5[%add3A_142, %dma_wait3A] : memref<10240x128xf32, #tpu.memory_space<hbm>> -> memref<64x128xf32, #tpu.memory_space<hbm>>
        %dma_wait3A_161 = arith.constant 0 : i32
        %dma_wait3A_162 = tpu.memref_slice %arg6[%add3A_142, %dma_wait3A_161] : memref<10240x128xf32, #tpu.memory_space<vmem_shared>> -> memref<64x128xf32, #tpu.memory_space<vmem_shared>>
        tpu.wait_dma2 semaphore(%run_scoped3A_155 : memref<!tpu.dma_semaphore, #tpu.memory_space<semaphore_mem>>) src(%dma_wait3A_162 : memref<64x128xf32, #tpu.memory_space<vmem_shared>>) dst(%dma_wait3A_160 : memref<64x128xf32, #tpu.memory_space<hbm>>)
        tpu.yield
      }) : () -> ()
      %mul3A_143 = arith.constant 640 : i32
      %mul3A_144 = arith.muli %arg1, %mul3A_143 : i32
      %add3A_145 = arith.constant 448 : i32
      %add3A_146 = arith.addi %mul3A_144, %add3A_145 : i32
      "tpu.region"() ({
        %run_scoped3A_155 = tpu.sem_alloc : memref<!tpu.dma_semaphore, #tpu.memory_space<semaphore_mem>>
        %dma_start3A_156 = arith.constant 0 : i32
        %dma_start3A_157 = tpu.memref_slice %arg5[%add3A_146, %dma_start3A_156] : memref<10240x128xf32, #tpu.memory_space<hbm>> -> memref<64x128xf32, #tpu.memory_space<hbm>>
        %dma_start3A_158 = arith.constant 0 : i32
        %dma_start3A_159 = tpu.memref_slice %arg6[%add3A_146, %dma_start3A_158] : memref<10240x128xf32, #tpu.memory_space<vmem_shared>> -> memref<64x128xf32, #tpu.memory_space<vmem_shared>>
        tpu.enqueue_dma source(%dma_start3A_159 : memref<64x128xf32, #tpu.memory_space<vmem_shared>>) target(%dma_start3A_157 : memref<64x128xf32, #tpu.memory_space<hbm>>) target_semaphore(%run_scoped3A_155 : memref<!tpu.dma_semaphore, #tpu.memory_space<semaphore_mem>>)
        %dma_wait3A = arith.constant 0 : i32
        %dma_wait3A_160 = tpu.memref_slice %arg5[%add3A_146, %dma_wait3A] : memref<10240x128xf32, #tpu.memory_space<hbm>> -> memref<64x128xf32, #tpu.memory_space<hbm>>
        %dma_wait3A_161 = arith.constant 0 : i32
        %dma_wait3A_162 = tpu.memref_slice %arg6[%add3A_146, %dma_wait3A_161] : memref<10240x128xf32, #tpu.memory_space<vmem_shared>> -> memref<64x128xf32, #tpu.memory_space<vmem_shared>>
        tpu.wait_dma2 semaphore(%run_scoped3A_155 : memref<!tpu.dma_semaphore, #tpu.memory_space<semaphore_mem>>) src(%dma_wait3A_162 : memref<64x128xf32, #tpu.memory_space<vmem_shared>>) dst(%dma_wait3A_160 : memref<64x128xf32, #tpu.memory_space<hbm>>)
        tpu.yield
      }) : () -> ()
      %mul3A_147 = arith.constant 640 : i32
      %mul3A_148 = arith.muli %arg1, %mul3A_147 : i32
      %add3A_149 = arith.constant 512 : i32
      %add3A_150 = arith.addi %mul3A_148, %add3A_149 : i32
      "tpu.region"() ({
        %run_scoped3A_155 = tpu.sem_alloc : memref<!tpu.dma_semaphore, #tpu.memory_space<semaphore_mem>>
        %dma_start3A_156 = arith.constant 0 : i32
        %dma_start3A_157 = tpu.memref_slice %arg5[%add3A_150, %dma_start3A_156] : memref<10240x128xf32, #tpu.memory_space<hbm>> -> memref<64x128xf32, #tpu.memory_space<hbm>>
        %dma_start3A_158 = arith.constant 0 : i32
        %dma_start3A_159 = tpu.memref_slice %arg6[%add3A_150, %dma_start3A_158] : memref<10240x128xf32, #tpu.memory_space<vmem_shared>> -> memref<64x128xf32, #tpu.memory_space<vmem_shared>>
        tpu.enqueue_dma source(%dma_start3A_159 : memref<64x128xf32, #tpu.memory_space<vmem_shared>>) target(%dma_start3A_157 : memref<64x128xf32, #tpu.memory_space<hbm>>) target_semaphore(%run_scoped3A_155 : memref<!tpu.dma_semaphore, #tpu.memory_space<semaphore_mem>>)
        %dma_wait3A = arith.constant 0 : i32
        %dma_wait3A_160 = tpu.memref_slice %arg5[%add3A_150, %dma_wait3A] : memref<10240x128xf32, #tpu.memory_space<hbm>> -> memref<64x128xf32, #tpu.memory_space<hbm>>
        %dma_wait3A_161 = arith.constant 0 : i32
        %dma_wait3A_162 = tpu.memref_slice %arg6[%add3A_150, %dma_wait3A_161] : memref<10240x128xf32, #tpu.memory_space<vmem_shared>> -> memref<64x128xf32, #tpu.memory_space<vmem_shared>>
        tpu.wait_dma2 semaphore(%run_scoped3A_155 : memref<!tpu.dma_semaphore, #tpu.memory_space<semaphore_mem>>) src(%dma_wait3A_162 : memref<64x128xf32, #tpu.memory_space<vmem_shared>>) dst(%dma_wait3A_160 : memref<64x128xf32, #tpu.memory_space<hbm>>)
        tpu.yield
      }) : () -> ()
      %mul3A_151 = arith.constant 640 : i32
      %mul3A_152 = arith.muli %arg1, %mul3A_151 : i32
      %add3A_153 = arith.constant 576 : i32
      %add3A_154 = arith.addi %mul3A_152, %add3A_153 : i32
      "tpu.region"() ({
        %run_scoped3A_155 = tpu.sem_alloc : memref<!tpu.dma_semaphore, #tpu.memory_space<semaphore_mem>>
        %dma_start3A_156 = arith.constant 0 : i32
        %dma_start3A_157 = tpu.memref_slice %arg5[%add3A_154, %dma_start3A_156] : memref<10240x128xf32, #tpu.memory_space<hbm>> -> memref<64x128xf32, #tpu.memory_space<hbm>>
        %dma_start3A_158 = arith.constant 0 : i32
        %dma_start3A_159 = tpu.memref_slice %arg6[%add3A_154, %dma_start3A_158] : memref<10240x128xf32, #tpu.memory_space<vmem_shared>> -> memref<64x128xf32, #tpu.memory_space<vmem_shared>>
        tpu.enqueue_dma source(%dma_start3A_159 : memref<64x128xf32, #tpu.memory_space<vmem_shared>>) target(%dma_start3A_157 : memref<64x128xf32, #tpu.memory_space<hbm>>) target_semaphore(%run_scoped3A_155 : memref<!tpu.dma_semaphore, #tpu.memory_space<semaphore_mem>>)
        %dma_wait3A = arith.constant 0 : i32
        %dma_wait3A_160 = tpu.memref_slice %arg5[%add3A_154, %dma_wait3A] : memref<10240x128xf32, #tpu.memory_space<hbm>> -> memref<64x128xf32, #tpu.memory_space<hbm>>
        %dma_wait3A_161 = arith.constant 0 : i32
        %dma_wait3A_162 = tpu.memref_slice %arg6[%add3A_154, %dma_wait3A_161] : memref<10240x128xf32, #tpu.memory_space<vmem_shared>> -> memref<64x128xf32, #tpu.memory_space<vmem_shared>>
        tpu.wait_dma2 semaphore(%run_scoped3A_155 : memref<!tpu.dma_semaphore, #tpu.memory_space<semaphore_mem>>) src(%dma_wait3A_162 : memref<64x128xf32, #tpu.memory_space<vmem_shared>>) dst(%dma_wait3A_160 : memref<64x128xf32, #tpu.memory_space<hbm>>)
        tpu.yield
      }) : () -> ()
    } else {
    }
    return
  }
}

</mosaic_0001>

<sc_bundles>
// kernel: kernel.4.cloned.1.call-start
scs
__scs_entry_jumppad:
0x0: {  	(pc) =	sbr.rel $0x88, $3  }
0x1: {  	(tag) =	ssettag $0x0;
	lr =	simm.s32 $0x1  }
0x2: {  	[smem:$0x3F9E] =	sst lr;
	_ =	strace $0xD0000000  }
0x3: {  	_ = 	snop  }
0x4: {  	_ = 	snop  }
0x5: {  	_ = 	snop  }
0x6: {  	_ = 	snop  }
0x7: {  	_ = 	snop  }
__scs_overlays_trampoline_lowered:
0x8: {  	[smem:$0x3FAD] =	sst s0  }
0x9: {  	[smem:$0x3FAE] =	sst s1  }
0xa: {  	[smem:$0x3FAF] =	sst s2  }
0xb: {  	[smem:$0x3FB0] =	sst s3  }
0xc: {  	[smem:$0x3FB1] =	sst s4  }
0xd: {  	[smem:$0x3FB2] =	sst s5  }
0xe: {  	[smem:$0x3FB3] =	sst s6  }
0xf: {  	[smem:$0x3FB4] =	sst s7  }
0x10: {  	[smem:$0x3FB5] =	sst s8  }
0x11: {  	[smem:$0x3FB6] =	sst s9;
	s0 =	simm.s32 @!p0 $0x0  }
0x12: {  	s1 =	sld [smem:$0x3F9C];
	s0 =	simm.s32 @p0 $0x1  }
0x13: {  	[smem:$0x3FB7] =	sst s0;
	s0 =	simm.s32 @!p1 $0x0  }
0x14: {  	s2 =	sld [smem:$0x3F9B];
	s0 =	simm.s32 @p1 $0x1  }
0x15: {  	[smem:$0x3FB8] =	sst s0;
	s0 =	simm.s32 @!p2 $0x0  }
0x16: {  	s3 =	sld [smem:$0x3FDB];
	s0 =	simm.s32 @p2 $0x1  }
0x17: {  	s4 =	simm.s32 $0x1BF5;
	[smem:$0x3FBA] =	sst s0  }
0x18: {  	s0 =	sld [smem:$0x3F9D];
	_ =	swait.ge [sflag:s4], $0x0  }
0x19: {  	s7 =	sld [smem:$0x3F9E]  }
0x1a: {  	s8 =	sadd.s32 $0xFFFFE003, lr  }
0x1b: {  	s9 =	sadd.s32 $0xFFFFFEF7, lr;
	s5 =	simm.s32 $0xFFFFFFFF;
	p2 =	slt.u32 s8, $0xFFFFF086  }
0x1c: {  	p1 =	slt.u32 s9, $0xF7A;
	s5 =	simm.s32 @!p2 $0x0  }
0x1d: {  	s5 =	simm.s32 @p1 $0x1;
	p0 =	seq.s32 s7, s2  }
0x1e: {  	s7 =	smul.u32 @!p0 $0xF7A, s2;
	p2 =	seq.s32 @!p0 s5, $0x0  }
0x1f: {  	s9 =	smul.u32 $0xF7A, s1;
	s8 =	simm.s32 @!p0 $0x1BF5;
	p2 =	por !p2, p0  }
0x20: {  	[sflag:s8] =	ssyncset.s32 @!p0 $0xFFFFF086;
	s6 =	sadd.s32 @!p0 s3, s7;
	s7 =	simm.s32 @!p0 $0x108  }
0x21: {  	s3 =	sadd.s32 s3, s9;
	s6 =	sadd.s32 @!p0 $0x88, s6;
	s7 =	simm.s32 @p2 $0x1082  }
0x22: {  	[simem:s7], [sflag:s8] =	dma.local @!p0 [hbm:s6], $0xF7A  }
0x23: {  	s9 =	sor.u32 $0xD0000000, s2;
	s6 =	simm.s32 $0x108;
	_ =	swait.ge @!p0 [sflag:s8], $0x0  }
0x24: {  	s3 =	sadd.s32 $0x88, s3;
	s6 =	simm.s32 @!p1 $0x1082;
	[sflag:s4] =	ssyncset.s32 $0xFFFFF086  }
0x25: {  	[simem:s6], [sflag:s4] =	dma.local [hbm:s3], $0xF7A  }
0x26: {  	[smem:$0x3F9E] =	sst s1;
	(tag) =	ssettag s2;
	_ =	strace s9  }
0x27: {  	s1 =	sld [smem:$0x3FAE]  }
0x28: {  	s2 =	sld [smem:$0x3FAF]  }
0x29: {  	s4 =	sld [smem:$0x3FB1]  }
0x2a: {  	p0 =	seq.s32 s5, $0x0;
	s5 =	sld [smem:$0x3FB2]  }
0x2b: {  	s6 =	sld [smem:$0x3FB3]  }
0x2c: {  	s7 =	sld [smem:$0x3FB4]  }
0x2d: {  	s3 =	simm.s32 $0x108;
	s8 =	sld [smem:$0x3FB5]  }
0x2e: {  	s3 =	simm.s32 @!p0 $0x1082;
	s9 =	sld [smem:$0x3FB6]  }
0x2f: {  	lr =	sadd.s32 s0, s3;
	s0 =	sld [smem:$0x3FAD]  }
0x30: {  	s3 =	sld [smem:$0x3FB0]  }
0x31: {  	[smem:$0x3FB9] =	sst s10  }
0x32: {  	s10 =	sld [smem:$0x3FB7];
	_ =	sdelay $0x3  }
0x33: {  	p0 =	seq.s32 s10, $0x1;
	s10 =	sld [smem:$0x3FB9];
	_ =	sdelay $0x3  }
0x34: {  	[smem:$0x3FB9] =	sst s10  }
0x35: {  	s10 =	sld [smem:$0x3FB8];
	_ =	sdelay $0x3  }
0x36: {  	p1 =	seq.s32 s10, $0x1;
	s10 =	sld [smem:$0x3FB9];
	_ =	sdelay $0x3  }
0x37: {  	[smem:$0x3FB9] =	sst s10  }
0x38: {  	s10 =	sld [smem:$0x3FBA]  }
0x39: {  	_ = 	snop;
	(pc) =	sbr.ind lr, $3  }
0x3a: {  	_ = 	snop  }
0x3b: {  	_ = 	snop  }
0x3c: {  	p2 =	seq.s32 s10, $0x1;
	s10 =	sld [smem:$0x3FB9]  }
0x3d: {  	_ =	shalt  }
0x3e: {  	_ =	shalt  }
0x3f: {  	_ =	shalt  }
0x40: {  	_ =	shalt  }
0x41: {  	_ =	shalt  }
0x42: {  	_ =	shalt  }
0x43: {  	_ =	shalt  }
0x44: {  	_ =	shalt  }
0x45: {  	_ =	shalt  }
0x46: {  	_ =	shalt  }
0x47: {  	_ =	shalt  }
0x48: {  	_ =	shalt  }
0x49: {  	_ =	shalt  }
0x4a: {  	_ =	shalt  }
0x4b: {  	_ =	shalt  }
0x4c: {  	_ =	shalt  }
0x4d: {  	_ =	shalt  }
0x4e: {  	_ =	shalt  }
0x4f: {  	_ =	shalt  }
0x50: {  	_ =	shalt  }
0x51: {  	_ =	shalt  }
0x52: {  	_ =	shalt  }
0x53: {  	_ =	shalt  }
0x54: {  	_ =	shalt  }
0x55: {  	_ =	shalt  }
0x56: {  	_ =	shalt  }
0x57: {  	_ =	shalt  }
0x58: {  	_ =	shalt  }
0x59: {  	_ =	shalt  }
0x5a: {  	_ =	shalt  }
0x5b: {  	_ =	shalt  }
0x5c: {  	_ =	shalt  }
0x5d: {  	_ =	shalt  }
0x5e: {  	_ =	shalt  }
0x5f: {  	_ =	shalt  }
0x60: {  	_ =	shalt  }
0x61: {  	_ =	shalt  }
0x62: {  	_ =	shalt  }
0x63: {  	_ =	shalt  }
0x64: {  	_ =	shalt  }
0x65: {  	_ =	shalt  }
0x66: {  	_ =	shalt  }
0x67: {  	_ =	shalt  }
0x68: {  	_ =	shalt  }
0x69: {  	_ =	shalt  }
0x6a: {  	_ =	shalt  }
0x6b: {  	_ =	shalt  }
0x6c: {  	_ =	shalt  }
0x6d: {  	_ =	shalt  }
0x6e: {  	_ =	shalt  }
0x6f: {  	_ =	shalt  }
0x70: {  	_ =	shalt  }
0x71: {  	_ =	shalt  }
0x72: {  	_ =	shalt  }
0x73: {  	_ =	shalt  }
0x74: {  	_ =	shalt  }
0x75: {  	_ =	shalt  }
0x76: {  	_ =	shalt  }
0x77: {  	_ =	shalt  }
0x78: {  	_ =	shalt  }
0x79: {  	_ =	shalt  }
0x7a: {  	_ =	shalt  }
0x7b: {  	_ =	shalt  }
0x7c: {  	_ =	shalt  }
0x7d: {  	_ =	shalt  }
0x7e: {  	_ =	shalt  }
0x7f: {  	_ =	shalt  }
0x80: {  	_ =	shalt  }
0x81: {  	_ =	shalt  }
0x82: {  	_ =	shalt  }
0x83: {  	_ =	shalt  }
0x84: {  	_ =	shalt  }
0x85: {  	_ =	shalt  }
0x86: {  	_ =	shalt  }
0x87: {  	_ =	shalt  }
.Lfunc_end0:
.L_simem_size_0:
called_computation_lowered:
.L_overlay_start_0:
0x88: {  	s2 =	sld [smem:$0x3FD9]  }
0x89: {  	s3 =	sld [smem:$0x3FFE];
	_ =	sdelay $0x1  }
0x8a: {  	s1 =	srdreg.scid  }
0x8b: {  	s0 =	sand.u32 $0x1, s1  }
0x8c: {  	s17 =	sshll.u32 s0, $0xA;
	s2 =	sadd.s32 s3, s2  }
0x8d: {  	s2 =	sadd.s32 s2, s17  }
0x8e: {  	[smem:$0x3FC5] =	sst s2  }
0x8f: {  	_ = 	snop  }
0x90: {  	s2 =	sld [smem:$0x3FC9]  }
0x91: {  	s18 =	sld [smem:$0x3FC8];
	(tm) =	ssettm $0x1  }
0x92: {  	s4 =	sld [smem:$0x3FFB];
	_ =	sdelay $0x3  }
0x93: {  	_ =	strace s4  }
0x94: {  	s4 =	sld [smem:$0x3FFC];
	_ =	sdelay $0x3  }
0x95: {  	_ =	strace s4  }
0x96: {  	s4 =	sld [smem:$0x3FFD];
	_ =	sdelay $0x3  }
0x97: {  	_ =	strace s4  }
0x98: {  	_ =	strace $0x8FFFFFFF  }
0x99: {  	s19 =	sld [smem:$0x3FDB];
	_ =	sdelay $0x1  }
0x9a: {  	s5 =	simm.s32 $_scs_section_size  }
0x9b: {  	s6 =	simm.s32 $_size__tile_overlayer_lowered;
	s7 =	simm.s32 $_tile_overlayer_lowered  }
0x9c: {  	s22 =	simm.s32 $0x1BFF;
	s21 =	sshll.u32 s7, $0x1;
	s4 =	sadd.s32 s5, s19  }
0x9d: {  	s8 =	simm.s32 $0x0;
	s20 =	sshll.u32 s6, $0x1;
	s6 =	sadd.s32 s21, s4  }
0x9e: {  	[timem:s8], [sflag:s22] =	dma.local [hbm:s6], s20  }
0x9f: {  	_ =	swait.ge [sflag:s22], s20  }
0xa0: {  	s5 =	ssub.s32 $0x0, s20;
	[sflag:s22] =	ssyncset.done $0x0  }
0xa1: {  	[sflag:s22] =	ssyncadd.s32 s5;
	_ =	sdelay $0x1  }
0xa2: {  	s23 =	simm.s32 $0x1B8B  }
0xa3: {  	_ =	swait.ge [sflag:s23], $0x1  }
0xa4: {  	[sflag:s23] =	ssyncset.done $0x0  }
0xa5: {  	s25 =	simm.s32 $0x1B8E;
	s24 =	sld [smem:$0x3FFE];
	[sflag:s23] =	ssyncadd.s32 $0xFFFFFFFF  }
0xa6: {  	s26 =	simm.s32 $execute0_lowered;
	[smem:$0x3FD2] =	sst s25  }
0xa7: {  	s6 =	sshll.u32 s26, $0x1;
	_ =	strace $0x80000046;
	[dreg:$0x1] =	wrdreg $0xFFFFFFFF  }
0xa8: {  	s28 =	simm.s32 $_size_execute0_lowered;
	s4 =	sadd.s32 s4, s6;
	[dreg:$0x0] =	wrdreg $0x0  }
0xa9: {  	s6 =	sshll.u32 s28, $0x1;
	[dreg:$0x2] =	wrdreg s4  }
0xaa: {  	[dreg:$0x3] =	wrdreg s6  }
0xab: {  	[dreg:$0x4] =	wrdreg $0xC0  }
0xac: {  	_ =	task [dreg:s8], $0x5FFFF  }
0xad: {  	[dreg:$0x1] =	wrdreg $0xFFFFFFFF  }
0xae: {  	[dreg:$0x0] =	wrdreg $0x60  }
0xaf: {  	[dreg:$0x2] =	wrdreg s2  }
0xb0: {  	[dreg:$0x3] =	wrdreg s18  }
0xb1: {  	[dreg:$0x4] =	wrdreg s24  }
0xb2: {  	[dreg:$0x5] =	wrdreg $0x0  }
0xb3: {  	[dreg:$0x6] =	wrdreg $0x9  }
0xb4: {  	_ =	task.clear_ibuf [dreg:s8], $0x7FFFF;
	_ =	strace $0x90000046  }
0xb5: {  	s29 =	simm.s32 $0x9;
	_ =	strace $0x80000048  }
0xb6: {  	_ =	swait.ge [sflag:s29], $0x1  }
0xb7: {  	[sflag:s29] =	ssyncadd.s32 $0xFFFFFFFF  }
0xb8: {  	_ =	strace $0x90000048  }
0xb9: {  	_ =	sfence  }
0xba: {  	s30 =	sld [smem:$0x0];
	_ =	sdelay $0x2  }
0xbb: {  	s31 =	sshll.u32 s1, $0xD;
	s1 =	sshrl.u32 s1, $0x2  }
0xbc: {  	s3 =	sand.u32 $0x4000, s31;
	s1 =	sadd.s32 s1, s30  }
0xbd: {  	s0 =	sor.u32 s3, s0;
	s1 =	sshll.u32 s1, $0x11  }
0xbe: {  	s0 =	sor.u32 s1, s0  }
0xbf: {  	s0 =	sadd.s32 $0x8F2B, s0  }
0xc0: {  	[sflag:s0] =	ssyncadd.remote.s32 $0x1  }
0xc1: {  	_ =	sfence.sel $0xFFFF  }
0xc2: {  	[dreg:$0x0] =	wrdreg $0xFFFFFFFF;
	(pc) =	sbr.abs _section_cstart, $3  }
0xc3: {  	[dreg:$0x1] =	wrdreg $0xFFFFFFFF  }
0xc4: {  	_ =	task.clear_ibuf [dreg:s8], $0x2FFFF;
	_ =	strace $0x9FFFFFFF  }
0xc5: {  	(tm) =	ssettm $0x7FFFFFFF  }
tec
execute0_lowered:
.L_overlay_start_1:
0x0: {  	(tag) =	ssettag $0x1  }
0x1: {  	s0 =	srdreg.scid;
	s5 =	rddreg [dreg:$0x0]  }
0x2: {  	s7 =	rddreg [dreg:$0x2];
	s25 =	stileid.u32  }
0x3: {  	s1 =	simm.s32 $0x0;
	s21 =	simm.s32 $0x28C00;
	s8 =	smul.u32 $0x280, s25  }
0x4: {  	s31 =	simm.s32 $0x0;
	s6 =	sand.u32 $0x1, s0;
	s29 =	smul.u32 $0x2800, s25  }
0x5: {  	[smem:$0x7FF] =	sst s1;
	s0 =	ssub.s32 $0x2, s6;
	s3 =	sshll.u32 s6, $0x4  }
0x6: {  	p0 =	seq.s32 s6, $0x1;
	s2 =	sshrl.u32 s0, $0x1;
	s9 =	sor.u32 s25, s3  }
0x7: {  	s10 =	sor.u32 $0x40, s8;
	s11 =	sadd.s32 $0x80, s8;
	s12 =	sadd.s32 $0xC0, s8  }
0x8: {  	s13 =	sadd.s32 $0x100, s8;
	s14 =	sadd.s32 $0x140, s8;
	s16 =	sadd.s32 $0x180, s8  }
0x9: {  	s18 =	sadd.s32 $0x1C0, s8;
	s4 =	sadd.s32 $0x200, s8;
	s3 =	sadd.s32 $0x240, s8  }
0xa: {  	s21 =	simm.s32 @!p0 $0xC00;
	s0 =	ssub.s32 s0, s2;
	s2 =	smul.u32 $0x2710, s9  }
0xb: {  	s8 =	smul.u32 $0x27100, s9;
	s15 =	sshll.u32 s10, $0x4;
	s17 =	sshll.u32 s11, $0x4  }
0xc: {  	s19 =	sshll.u32 s12, $0x4;
	s20 =	sshll.u32 s13, $0x4;
	s22 =	sshll.u32 s14, $0x4  }
0xd: {  	s23 =	sshll.u32 s16, $0x4;
	s24 =	sshll.u32 s18, $0x4;
	s7 =	sadd.s32 s21, s7  }
0xe: {  	s21 =	sshll.u32 s4, $0x4;
	s14 =	sshll.u32 s14, $0x7;
	s9 =	sadd.s32 s7, s29  }
0xf: {  	s16 =	sshll.u32 s16, $0x7;
	s15 =	sadd.s32 s7, s15;
	[dreg:$0x5] =	wrdreg s9  }
0x10: {  	s18 =	sshll.u32 s18, $0x7;
	s17 =	sadd.s32 s7, s17;
	[dreg:$0x6] =	wrdreg s15  }
0x11: {  	s4 =	sshll.u32 s4, $0x7;
	s19 =	sadd.s32 s7, s19;
	[dreg:$0x7] =	wrdreg s17  }
0x12: {  	s20 =	sadd.s32 s7, s20;
	s22 =	sadd.s32 s7, s22;
	[dreg:$0x8] =	wrdreg s19  }
0x13: {  	s23 =	sadd.s32 s7, s23;
	s26 =	sadd.s32 s7, s24;
	[dreg:$0x9] =	wrdreg s20  }
0x14: {  	s29 =	sshll.u32 s3, $0x4;
	s24 =	smul.u32 $0x2710, s25;
	[dreg:$0xa] =	wrdreg s22  }
0x15: {  	s3 =	sshll.u32 s3, $0x7;
	s0 =	smax.u32 s0, $0x1;
	[dreg:$0xb] =	wrdreg s23  }
0x16: {  	[dreg:$0xc] =	wrdreg s26;
	s17 =	sadd.s32 s7, s21;
	s20 =	smul.u32 $0x271000, s6  }
0x17: {  	s7 =	sadd.s32 s7, s29;
	s19 =	sadd.s32 s5, s8;
	s6 =	smul.u32 $0x27100, s6  }
0x18: {  	s29 =	sadd.s32 $0x2700, s2;
	s23 =	smul.u32 $0x27100, s25;
	s15 =	rddreg [dreg:$0x1]  }
0x19: {  	s25 =	smul.u32 $0x50000, s25;
	s26 =	sshll.u32 s10, $0x7;
	[dreg:$0xd] =	wrdreg s17  }
0x1a: {  	s10 =	sshll.u32 s11, $0x7;
	s11 =	sshll.u32 s12, $0x7;
	[dreg:$0xe] =	wrdreg s7  }
0x1b: {  	s12 =	sshll.u32 s13, $0x7;
	[dreg:$0xf] =	wrdreg s19;
	s7 =	sadd.s32 $0x40, s2  }
0x1c: {  	s22 =	sshll.u32 s29, $0x4;
	s17 =	rddreg [dreg:$0x3];
	s2 =	sshrl.u32 s2, $0x3  }
0x1d: {  	s21 =	sshll.u32 s7, $0x4;
	s6 =	sadd.s32 s24, s6;
	s8 =	sshrl.u32 s25, $0x2  }
0x1e: {  	s30 =	sadd.s32 s26, s17;
	s13 =	sadd.s32 s12, s17;
	s24 =	sadd.s32 s16, s17  }
0x1f: {  	s25 =	sadd.s32 s18, s17;
	s26 =	sadd.s32 s4, s17;
	s28 =	sadd.s32 s3, s17  }
0x20: {  	s2 =	sadd.s32 s15, s2;
	s19 =	sshrl.u32 s7, $0x3;
	s4 =	simm.s32 $0x18100  }
0x21: {  	s7 =	simm.s32 $0x18000;
	s12 =	simm.s32 $0x40;
	s9 =	sadd.s32 s5, s21  }
0x22: {  	s21 =	sshrl.u32 s29, $0x3;
	s3 =	sadd.s32 $0x80, s6;
	[dreg:$0x10] =	wrdreg s9  }
0x23: {  	s9 =	sadd.s32 s5, s22;
	s5 =	sadd.s32 s20, s5;
	s20 =	sadd.s32 s8, s17  }
0x24: {  	s8 =	sadd.s32 s10, s17;
	s22 =	sadd.s32 $0xC0, s6;
	s6 =	simm.s32 $0x14000  }
0x25: {  	s10 =	simm.s32 $0x1;
	[dreg:$0x11] =	wrdreg s9;
	s5 =	sadd.s32 s23, s5  }
0x26: {  	s23 =	sadd.s32 s14, s17;
	_ =	strace $0x80000047;
	[dreg:$0x12] =	wrdreg s8  }
0x27: {  	s29 =	sshrl.u32 s22, $0x3;
	s9 =	simm.s32 $0x18080;
	[dreg:$0x14] =	wrdreg s13  }
0x28: {  	s14 =	simm.s32 $0x4;
	s8 =	sadd.s32 s11, s17;
	[dreg:$0x15] =	wrdreg s2  }
0x29: {  	s2 =	sadd.s32 s15, s19;
	[dreg:$0x18] =	wrdreg s0;
	s0 =	sadd.s32 $0xC00, s5  }
0x2a: {  	s5 =	simm.s32 $0x5;
	s11 =	simm.s32 $0x3;
	[dreg:$0x13] =	wrdreg s8  }
0x2b: {  	s13 =	simm.s32 $0x2;
	[dreg:$0x16] =	wrdreg s2;
	s2 =	sadd.s32 s15, s21  }
0x2c: {  	v0 =	vimm.f32 $0.0e+00;
	s8 =	simm.s32 $0x16000;
	[dreg:$0x17] =	wrdreg s2;
	s2 =	sadd.s32 s29, s15  }
.LBB2_1:
0x2d: {  	s16 =	simm.s32 $0x0;
	s29 =	simm.s32 $0x200  }
.LBB2_2:
0x2e: {  	p0 =	sne.s32 s29, $0x7E00;
	[tilespmem:s16+$0x18170] =	vst v0  }
0x2f: {  	[tilespmem:s16+$0x18100] =	vst v0  }
0x30: {  	[tilespmem:s16+$0x18110] =	vst v0  }
.Ltmp0:
0x31: {  	[tilespmem:s16+$0x18120] =	vst v0;
	(pc) =	sbr.rel @p0 .LBB2_2-.Ltmp0, $4  }
0x32: {  	[tilespmem:s16+$0x18130] =	vst v0  }
0x33: {  	[tilespmem:s16+$0x18140] =	vst v0  }
0x34: {  	[tilespmem:s16+$0x18150] =	vst v0  }
0x35: {  	[tilespmem:s16+$0x18160] =	vst v0;
	s16 =	sshra.s32 s29, $0x2;
	s29 =	sadd.s32 $0x200, s29  }
0x36: {  	[tilespmem:s16+$0x18170] =	vst v0  }
0x37: {  	[tilespmem:s16+$0x18100] =	vst v0  }
0x38: {  	[tilespmem:s16+$0x18110] =	vst v0  }
0x39: {  	[tilespmem:s16+$0x18120] =	vst v0  }
0x3a: {  	[tilespmem:s16+$0x18130] =	vst v0  }
0x3b: {  	[tilespmem:s16+$0x18140] =	vst v0  }
0x3c: {  	[tilespmem:s16+$0x18150] =	vst v0  }
0x3d: {  	[tilespmem:s16+$0x18160] =	vst v0  }
0x3e: {  	[spmem:s20] =	stream.linear.scatter [tilespmem:s4], [sflag:$0x5], $0x2000, $0x38;
	[tilespmem:$0x1A980] =	vst v63  }
0x3f: {  	_ =	swait.ge [sflag:s5], $0x2000  }
0x40: {  	[sflag:s5] =	ssyncset.done $0x0  }
0x41: {  	[sflag:s5] =	ssyncadd.s32 $0xFFFFE000  }
0x42: {  	[spmem:s30] =	stream.linear.scatter [tilespmem:s4], [sflag:$0x5], $0x2000, $0x38;
	[tilespmem:$0x1A980] =	vst v63  }
0x43: {  	_ =	swait.ge [sflag:s5], $0x2000  }
0x44: {  	[sflag:s5] =	ssyncset.done $0x0  }
0x45: {  	s21 =	smov.u32 s20;
	s20 =	rddreg [dreg:$0x12];
	[sflag:s5] =	ssyncadd.s32 $0xFFFFE000  }
0x46: {  	[spmem:s20] =	stream.linear.scatter [tilespmem:s4], [sflag:$0x5], $0x2000, $0x38;
	[tilespmem:$0x1A980] =	vst v63  }
0x47: {  	_ =	swait.ge [sflag:s5], $0x2000  }
0x48: {  	[sflag:s5] =	ssyncset.done $0x0  }
0x49: {  	s18 =	rddreg [dreg:$0x13];
	[sflag:s5] =	ssyncadd.s32 $0xFFFFE000  }
0x4a: {  	[spmem:s18] =	stream.linear.scatter [tilespmem:s4], [sflag:$0x5], $0x2000, $0x38;
	[tilespmem:$0x1A980] =	vst v63  }
0x4b: {  	_ =	swait.ge [sflag:s5], $0x2000  }
0x4c: {  	[sflag:s5] =	ssyncset.done $0x0  }
0x4d: {  	s19 =	rddreg [dreg:$0x14];
	[sflag:s5] =	ssyncadd.s32 $0xFFFFE000  }
0x4e: {  	[spmem:s19] =	stream.linear.scatter [tilespmem:s4], [sflag:$0x5], $0x2000, $0x38;
	[tilespmem:$0x1A980] =	vst v63  }
0x4f: {  	_ =	swait.ge [sflag:s5], $0x2000  }
0x50: {  	[sflag:s5] =	ssyncset.done $0x0  }
0x51: {  	[sflag:s5] =	ssyncadd.s32 $0xFFFFE000  }
0x52: {  	[spmem:s23] =	stream.linear.scatter [tilespmem:s4], [sflag:$0x5], $0x2000, $0x38;
	[tilespmem:$0x1A980] =	vst v63  }
0x53: {  	_ =	swait.ge [sflag:s5], $0x2000  }
0x54: {  	[sflag:s5] =	ssyncset.done $0x0  }
0x55: {  	[sflag:s5] =	ssyncadd.s32 $0xFFFFE000  }
0x56: {  	[spmem:s24] =	stream.linear.scatter [tilespmem:s4], [sflag:$0x5], $0x2000, $0x38;
	[tilespmem:$0x1A980] =	vst v63  }
0x57: {  	_ =	swait.ge [sflag:s5], $0x2000  }
0x58: {  	[sflag:s5] =	ssyncset.done $0x0  }
0x59: {  	[sflag:s5] =	ssyncadd.s32 $0xFFFFE000  }
0x5a: {  	[spmem:s25] =	stream.linear.scatter [tilespmem:s4], [sflag:$0x5], $0x2000, $0x38;
	[tilespmem:$0x1A980] =	vst v63  }
0x5b: {  	_ =	swait.ge [sflag:s5], $0x2000  }
0x5c: {  	[sflag:s5] =	ssyncset.done $0x0  }
0x5d: {  	[sflag:s5] =	ssyncadd.s32 $0xFFFFE000  }
0x5e: {  	[spmem:s26] =	stream.linear.scatter [tilespmem:s4], [sflag:$0x5], $0x2000, $0x38;
	[tilespmem:$0x1A980] =	vst v63  }
0x5f: {  	_ =	swait.ge [sflag:s5], $0x2000  }
0x60: {  	[sflag:s5] =	ssyncset.done $0x0  }
0x61: {  	[sflag:s5] =	ssyncadd.s32 $0xFFFFE000  }
0x62: {  	[spmem:s28] =	stream.linear.scatter [tilespmem:s4], [sflag:$0x5], $0x2000, $0x38;
	[tilespmem:$0x1A980] =	vst v63  }
0x63: {  	_ =	swait.ge [sflag:s5], $0x2000  }
0x64: {  	[sflag:s5] =	ssyncset.done $0x0  }
0x65: {  	[sflag:s5] =	ssyncadd.s32 $0xFFFFE000  }
0x66: {  	[bflag:$0x0] =	sbarrier.arrive $0xFFFF  }
0x67: {  	s16 =	simm.s32 $0x0;
	s18 =	rddreg [dreg:$0xf]  }
0x68: {  	[tilespmem:s6], [sflag:$0x1] =	stream.linear.gather [hbm4b:s18+s16], $0x2000, $0x38;
	[tilespmem:$0x1A980] =	vst v63  }
0x69: {  	s20 =	rddreg [dreg:$0x15]  }
0x6a: {  	[tilespmem:s7], [sflag:$0x3] =	stream.linear.gather [hbm4b:s20+s16], $0x40, $0x38;
	[tilespmem:$0x1A980] =	vst v63  }
0x6b: {  	s19 =	rddreg [dreg:$0x10]  }
0x6c: {  	[tilespmem:s8], [sflag:$0x2] =	stream.linear.gather [hbm4b:s19+s16], $0x2000, $0x38;
	[tilespmem:$0x1A980] =	vst v63  }
0x6d: {  	s20 =	rddreg [dreg:$0x16]  }
0x6e: {  	[tilespmem:s9], [sflag:$0x4] =	stream.linear.gather [hbm4b:s20+s16], $0x40, $0x38;
	[tilespmem:$0x1A980] =	vst v63  }
0x6f: {  	_ =	swait.ge [sflag:s10], $0x2000  }
0x70: {  	[sflag:s10] =	ssyncset.done $0x0  }
0x71: {  	[sflag:s10] =	ssyncadd.s32 $0xFFFFE000  }
0x72: {  	_ =	swait.ge [sflag:s11], $0x40  }
0x73: {  	[sflag:s11] =	ssyncset.done $0x0  }
0x74: {  	[sflag:s11] =	ssyncadd.s32 $0xFFFFFFC0  }
0x75: {  	[spmem:s17] =	stream.indirect.scatter.add.f32 [tilespmem:s6], [sflag:$0x5], $0x80, s7, s12, $0xb8;
	[tilespmem:$0x1A980] =	vst v63  }
0x76: {  	_ =	swait.ge [sflag:s5], $0x2000  }
0x77: {  	[sflag:s5] =	ssyncset.done $0x0  }
0x78: {  	s18 =	sadd.s32 $0xFFFFFC00, s0;
	s19 =	sshrl.u32 s3, $0x3;
	[sflag:s5] =	ssyncadd.s32 $0xFFFFE000  }
0x79: {  	[tilespmem:s6], [sflag:$0x1] =	stream.linear.gather [hbm4b:s18+s1], $0x2000, $0x38;
	[tilespmem:$0x1A980] =	vst v63  }
0x7a: {  	s20 =	sadd.s32 s15, s19  }
0x7b: {  	[tilespmem:s7], [sflag:$0x3] =	stream.linear.gather [hbm4b:s20+s1], $0x40, $0x38;
	[tilespmem:$0x1A980] =	vst v63  }
0x7c: {  	_ =	swait.ge [sflag:s13], $0x2000  }
0x7d: {  	[sflag:s13] =	ssyncset.done $0x0  }
0x7e: {  	[sflag:s13] =	ssyncadd.s32 $0xFFFFE000  }
0x7f: {  	_ =	swait.ge [sflag:s14], $0x40  }
0x80: {  	[sflag:s14] =	ssyncset.done $0x0  }
0x81: {  	[sflag:s14] =	ssyncadd.s32 $0xFFFFFFC0  }
0x82: {  	[spmem:s17] =	stream.indirect.scatter.add.f32 [tilespmem:s8], [sflag:$0x5], $0x80, s9, s12, $0xb8;
	[tilespmem:$0x1A980] =	vst v63  }
0x83: {  	s22 =	smov.u32 s30;
	_ =	swait.ge [sflag:s5], $0x2000  }
0x84: {  	s29 =	sadd.s32 $0x800, s0;
	s30 =	sadd.s32 $0x80, s3;
	[sflag:s5] =	ssyncset.done $0x0  }
0x85: {  	s16 =	simm.s32 $0x10;
	s18 =	sadd.s32 $0x0, s2;
	[sflag:s5] =	ssyncadd.s32 $0xFFFFE000  }
0x86: {  	[tilespmem:s8], [sflag:$0x2] =	stream.linear.gather [hbm4b:s0+s1], $0x2000, $0x38;
	[tilespmem:$0x1A980] =	vst v63  }
.LBB2_4:
0x87: {  	[tilespmem:s9], [sflag:$0x4] =	stream.linear.gather [hbm4b:s18+s1], $0x40, $0x38;
	[tilespmem:$0x1A980] =	vst v63  }
0x88: {  	s18 =	smov.u32 s16  }
0x89: {  	p0 =	sne.s32 s16, $0x4C0;
	s16 =	sadd.s32 $0x10, s16;
	_ =	swait.ge [sflag:s10], $0x2000  }
0x8a: {  	[sflag:s10] =	ssyncset.done $0x0  }
0x8b: {  	[sflag:s10] =	ssyncadd.s32 $0xFFFFE000  }
0x8c: {  	_ =	swait.ge [sflag:s11], $0x40  }
0x8d: {  	[sflag:s11] =	ssyncset.done $0x0  }
0x8e: {  	[sflag:s11] =	ssyncadd.s32 $0xFFFFFFC0  }
0x8f: {  	[spmem:s17] =	stream.indirect.scatter.add.f32 [tilespmem:s6], [sflag:$0x5], $0x80, s7, s12, $0xb8;
	[tilespmem:$0x1A980] =	vst v63  }
0x90: {  	_ =	swait.ge [sflag:s5], $0x2000  }
0x91: {  	[sflag:s5] =	ssyncset.done $0x0  }
0x92: {  	s19 =	sadd.s32 $0xFFFFFC00, s29;
	s20 =	sshrl.u32 s30, $0x3;
	[sflag:s5] =	ssyncadd.s32 $0xFFFFE000  }
0x93: {  	[tilespmem:s6], [sflag:$0x1] =	stream.linear.gather [hbm4b:s19+s1], $0x2000, $0x38;
	[tilespmem:$0x1A980] =	vst v63  }
0x94: {  	s19 =	sadd.s32 s15, s20  }
0x95: {  	[tilespmem:s7], [sflag:$0x3] =	stream.linear.gather [hbm4b:s19+s1], $0x40, $0x38;
	[tilespmem:$0x1A980] =	vst v63  }
0x96: {  	_ =	swait.ge [sflag:s13], $0x2000  }
0x97: {  	[sflag:s13] =	ssyncset.done $0x0  }
0x98: {  	[sflag:s13] =	ssyncadd.s32 $0xFFFFE000  }
0x99: {  	_ =	swait.ge [sflag:s14], $0x40  }
0x9a: {  	[sflag:s14] =	ssyncset.done $0x0  }
0x9b: {  	[sflag:s14] =	ssyncadd.s32 $0xFFFFFFC0  }
0x9c: {  	[spmem:s17] =	stream.indirect.scatter.add.f32 [tilespmem:s8], [sflag:$0x5], $0x80, s9, s12, $0xb8;
	[tilespmem:$0x1A980] =	vst v63  }
.Ltmp1:
0x9d: {  	_ =	swait.ge [sflag:s5], $0x2000;
	(pc) =	sbr.rel @p0 .LBB2_4-.Ltmp1, $4  }
0x9e: {  	[sflag:s5] =	ssyncset.done $0x0  }
0x9f: {  	[sflag:s5] =	ssyncadd.s32 $0xFFFFE000  }
0xa0: {  	[tilespmem:s8], [sflag:$0x2] =	stream.linear.gather [hbm4b:s29+s1], $0x2000, $0x38;
	[tilespmem:$0x1A980] =	vst v63  }
0xa1: {  	s30 =	sadd.s32 $0x80, s30;
	s18 =	sadd.s32 s18, s2;
	s29 =	sadd.s32 $0x800, s29  }
0xa2: {  	[tilespmem:s9], [sflag:$0x4] =	stream.linear.gather [hbm4b:s18+s1], $0x40, $0x38;
	[tilespmem:$0x1A980] =	vst v63  }
0xa3: {  	_ =	swait.ge [sflag:s10], $0x2000  }
0xa4: {  	[sflag:s10] =	ssyncset.done $0x0  }
0xa5: {  	[sflag:s10] =	ssyncadd.s32 $0xFFFFE000  }
0xa6: {  	_ =	swait.ge [sflag:s11], $0x40  }
0xa7: {  	[sflag:s11] =	ssyncset.done $0x0  }
0xa8: {  	[sflag:s11] =	ssyncadd.s32 $0xFFFFFFC0  }
0xa9: {  	[spmem:s17] =	stream.indirect.scatter.add.f32 [tilespmem:s6], [sflag:$0x5], $0x80, s7, s12, $0xb8;
	[tilespmem:$0x1A980] =	vst v63  }
0xaa: {  	_ =	swait.ge [sflag:s5], $0x2000  }
0xab: {  	[sflag:s5] =	ssyncset.done $0x0  }
0xac: {  	[sflag:s5] =	ssyncadd.s32 $0xFFFFE000  }
0xad: {  	_ =	swait.ge [sflag:s13], $0x2000  }
0xae: {  	[sflag:s13] =	ssyncset.done $0x0  }
0xaf: {  	[sflag:s13] =	ssyncadd.s32 $0xFFFFE000  }
0xb0: {  	_ =	swait.ge [sflag:s14], $0x40  }
0xb1: {  	[sflag:s14] =	ssyncset.done $0x0  }
0xb2: {  	[sflag:s14] =	ssyncadd.s32 $0xFFFFFFC0  }
0xb3: {  	[spmem:s17] =	stream.indirect.scatter.add.f32 [tilespmem:s8], [sflag:$0x5], $0x80, s9, s12, $0xb8;
	[tilespmem:$0x1A980] =	vst v63  }
0xb4: {  	_ =	swait.ge [sflag:s5], $0x2000  }
0xb5: {  	[sflag:s5] =	ssyncset.done $0x0  }
0xb6: {  	s18 =	simm.s32 $0x1A100;
	s16 =	rddreg [dreg:$0x11];
	[sflag:s5] =	ssyncadd.s32 $0xFFFFE000  }
0xb7: {  	[tilespmem:s18], [sflag:$0x5] =	stream.linear.gather [hbm4b:s16+s1], $0x800, $0x38;
	[tilespmem:$0x1A980] =	vst v63  }
0xb8: {  	_ =	swait.ge [sflag:s5], $0x800  }
0xb9: {  	[sflag:s5] =	ssyncset.done $0x0  }
0xba: {  	s19 =	simm.s32 $0x1A900;
	s20 =	rddreg [dreg:$0x17];
	[sflag:s5] =	ssyncadd.s32 $0xFFFFF800  }
0xbb: {  	[tilespmem:s19], [sflag:$0x5] =	stream.linear.gather [hbm4b:s20+s1], $0x10, $0x38;
	[tilespmem:$0x1A980] =	vst v63  }
0xbc: {  	_ =	swait.ge [sflag:s5], $0x10  }
0xbd: {  	[sflag:s5] =	ssyncset.done $0x0  }
0xbe: {  	s29 =	simm.s32 $0x10;
	[sflag:s5] =	ssyncadd.s32 $0xFFFFFFF0  }
0xbf: {  	[spmem:s17] =	stream.indirect.scatter.add.f32 [tilespmem:s18], [sflag:$0x5], $0x80, s19, s29, $0xb8;
	[tilespmem:$0x1A980] =	vst v63  }
0xc0: {  	_ =	swait.ge [sflag:s5], $0x800  }
0xc1: {  	[sflag:s5] =	ssyncset.done $0x0  }
0xc2: {  	s20 =	stileid.u32;
	[sflag:s5] =	ssyncadd.s32 $0xFFFFF800  }
0xc3: {  	s16 =	sshll.u32 s20, $0x6;
	s20 =	smov.u32 s21;
	[bflag:$0x0] =	sbarrier.arrive $0xFFFF  }
0xc4: {  	s21 =	sshrl.u32 s21, $0x3;
	s16 =	sor.u32 $0x1C05, s16;
	s29 =	rddreg [dreg:$0x5]  }
0xc5: {  	[hbm:s29], [sflag:s16] =	dma.local [spmem:s21], $0x400  }
0xc6: {  	_ =	swait.ge [sflag:s5], $0x400  }
0xc7: {  	[sflag:s5] =	ssyncset.done $0x0  }
0xc8: {  	s19 =	sshrl.u32 s22, $0x3;
	s21 =	rddreg [dreg:$0x6];
	[sflag:s5] =	ssyncadd.s32 $0xFFFFFC00  }
0xc9: {  	[hbm:s21], [sflag:s16] =	dma.local [spmem:s19], $0x400  }
0xca: {  	_ =	swait.ge [sflag:s5], $0x400  }
0xcb: {  	s30 =	smov.u32 s22;
	[sflag:s5] =	ssyncset.done $0x0;
	s22 =	rddreg [dreg:$0x12]  }
0xcc: {  	s29 =	rddreg [dreg:$0x7];
	[sflag:s5] =	ssyncadd.s32 $0xFFFFFC00;
	s18 =	sshrl.u32 s22, $0x3  }
0xcd: {  	[hbm:s29], [sflag:s16] =	dma.local [spmem:s18], $0x400  }
0xce: {  	_ =	swait.ge [sflag:s5], $0x400  }
0xcf: {  	[sflag:s5] =	ssyncset.done $0x0;
	s19 =	rddreg [dreg:$0x13]  }
0xd0: {  	s21 =	rddreg [dreg:$0x8];
	[sflag:s5] =	ssyncadd.s32 $0xFFFFFC00;
	s18 =	sshrl.u32 s19, $0x3  }
0xd1: {  	[hbm:s21], [sflag:s16] =	dma.local [spmem:s18], $0x400  }
0xd2: {  	_ =	swait.ge [sflag:s5], $0x400  }
0xd3: {  	[sflag:s5] =	ssyncset.done $0x0;
	s22 =	rddreg [dreg:$0x14]  }
0xd4: {  	s29 =	rddreg [dreg:$0x9];
	[sflag:s5] =	ssyncadd.s32 $0xFFFFFC00;
	s18 =	sshrl.u32 s22, $0x3  }
0xd5: {  	[hbm:s29], [sflag:s16] =	dma.local [spmem:s18], $0x400  }
0xd6: {  	_ =	swait.ge [sflag:s5], $0x400  }
0xd7: {  	[sflag:s5] =	ssyncset.done $0x0  }
0xd8: {  	s19 =	sshrl.u32 s23, $0x3;
	s21 =	rddreg [dreg:$0xa];
	[sflag:s5] =	ssyncadd.s32 $0xFFFFFC00  }
0xd9: {  	[hbm:s21], [sflag:s16] =	dma.local [spmem:s19], $0x400  }
0xda: {  	_ =	swait.ge [sflag:s5], $0x400  }
0xdb: {  	[sflag:s5] =	ssyncset.done $0x0  }
0xdc: {  	s22 =	sshrl.u32 s24, $0x3;
	s29 =	rddreg [dreg:$0xb];
	[sflag:s5] =	ssyncadd.s32 $0xFFFFFC00  }
0xdd: {  	[hbm:s29], [sflag:s16] =	dma.local [spmem:s22], $0x400  }
0xde: {  	_ =	swait.ge [sflag:s5], $0x400  }
0xdf: {  	[sflag:s5] =	ssyncset.done $0x0  }
0xe0: {  	s19 =	sshrl.u32 s25, $0x3;
	s21 =	rddreg [dreg:$0xc];
	[sflag:s5] =	ssyncadd.s32 $0xFFFFFC00  }
0xe1: {  	[hbm:s21], [sflag:s16] =	dma.local [spmem:s19], $0x400  }
0xe2: {  	_ =	swait.ge [sflag:s5], $0x400  }
0xe3: {  	[sflag:s5] =	ssyncset.done $0x0  }
0xe4: {  	s22 =	sshrl.u32 s26, $0x3;
	s29 =	rddreg [dreg:$0xd];
	[sflag:s5] =	ssyncadd.s32 $0xFFFFFC00  }
0xe5: {  	[hbm:s29], [sflag:s16] =	dma.local [spmem:s22], $0x400  }
0xe6: {  	_ =	swait.ge [sflag:s5], $0x400  }
0xe7: {  	[sflag:s5] =	ssyncset.done $0x0  }
0xe8: {  	s21 =	sshrl.u32 s28, $0x3;
	s22 =	rddreg [dreg:$0xe];
	[sflag:s5] =	ssyncadd.s32 $0xFFFFFC00  }
0xe9: {  	[hbm:s22], [sflag:s16] =	dma.local [spmem:s21], $0x400  }
0xea: {  	_ =	swait.ge [sflag:s5], $0x400  }
0xeb: {  	s31 =	sadd.s32 $0x1, s31;
	s29 =	rddreg [dreg:$0x18]  }
0xec: {  	p0 =	sne.s32 s31, s29  }
.Ltmp2:
0xed: {  	_ = 	snop;
	(pc) =	sbr.rel @p0 .LBB2_1-.Ltmp2, $3  }
0xee: {  	_ =	sdelay $0x1  }
0xef: {  	[sflag:s5] =	ssyncset.done $0x0  }
0xf0: {  	[sflag:s5] =	ssyncadd.s32 $0xFFFFFC00  }
0xf1: {  	_ =	sfence.sel $0x180000  }
0xf2: {  	[bflag:$0x0] =	sbarrier.arrive $0xFFFF  }
0xf3: {  	_ =	strace $0x90000047  }
0xf4: {  	s0 =	stileid.u32;
	[bflag:$0x2] =	sbarrier.arrive $0xFFFF  }
0xf5: {  	p0 =	sne.s32 s0, $0x0;
	s0 =	rddreg [dreg:$0x4]  }
0xf6: {  	s0 =	sadd.s32 @!p0 $0x100000, s0  }
0xf7: {  	[sflag:s0] =	ssyncadd.tile.s32 @!p0 $0x1;
	_ =	shalt  }
.Lfunc_end2:
_tile_overlayer_lowered:
.L_overlay_start_2:
0xf8: {  	(tag) =	ssettag $0x2  }
0xf9: {  	s0 =	rddreg [dreg:$0x0];
	s2 =	stileid.u32  }
0xfa: {  	s1 =	rddreg [dreg:$0x1];
	p0 =	sne.s32 s2, $0x0  }
0xfb: {  	s3 =	rddreg [dreg:$0x2];
	[bflag:$0x3] =	sbarrier.arrive $0xFFFF;
	s2 =	simm.s32 @!p0 $0x1C05  }
0xfc: {  	[timem:s3], [sflag:s2] =	dma.local @!p0 [hbm:s0], s1  }
0xfd: {  	s0 =	simm.s32 @!p0 $0x5  }
0xfe: {  	_ =	swait.ge @!p0 [sflag:s0], s1  }
0xff: {  	s1 =	ssub.s32 @!p0 $0x0, s1;
	[sflag:s0] =	ssyncset.done @!p0 $0x0  }
0x100: {  	[sflag:s0] =	ssyncadd.s32 @!p0 s1  }
0x101: {  	[bflag:$0x3] =	sbarrier.arrive $0xFFFF  }
0x102: {  	_ =	shalt  }

// kernel: kernel.7.cloned.1.call-start
scs
__scs_entry_jumppad:
0x0: {  	(pc) =	sbr.rel $0x88, $3  }
0x1: {  	(tag) =	ssettag $0x0;
	lr =	simm.s32 $0x1  }
0x2: {  	[smem:$0x3F9E] =	sst lr;
	_ =	strace $0xD0000000  }
0x3: {  	_ = 	snop  }
0x4: {  	_ = 	snop  }
0x5: {  	_ = 	snop  }
0x6: {  	_ = 	snop  }
0x7: {  	_ = 	snop  }
__scs_overlays_trampoline_lowered:
0x8: {  	[smem:$0x3FAD] =	sst s0  }
0x9: {  	[smem:$0x3FAE] =	sst s1  }
0xa: {  	[smem:$0x3FAF] =	sst s2  }
0xb: {  	[smem:$0x3FB0] =	sst s3  }
0xc: {  	[smem:$0x3FB1] =	sst s4  }
0xd: {  	[smem:$0x3FB2] =	sst s5  }
0xe: {  	[smem:$0x3FB3] =	sst s6  }
0xf: {  	[smem:$0x3FB4] =	sst s7  }
0x10: {  	[smem:$0x3FB5] =	sst s8  }
0x11: {  	[smem:$0x3FB6] =	sst s9;
	s0 =	simm.s32 @!p0 $0x0  }
0x12: {  	s1 =	sld [smem:$0x3F9C];
	s0 =	simm.s32 @p0 $0x1  }
0x13: {  	[smem:$0x3FB7] =	sst s0;
	s0 =	simm.s32 @!p1 $0x0  }
0x14: {  	s2 =	sld [smem:$0x3F9B];
	s0 =	simm.s32 @p1 $0x1  }
0x15: {  	[smem:$0x3FB8] =	sst s0;
	s0 =	simm.s32 @!p2 $0x0  }
0x16: {  	s3 =	sld [smem:$0x3FDB];
	s0 =	simm.s32 @p2 $0x1  }
0x17: {  	s4 =	simm.s32 $0x1BF5;
	[smem:$0x3FBA] =	sst s0  }
0x18: {  	s0 =	sld [smem:$0x3F9D];
	_ =	swait.ge [sflag:s4], $0x0  }
0x19: {  	s7 =	sld [smem:$0x3F9E]  }
0x1a: {  	s8 =	sadd.s32 $0xFFFFE003, lr  }
0x1b: {  	s9 =	sadd.s32 $0xFFFFFEF7, lr;
	s5 =	simm.s32 $0xFFFFFFFF;
	p2 =	slt.u32 s8, $0xFFFFF086  }
0x1c: {  	p1 =	slt.u32 s9, $0xF7A;
	s5 =	simm.s32 @!p2 $0x0  }
0x1d: {  	s5 =	simm.s32 @p1 $0x1;
	p0 =	seq.s32 s7, s2  }
0x1e: {  	s7 =	smul.u32 @!p0 $0xF7A, s2;
	p2 =	seq.s32 @!p0 s5, $0x0  }
0x1f: {  	s9 =	smul.u32 $0xF7A, s1;
	s8 =	simm.s32 @!p0 $0x1BF5;
	p2 =	por !p2, p0  }
0x20: {  	[sflag:s8] =	ssyncset.s32 @!p0 $0xFFFFF086;
	s6 =	sadd.s32 @!p0 s3, s7;
	s7 =	simm.s32 @!p0 $0x108  }
0x21: {  	s3 =	sadd.s32 s3, s9;
	s6 =	sadd.s32 @!p0 $0x88, s6;
	s7 =	simm.s32 @p2 $0x1082  }
0x22: {  	[simem:s7], [sflag:s8] =	dma.local @!p0 [hbm:s6], $0xF7A  }
0x23: {  	s9 =	sor.u32 $0xD0000000, s2;
	s6 =	simm.s32 $0x108;
	_ =	swait.ge @!p0 [sflag:s8], $0x0  }
0x24: {  	s3 =	sadd.s32 $0x88, s3;
	s6 =	simm.s32 @!p1 $0x1082;
	[sflag:s4] =	ssyncset.s32 $0xFFFFF086  }
0x25: {  	[simem:s6], [sflag:s4] =	dma.local [hbm:s3], $0xF7A  }
0x26: {  	[smem:$0x3F9E] =	sst s1;
	(tag) =	ssettag s2;
	_ =	strace s9  }
0x27: {  	s1 =	sld [smem:$0x3FAE]  }
0x28: {  	s2 =	sld [smem:$0x3FAF]  }
0x29: {  	s4 =	sld [smem:$0x3FB1]  }
0x2a: {  	p0 =	seq.s32 s5, $0x0;
	s5 =	sld [smem:$0x3FB2]  }
0x2b: {  	s6 =	sld [smem:$0x3FB3]  }
0x2c: {  	s7 =	sld [smem:$0x3FB4]  }
0x2d: {  	s3 =	simm.s32 $0x108;
	s8 =	sld [smem:$0x3FB5]  }
0x2e: {  	s3 =	simm.s32 @!p0 $0x1082;
	s9 =	sld [smem:$0x3FB6]  }
0x2f: {  	lr =	sadd.s32 s0, s3;
	s0 =	sld [smem:$0x3FAD]  }
0x30: {  	s3 =	sld [smem:$0x3FB0]  }
0x31: {  	[smem:$0x3FB9] =	sst s10  }
0x32: {  	s10 =	sld [smem:$0x3FB7];
	_ =	sdelay $0x3  }
0x33: {  	p0 =	seq.s32 s10, $0x1;
	s10 =	sld [smem:$0x3FB9];
	_ =	sdelay $0x3  }
0x34: {  	[smem:$0x3FB9] =	sst s10  }
0x35: {  	s10 =	sld [smem:$0x3FB8];
	_ =	sdelay $0x3  }
0x36: {  	p1 =	seq.s32 s10, $0x1;
	s10 =	sld [smem:$0x3FB9];
	_ =	sdelay $0x3  }
0x37: {  	[smem:$0x3FB9] =	sst s10  }
0x38: {  	s10 =	sld [smem:$0x3FBA]  }
0x39: {  	_ = 	snop;
	(pc) =	sbr.ind lr, $3  }
0x3a: {  	_ = 	snop  }
0x3b: {  	_ = 	snop  }
0x3c: {  	p2 =	seq.s32 s10, $0x1;
	s10 =	sld [smem:$0x3FB9]  }
0x3d: {  	_ =	shalt  }
0x3e: {  	_ =	shalt  }
0x3f: {  	_ =	shalt  }
0x40: {  	_ =	shalt  }
0x41: {  	_ =	shalt  }
0x42: {  	_ =	shalt  }
0x43: {  	_ =	shalt  }
0x44: {  	_ =	shalt  }
0x45: {  	_ =	shalt  }
0x46: {  	_ =	shalt  }
0x47: {  	_ =	shalt  }
0x48: {  	_ =	shalt  }
0x49: {  	_ =	shalt  }
0x4a: {  	_ =	shalt  }
0x4b: {  	_ =	shalt  }
0x4c: {  	_ =	shalt  }
0x4d: {  	_ =	shalt  }
0x4e: {  	_ =	shalt  }
0x4f: {  	_ =	shalt  }
0x50: {  	_ =	shalt  }
0x51: {  	_ =	shalt  }
0x52: {  	_ =	shalt  }
0x53: {  	_ =	shalt  }
0x54: {  	_ =	shalt  }
0x55: {  	_ =	shalt  }
0x56: {  	_ =	shalt  }
0x57: {  	_ =	shalt  }
0x58: {  	_ =	shalt  }
0x59: {  	_ =	shalt  }
0x5a: {  	_ =	shalt  }
0x5b: {  	_ =	shalt  }
0x5c: {  	_ =	shalt  }
0x5d: {  	_ =	shalt  }
0x5e: {  	_ =	shalt  }
0x5f: {  	_ =	shalt  }
0x60: {  	_ =	shalt  }
0x61: {  	_ =	shalt  }
0x62: {  	_ =	shalt  }
0x63: {  	_ =	shalt  }
0x64: {  	_ =	shalt  }
0x65: {  	_ =	shalt  }
0x66: {  	_ =	shalt  }
0x67: {  	_ =	shalt  }
0x68: {  	_ =	shalt  }
0x69: {  	_ =	shalt  }
0x6a: {  	_ =	shalt  }
0x6b: {  	_ =	shalt  }
0x6c: {  	_ =	shalt  }
0x6d: {  	_ =	shalt  }
0x6e: {  	_ =	shalt  }
0x6f: {  	_ =	shalt  }
0x70: {  	_ =	shalt  }
0x71: {  	_ =	shalt  }
0x72: {  	_ =	shalt  }
0x73: {  	_ =	shalt  }
0x74: {  	_ =	shalt  }
0x75: {  	_ =	shalt  }
0x76: {  	_ =	shalt  }
0x77: {  	_ =	shalt  }
0x78: {  	_ =	shalt  }
0x79: {  	_ =	shalt  }
0x7a: {  	_ =	shalt  }
0x7b: {  	_ =	shalt  }
0x7c: {  	_ =	shalt  }
0x7d: {  	_ =	shalt  }
0x7e: {  	_ =	shalt  }
0x7f: {  	_ =	shalt  }
0x80: {  	_ =	shalt  }
0x81: {  	_ =	shalt  }
0x82: {  	_ =	shalt  }
0x83: {  	_ =	shalt  }
0x84: {  	_ =	shalt  }
0x85: {  	_ =	shalt  }
0x86: {  	_ =	shalt  }
0x87: {  	_ =	shalt  }
.Lfunc_end0:
.L_simem_size_0:
called_computation.1_lowered:
.L_overlay_start_0:
0x88: {  	s2 =	sld [smem:$0x3FD9]  }
0x89: {  	s3 =	sld [smem:$0x3FFE];
	_ =	sdelay $0x1  }
0x8a: {  	s1 =	srdreg.scid  }
0x8b: {  	s0 =	sand.u32 $0x1, s1  }
0x8c: {  	s17 =	sshll.u32 s0, $0xA;
	s2 =	sadd.s32 s3, s2  }
0x8d: {  	s2 =	sadd.s32 s2, s17  }
0x8e: {  	[smem:$0x3FC5] =	sst s2  }
0x8f: {  	_ = 	snop  }
0x90: {  	s2 =	sld [smem:$0x3FC7]  }
0x91: {  	s18 =	sld [smem:$0x3FD0];
	(tm) =	ssettm $0x1  }
0x92: {  	s4 =	sld [smem:$0x3FFB];
	_ =	sdelay $0x3  }
0x93: {  	_ =	strace s4  }
0x94: {  	s4 =	sld [smem:$0x3FFC];
	_ =	sdelay $0x3  }
0x95: {  	_ =	strace s4  }
0x96: {  	s4 =	sld [smem:$0x3FFD];
	_ =	sdelay $0x3  }
0x97: {  	_ =	strace s4  }
0x98: {  	_ =	strace $0x8FFFFFFF  }
0x99: {  	s19 =	sld [smem:$0x3FDB];
	_ =	sdelay $0x1  }
0x9a: {  	s5 =	simm.s32 $_scs_section_size  }
0x9b: {  	s6 =	simm.s32 $_size__tile_overlayer_lowered;
	s7 =	simm.s32 $_tile_overlayer_lowered  }
0x9c: {  	s22 =	simm.s32 $0x1BFF;
	s21 =	sshll.u32 s7, $0x1;
	s4 =	sadd.s32 s5, s19  }
0x9d: {  	s8 =	simm.s32 $0x0;
	s20 =	sshll.u32 s6, $0x1;
	s6 =	sadd.s32 s21, s4  }
0x9e: {  	[timem:s8], [sflag:s22] =	dma.local [hbm:s6], s20  }
0x9f: {  	_ =	swait.ge [sflag:s22], s20  }
0xa0: {  	s5 =	ssub.s32 $0x0, s20;
	[sflag:s22] =	ssyncset.done $0x0  }
0xa1: {  	[sflag:s22] =	ssyncadd.s32 s5;
	_ =	sdelay $0x1  }
0xa2: {  	s23 =	simm.s32 $0x1B8B  }
0xa3: {  	_ =	swait.ge [sflag:s23], $0x1  }
0xa4: {  	[sflag:s23] =	ssyncset.done $0x0  }
0xa5: {  	s25 =	simm.s32 $0x1B8E;
	s24 =	sld [smem:$0x3FFE];
	[sflag:s23] =	ssyncadd.s32 $0xFFFFFFFF  }
0xa6: {  	s26 =	simm.s32 $execute0_lowered;
	[smem:$0x3FD2] =	sst s25  }
0xa7: {  	s6 =	sshll.u32 s26, $0x1;
	_ =	strace $0x80000049;
	[dreg:$0x1] =	wrdreg $0xFFFFFFFF  }
0xa8: {  	s28 =	simm.s32 $_size_execute0_lowered;
	s4 =	sadd.s32 s4, s6;
	[dreg:$0x0] =	wrdreg $0x0  }
0xa9: {  	s6 =	sshll.u32 s28, $0x1;
	[dreg:$0x2] =	wrdreg s4  }
0xaa: {  	[dreg:$0x3] =	wrdreg s6  }
0xab: {  	[dreg:$0x4] =	wrdreg $0xC0  }
0xac: {  	_ =	task [dreg:s8], $0x5FFFF  }
0xad: {  	[dreg:$0x1] =	wrdreg $0xFFFFFFFF  }
0xae: {  	[dreg:$0x0] =	wrdreg $0x60  }
0xaf: {  	[dreg:$0x2] =	wrdreg s24  }
0xb0: {  	[dreg:$0x3] =	wrdreg s2  }
0xb1: {  	[dreg:$0x4] =	wrdreg s18  }
0xb2: {  	[dreg:$0x5] =	wrdreg $0x9  }
0xb3: {  	_ =	task.clear_ibuf [dreg:s8], $0x6FFFF;
	_ =	strace $0x90000049  }
0xb4: {  	s29 =	simm.s32 $0x9;
	_ =	strace $0x8000004B  }
0xb5: {  	_ =	swait.ge [sflag:s29], $0x1  }
0xb6: {  	[sflag:s29] =	ssyncadd.s32 $0xFFFFFFFF  }
0xb7: {  	_ =	strace $0x9000004B  }
0xb8: {  	_ =	sfence  }
0xb9: {  	s30 =	sld [smem:$0x0];
	_ =	sdelay $0x2  }
0xba: {  	s31 =	sshll.u32 s1, $0xD;
	s1 =	sshrl.u32 s1, $0x2  }
0xbb: {  	s3 =	sand.u32 $0x4000, s31;
	s1 =	sadd.s32 s1, s30  }
0xbc: {  	s0 =	sor.u32 s3, s0;
	s1 =	sshll.u32 s1, $0x11  }
0xbd: {  	s0 =	sor.u32 s1, s0  }
0xbe: {  	s0 =	sadd.s32 $0x8F2B, s0  }
0xbf: {  	[sflag:s0] =	ssyncadd.remote.s32 $0x1  }
0xc0: {  	_ =	sfence.sel $0xFFFF  }
0xc1: {  	[dreg:$0x0] =	wrdreg $0xFFFFFFFF;
	(pc) =	sbr.abs _section_cstart, $3  }
0xc2: {  	[dreg:$0x1] =	wrdreg $0xFFFFFFFF  }
0xc3: {  	_ =	task.clear_ibuf [dreg:s8], $0x2FFFF;
	_ =	strace $0x9FFFFFFF  }
0xc4: {  	(tm) =	ssettm $0x7FFFFFFF  }
0xc5: {  	_ =	shalt  }
tec
execute0_lowered:
.L_overlay_start_1:
0x0: {  	(tag) =	ssettag $0x1  }
0x1: {  	s0 =	srdreg.scid  }
0x2: {  	s5 =	sand.u32 $0x1, s0  }
0x3: {  	s4 =	rddreg [dreg:$0x0];
	s0 =	stileid.u32;
	s1 =	sshll.u32 s5, $0x4  }
0x4: {  	s11 =	rddreg [dreg:$0x1];
	s20 =	sor.u32 s0, s1  }
0x5: {  	s12 =	rddreg [dreg:$0x2];
	s2 =	simm.s32 $0x0;
	s6 =	smul.u32 $0xA, s20  }
0x6: {  	s17 =	simm.s32 $0x2880;
	s7 =	smul.u32 $0x500, s20;
	s3 =	sor.u32 $0x20, s20  }
0x7: {  	s18 =	simm.s32 $0x1;
	s19 =	simm.s32 $0x2;
	s8 =	smul.u32 $0xA, s3  }
0x8: {  	[smem:$0x7FF] =	sst s2;
	s10 =	sor.u32 $0x40, s20;
	s9 =	smul.u32 $0x500, s3  }
0x9: {  	s5 =	ssub.s32 $0x2, s5;
	s1 =	rddreg [dreg:$0x3];
	s13 =	smul.u32 $0xA, s10  }
0xa: {  	s14 =	sshrl.u32 s5, $0x1;
	s15 =	sor.u32 $0x60, s20;
	s10 =	smul.u32 $0x500, s10  }
0xb: {  	_ =	strace $0x8000004A;
	s14 =	ssub.s32 s5, s14;
	s16 =	smul.u32 $0xA, s15  }
0xc: {  	p0 =	sgt.u32 s20, $0x1C;
	s20 =	simm.s32 $0x0;
	s15 =	smul.u32 $0x500, s15  }
.Ltmp0:
0xd: {  	s3 =	sadd.s32 $0xC00, s4;
	s4 =	sadd.s32 $0x28C00, s4;
	(pc) =	sbr.rel .LBB2_1-.Ltmp0, $4  }
0xe: {  	s5 =	sadd.s32 s11, s6;
	s6 =	sadd.s32 s12, s7;
	s7 =	sadd.s32 s11, s8  }
0xf: {  	s8 =	sadd.s32 s12, s9;
	s9 =	sadd.s32 s11, s13;
	s10 =	sadd.s32 s12, s10  }
0x10: {  	s11 =	sadd.s32 s11, s16;
	s12 =	sadd.s32 s12, s15;
	s13 =	smax.u32 s14, $0x1  }
0x11: {  	s14 =	simm.s32 $0x3;
	s15 =	simm.s32 $0x50;
	s16 =	simm.s32 $0x80  }
.LBB2_10:
0x12: {  	[tilespmem:s21+$0x80] =	vst v12;
	v5 =	vadd.f32 v5, v10;
	v63 =	vld [tilespmem:s21+$0xF0]  }
0x13: {  	[tilespmem:s21+$0x90] =	vst v11;
	v4 =	vadd.f32 v4, v9  }
0x14: {  	v3 =	vadd.f32 v3, v8;
	[tilespmem:s21+$0xA0] =	vst v5  }
0x15: {  	v2 =	vadd.f32 v2, v6;
	[tilespmem:s21+$0xB0] =	vst v4  }
0x16: {  	v1 =	vadd.f32 v1, v7;
	[tilespmem:s21+$0xC0] =	vst v3  }
0x17: {  	[tilespmem:s21+$0xD0] =	vst v2;
	v0 =	vadd.f32 v0, v63  }
0x18: {  	[tilespmem:s21+$0xE0] =	vst v1  }
0x19: {  	[tilespmem:s21+$0xF0] =	vst v0  }
0x1a: {  	[hbm4b:s12+s2] =	stream.linear.scatter [tilespmem:s16], [sflag:$0x3], $0x2800, $0x38;
	[tilespmem:$0x5080] =	vst v63  }
0x1b: {  	_ =	swait.ge [sflag:s14], $0x2800  }
0x1c: {  	[sflag:s14] =	ssyncset.done $0x0  }
0x1d: {  	[sflag:s14] =	ssyncadd.s32 $0xFFFFD800  }
.LBB2_11:
0x1e: {  	s20 =	sadd.s32 $0x1, s20  }
0x1f: {  	p1 =	sne.s32 s20, s13  }
.Ltmp1:
0x20: {  	_ = 	snop;
	(pc) =	sbr.rel @!p1 .LBB2_12-.Ltmp1, $1  }
0x21: {  	_ =	sdelay $0x3  }
.LBB2_1:
0x22: {  	[tilespmem:s2], [sflag:$0x3] =	stream.linear.gather [hbm4b:s5+s2], $0x50, $0x38;
	[tilespmem:$0x5080] =	vst v63  }
0x23: {  	_ =	swait.ge [sflag:s14], $0x50  }
0x24: {  	[sflag:s14] =	ssyncset.done $0x0  }
0x25: {  	[sflag:s14] =	ssyncadd.s32 $0xFFFFFFB0  }
0x26: {  	[tilespmem:s16], [sflag:$0x1] =	stream.indirect.gather [hbm4b:s3+s15], $0x80, s2, s15, $0xb8;
	[tilespmem:$0x5080] =	vst v63  }
0x27: {  	_ = 	snop  }
0x28: {  	[tilespmem:s17], [sflag:$0x2] =	stream.indirect.gather [hbm4b:s4+s15], $0x80, s2, s15, $0xb8;
	[tilespmem:$0x5080] =	vst v63  }
0x29: {  	_ =	swait.ge [sflag:s18], $0x2800  }
0x2a: {  	[sflag:s18] =	ssyncset.done $0x0  }
0x2b: {  	[sflag:s18] =	ssyncadd.s32 $0xFFFFD800  }
0x2c: {  	_ =	swait.ge [sflag:s19], $0x2800  }
0x2d: {  	[sflag:s19] =	ssyncset.done $0x0  }
0x2e: {  	s21 =	simm.s32 $0x0;
	[sflag:s19] =	ssyncadd.s32 $0xFFFFD800  }
0x2f: {  	v7 =	vld [tilespmem:s21+$0x2880]  }
0x30: {  	v11 =	vld [tilespmem:s21+$0x2890]  }
0x31: {  	v5 =	vld [tilespmem:s21+$0x28A0]  }
0x32: {  	v4 =	vld [tilespmem:s21+$0x28B0]  }
0x33: {  	v3 =	vld [tilespmem:s21+$0x28C0]  }
0x34: {  	v2 =	vld [tilespmem:s21+$0x28D0]  }
0x35: {  	v1 =	vld [tilespmem:s21+$0x28E0]  }
0x36: {  	v0 =	vld [tilespmem:s21+$0x28F0]  }
0x37: {  	v12 =	vld [tilespmem:s21+$0x80]  }
0x38: {  	v13 =	vld [tilespmem:s21+$0x90]  }
0x39: {  	v10 =	vld [tilespmem:s21+$0xA0]  }
0x3a: {  	v9 =	vld [tilespmem:s21+$0xB0]  }
0x3b: {  	v8 =	vld [tilespmem:s21+$0xC0]  }
0x3c: {  	v6 =	vld [tilespmem:s21+$0xD0];
	v12 =	vadd.f32 v7, v12  }
0x3d: {  	s22 =	simm.s32 $0x200;
	v11 =	vadd.f32 v11, v13;
	v7 =	vld [tilespmem:s21+$0xE0]  }
.LBB2_2:
0x3e: {  	s23 =	sshra.s32 s22, $0x2;
	p1 =	sne.s32 s22, $0x9E00;
	[tilespmem:s21+$0x80] =	vst v12;
	v5 =	vadd.f32 v5, v10;
	v10 =	vld [tilespmem:s21+$0xF0]  }
0x3f: {  	v12 =	vld [tilespmem:s23+$0x2880];
	[tilespmem:s21+$0x90] =	vst v11;
	v4 =	vadd.f32 v4, v9  }
0x40: {  	v11 =	vld [tilespmem:s23+$0x2890];
	[tilespmem:s21+$0xA0] =	vst v5;
	v3 =	vadd.f32 v3, v8  }
0x41: {  	v5 =	vld [tilespmem:s23+$0x28A0];
	[tilespmem:s21+$0xB0] =	vst v4;
	v2 =	vadd.f32 v2, v6  }
0x42: {  	v4 =	vld [tilespmem:s23+$0x28B0];
	[tilespmem:s21+$0xC0] =	vst v3;
	v1 =	vadd.f32 v1, v7  }
0x43: {  	v3 =	vld [tilespmem:s23+$0x28C0];
	[tilespmem:s21+$0xD0] =	vst v2;
	v0 =	vadd.f32 v0, v10  }
0x44: {  	v2 =	vld [tilespmem:s23+$0x28D0];
	[tilespmem:s21+$0xE0] =	vst v1  }
0x45: {  	v1 =	vld [tilespmem:s23+$0x28E0];
	[tilespmem:s21+$0xF0] =	vst v0;
	s21 =	smov.u32 s23  }
0x46: {  	v0 =	vld [tilespmem:s21+$0x28F0]  }
0x47: {  	v6 =	vld [tilespmem:s21+$0x80]  }
0x48: {  	v7 =	vld [tilespmem:s21+$0x90]  }
.Ltmp2:
0x49: {  	v10 =	vld [tilespmem:s21+$0xA0];
	(pc) =	sbr.rel @p1 .LBB2_2-.Ltmp2, $4  }
0x4a: {  	v9 =	vld [tilespmem:s21+$0xB0]  }
0x4b: {  	v8 =	vld [tilespmem:s21+$0xC0]  }
0x4c: {  	v12 =	vadd.f32 v12, v6;
	v6 =	vld [tilespmem:s21+$0xD0]  }
0x4d: {  	s22 =	sadd.s32 $0x200, s22;
	v11 =	vadd.f32 v11, v7;
	v7 =	vld [tilespmem:s21+$0xE0]  }
0x4e: {  	[tilespmem:s21+$0x80] =	vst v12;
	v5 =	vadd.f32 v5, v10;
	v10 =	vld [tilespmem:s21+$0xF0]  }
0x4f: {  	[tilespmem:s21+$0x90] =	vst v11;
	v4 =	vadd.f32 v4, v9  }
0x50: {  	[tilespmem:s21+$0xA0] =	vst v5;
	v3 =	vadd.f32 v3, v8  }
0x51: {  	[tilespmem:s21+$0xB0] =	vst v4;
	v2 =	vadd.f32 v2, v6  }
0x52: {  	[tilespmem:s21+$0xC0] =	vst v3;
	v1 =	vadd.f32 v1, v7  }
0x53: {  	[tilespmem:s21+$0xD0] =	vst v2;
	v0 =	vadd.f32 v0, v10  }
0x54: {  	[tilespmem:s21+$0xE0] =	vst v1  }
0x55: {  	s31 =	simm.s32 $0x0;
	[tilespmem:s21+$0xF0] =	vst v0  }
0x56: {  	[hbm4b:s6+s31] =	stream.linear.scatter [tilespmem:s16], [sflag:$0x3], $0x2800, $0x38;
	[tilespmem:$0x5080] =	vst v63  }
0x57: {  	_ =	swait.ge [sflag:s14], $0x2800  }
0x58: {  	[sflag:s14] =	ssyncset.done $0x0  }
0x59: {  	[sflag:s14] =	ssyncadd.s32 $0xFFFFD800  }
0x5a: {  	[tilespmem:s31], [sflag:$0x3] =	stream.linear.gather [hbm4b:s7+s31], $0x50, $0x38;
	[tilespmem:$0x5080] =	vst v63  }
0x5b: {  	_ =	swait.ge [sflag:s14], $0x50  }
0x5c: {  	[sflag:s14] =	ssyncset.done $0x0  }
0x5d: {  	[sflag:s14] =	ssyncadd.s32 $0xFFFFFFB0  }
0x5e: {  	[tilespmem:s16], [sflag:$0x1] =	stream.indirect.gather [hbm4b:s3+s15], $0x80, s31, s15, $0xb8;
	[tilespmem:$0x5080] =	vst v63  }
0x5f: {  	_ = 	snop  }
0x60: {  	[tilespmem:s17], [sflag:$0x2] =	stream.indirect.gather [hbm4b:s4+s15], $0x80, s31, s15, $0xb8;
	[tilespmem:$0x5080] =	vst v63  }
0x61: {  	_ =	swait.ge [sflag:s18], $0x2800  }
0x62: {  	[sflag:s18] =	ssyncset.done $0x0  }
0x63: {  	[sflag:s18] =	ssyncadd.s32 $0xFFFFD800  }
0x64: {  	_ =	swait.ge [sflag:s19], $0x2800  }
0x65: {  	[sflag:s19] =	ssyncset.done $0x0  }
0x66: {  	s21 =	simm.s32 $0x0;
	[sflag:s19] =	ssyncadd.s32 $0xFFFFD800  }
0x67: {  	v7 =	vld [tilespmem:s21+$0x2880]  }
0x68: {  	v11 =	vld [tilespmem:s21+$0x2890]  }
0x69: {  	v5 =	vld [tilespmem:s21+$0x28A0]  }
0x6a: {  	v4 =	vld [tilespmem:s21+$0x28B0]  }
0x6b: {  	v3 =	vld [tilespmem:s21+$0x28C0]  }
0x6c: {  	v2 =	vld [tilespmem:s21+$0x28D0]  }
0x6d: {  	v1 =	vld [tilespmem:s21+$0x28E0]  }
0x6e: {  	v0 =	vld [tilespmem:s21+$0x28F0]  }
0x6f: {  	v12 =	vld [tilespmem:s21+$0x80]  }
0x70: {  	v13 =	vld [tilespmem:s21+$0x90]  }
0x71: {  	v10 =	vld [tilespmem:s21+$0xA0]  }
0x72: {  	v9 =	vld [tilespmem:s21+$0xB0]  }
0x73: {  	v8 =	vld [tilespmem:s21+$0xC0]  }
0x74: {  	v6 =	vld [tilespmem:s21+$0xD0];
	v12 =	vadd.f32 v7, v12  }
0x75: {  	s22 =	simm.s32 $0x200;
	v11 =	vadd.f32 v11, v13;
	v7 =	vld [tilespmem:s21+$0xE0]  }
.LBB2_4:
0x76: {  	s23 =	sshra.s32 s22, $0x2;
	p1 =	sne.s32 s22, $0x9E00;
	[tilespmem:s21+$0x80] =	vst v12;
	v5 =	vadd.f32 v5, v10;
	v10 =	vld [tilespmem:s21+$0xF0]  }
0x77: {  	v12 =	vld [tilespmem:s23+$0x2880];
	[tilespmem:s21+$0x90] =	vst v11;
	v4 =	vadd.f32 v4, v9  }
0x78: {  	v11 =	vld [tilespmem:s23+$0x2890];
	[tilespmem:s21+$0xA0] =	vst v5;
	v3 =	vadd.f32 v3, v8  }
0x79: {  	v5 =	vld [tilespmem:s23+$0x28A0];
	[tilespmem:s21+$0xB0] =	vst v4;
	v2 =	vadd.f32 v2, v6  }
0x7a: {  	v4 =	vld [tilespmem:s23+$0x28B0];
	[tilespmem:s21+$0xC0] =	vst v3;
	v1 =	vadd.f32 v1, v7  }
0x7b: {  	v3 =	vld [tilespmem:s23+$0x28C0];
	[tilespmem:s21+$0xD0] =	vst v2;
	v0 =	vadd.f32 v0, v10  }
0x7c: {  	v2 =	vld [tilespmem:s23+$0x28D0];
	[tilespmem:s21+$0xE0] =	vst v1  }
0x7d: {  	v1 =	vld [tilespmem:s23+$0x28E0];
	[tilespmem:s21+$0xF0] =	vst v0;
	s21 =	smov.u32 s23  }
0x7e: {  	v0 =	vld [tilespmem:s21+$0x28F0]  }
0x7f: {  	v6 =	vld [tilespmem:s21+$0x80]  }
0x80: {  	v7 =	vld [tilespmem:s21+$0x90]  }
.Ltmp3:
0x81: {  	v10 =	vld [tilespmem:s21+$0xA0];
	(pc) =	sbr.rel @p1 .LBB2_4-.Ltmp3, $4  }
0x82: {  	v9 =	vld [tilespmem:s21+$0xB0]  }
0x83: {  	v8 =	vld [tilespmem:s21+$0xC0]  }
0x84: {  	v12 =	vadd.f32 v12, v6;
	v6 =	vld [tilespmem:s21+$0xD0]  }
0x85: {  	s22 =	sadd.s32 $0x200, s22;
	v11 =	vadd.f32 v11, v7;
	v7 =	vld [tilespmem:s21+$0xE0]  }
0x86: {  	[tilespmem:s21+$0x80] =	vst v12;
	v5 =	vadd.f32 v5, v10;
	v10 =	vld [tilespmem:s21+$0xF0]  }
0x87: {  	[tilespmem:s21+$0x90] =	vst v11;
	v4 =	vadd.f32 v4, v9  }
0x88: {  	[tilespmem:s21+$0xA0] =	vst v5;
	v3 =	vadd.f32 v3, v8  }
0x89: {  	[tilespmem:s21+$0xB0] =	vst v4;
	v2 =	vadd.f32 v2, v6  }
0x8a: {  	[tilespmem:s21+$0xC0] =	vst v3;
	v1 =	vadd.f32 v1, v7  }
0x8b: {  	[tilespmem:s21+$0xD0] =	vst v2;
	v0 =	vadd.f32 v0, v10  }
0x8c: {  	[tilespmem:s21+$0xE0] =	vst v1  }
0x8d: {  	s31 =	simm.s32 $0x0;
	[tilespmem:s21+$0xF0] =	vst v0  }
0x8e: {  	[hbm4b:s8+s31] =	stream.linear.scatter [tilespmem:s16], [sflag:$0x3], $0x2800, $0x38;
	[tilespmem:$0x5080] =	vst v63  }
0x8f: {  	_ =	swait.ge [sflag:s14], $0x2800  }
0x90: {  	[sflag:s14] =	ssyncset.done $0x0  }
0x91: {  	[sflag:s14] =	ssyncadd.s32 $0xFFFFD800  }
0x92: {  	[tilespmem:s31], [sflag:$0x3] =	stream.linear.gather [hbm4b:s9+s31], $0x50, $0x38;
	[tilespmem:$0x5080] =	vst v63  }
0x93: {  	_ =	swait.ge [sflag:s14], $0x50  }
0x94: {  	[sflag:s14] =	ssyncset.done $0x0  }
0x95: {  	[sflag:s14] =	ssyncadd.s32 $0xFFFFFFB0  }
0x96: {  	[tilespmem:s16], [sflag:$0x1] =	stream.indirect.gather [hbm4b:s3+s15], $0x80, s31, s15, $0xb8;
	[tilespmem:$0x5080] =	vst v63  }
0x97: {  	_ = 	snop  }
0x98: {  	[tilespmem:s17], [sflag:$0x2] =	stream.indirect.gather [hbm4b:s4+s15], $0x80, s31, s15, $0xb8;
	[tilespmem:$0x5080] =	vst v63  }
0x99: {  	_ =	swait.ge [sflag:s18], $0x2800  }
0x9a: {  	[sflag:s18] =	ssyncset.done $0x0  }
0x9b: {  	[sflag:s18] =	ssyncadd.s32 $0xFFFFD800  }
0x9c: {  	_ =	swait.ge [sflag:s19], $0x2800  }
0x9d: {  	[sflag:s19] =	ssyncset.done $0x0  }
0x9e: {  	s21 =	simm.s32 $0x0;
	[sflag:s19] =	ssyncadd.s32 $0xFFFFD800  }
0x9f: {  	v7 =	vld [tilespmem:s21+$0x2880]  }
0xa0: {  	v11 =	vld [tilespmem:s21+$0x2890]  }
0xa1: {  	v5 =	vld [tilespmem:s21+$0x28A0]  }
0xa2: {  	v4 =	vld [tilespmem:s21+$0x28B0]  }
0xa3: {  	v3 =	vld [tilespmem:s21+$0x28C0]  }
0xa4: {  	v2 =	vld [tilespmem:s21+$0x28D0]  }
0xa5: {  	v1 =	vld [tilespmem:s21+$0x28E0]  }
0xa6: {  	v0 =	vld [tilespmem:s21+$0x28F0]  }
0xa7: {  	v12 =	vld [tilespmem:s21+$0x80]  }
0xa8: {  	v13 =	vld [tilespmem:s21+$0x90]  }
0xa9: {  	v10 =	vld [tilespmem:s21+$0xA0]  }
0xaa: {  	v9 =	vld [tilespmem:s21+$0xB0]  }
0xab: {  	v8 =	vld [tilespmem:s21+$0xC0]  }
0xac: {  	v6 =	vld [tilespmem:s21+$0xD0];
	v12 =	vadd.f32 v7, v12  }
0xad: {  	s22 =	simm.s32 $0x200;
	v11 =	vadd.f32 v11, v13;
	v7 =	vld [tilespmem:s21+$0xE0]  }
.LBB2_6:
0xae: {  	s23 =	sshra.s32 s22, $0x2;
	p1 =	sne.s32 s22, $0x9E00;
	[tilespmem:s21+$0x80] =	vst v12;
	v5 =	vadd.f32 v5, v10;
	v10 =	vld [tilespmem:s21+$0xF0]  }
0xaf: {  	v12 =	vld [tilespmem:s23+$0x2880];
	[tilespmem:s21+$0x90] =	vst v11;
	v4 =	vadd.f32 v4, v9  }
0xb0: {  	v11 =	vld [tilespmem:s23+$0x2890];
	[tilespmem:s21+$0xA0] =	vst v5;
	v3 =	vadd.f32 v3, v8  }
0xb1: {  	v5 =	vld [tilespmem:s23+$0x28A0];
	[tilespmem:s21+$0xB0] =	vst v4;
	v2 =	vadd.f32 v2, v6  }
0xb2: {  	v4 =	vld [tilespmem:s23+$0x28B0];
	[tilespmem:s21+$0xC0] =	vst v3;
	v1 =	vadd.f32 v1, v7  }
0xb3: {  	v3 =	vld [tilespmem:s23+$0x28C0];
	[tilespmem:s21+$0xD0] =	vst v2;
	v0 =	vadd.f32 v0, v10  }
0xb4: {  	v2 =	vld [tilespmem:s23+$0x28D0];
	[tilespmem:s21+$0xE0] =	vst v1  }
0xb5: {  	v1 =	vld [tilespmem:s23+$0x28E0];
	[tilespmem:s21+$0xF0] =	vst v0;
	s21 =	smov.u32 s23  }
0xb6: {  	v0 =	vld [tilespmem:s21+$0x28F0]  }
0xb7: {  	v6 =	vld [tilespmem:s21+$0x80]  }
0xb8: {  	v7 =	vld [tilespmem:s21+$0x90]  }
.Ltmp4:
0xb9: {  	v10 =	vld [tilespmem:s21+$0xA0];
	(pc) =	sbr.rel @p1 .LBB2_6-.Ltmp4, $4  }
0xba: {  	v9 =	vld [tilespmem:s21+$0xB0]  }
0xbb: {  	v8 =	vld [tilespmem:s21+$0xC0]  }
0xbc: {  	v12 =	vadd.f32 v12, v6;
	v6 =	vld [tilespmem:s21+$0xD0]  }
0xbd: {  	s22 =	sadd.s32 $0x200, s22;
	v11 =	vadd.f32 v11, v7;
	v7 =	vld [tilespmem:s21+$0xE0]  }
0xbe: {  	[tilespmem:s21+$0x80] =	vst v12;
	v5 =	vadd.f32 v5, v10;
	v63 =	vld [tilespmem:s21+$0xF0]  }
0xbf: {  	[tilespmem:s21+$0x90] =	vst v11;
	v4 =	vadd.f32 v4, v9  }
0xc0: {  	[tilespmem:s21+$0xA0] =	vst v5;
	v3 =	vadd.f32 v3, v8  }
0xc1: {  	[tilespmem:s21+$0xB0] =	vst v4;
	v2 =	vadd.f32 v2, v6  }
0xc2: {  	[tilespmem:s21+$0xC0] =	vst v3;
	v1 =	vadd.f32 v1, v7  }
0xc3: {  	[tilespmem:s21+$0xD0] =	vst v2;
	v0 =	vadd.f32 v0, v63  }
0xc4: {  	[tilespmem:s21+$0xE0] =	vst v1  }
.Ltmp5:
0xc5: {  	[tilespmem:s21+$0xF0] =	vst v0;
	(pc) =	sbr.rel @p0 .LBB2_11-.Ltmp5, $4  }
0xc6: {  	[hbm4b:s10+s2] =	stream.linear.scatter [tilespmem:s16], [sflag:$0x3], $0x2800, $0x38;
	[tilespmem:$0x5080] =	vst v63  }
0xc7: {  	_ =	swait.ge [sflag:s14], $0x2800  }
0xc8: {  	[sflag:s14] =	ssyncset.done $0x0  }
0xc9: {  	[sflag:s14] =	ssyncadd.s32 $0xFFFFD800  }
0xca: {  	s21 =	simm.s32 $0x0  }
0xcb: {  	[tilespmem:s21], [sflag:$0x3] =	stream.linear.gather [hbm4b:s11+s21], $0x50, $0x38;
	[tilespmem:$0x5080] =	vst v63  }
0xcc: {  	_ =	swait.ge [sflag:s14], $0x50  }
0xcd: {  	[sflag:s14] =	ssyncset.done $0x0  }
0xce: {  	[sflag:s14] =	ssyncadd.s32 $0xFFFFFFB0  }
0xcf: {  	[tilespmem:s16], [sflag:$0x1] =	stream.indirect.gather [hbm4b:s3+s15], $0x80, s21, s15, $0xb8;
	[tilespmem:$0x5080] =	vst v63  }
0xd0: {  	_ = 	snop  }
0xd1: {  	[tilespmem:s17], [sflag:$0x2] =	stream.indirect.gather [hbm4b:s4+s15], $0x80, s21, s15, $0xb8;
	[tilespmem:$0x5080] =	vst v63  }
0xd2: {  	_ =	swait.ge [sflag:s18], $0x2800  }
0xd3: {  	[sflag:s18] =	ssyncset.done $0x0  }
0xd4: {  	[sflag:s18] =	ssyncadd.s32 $0xFFFFD800  }
0xd5: {  	_ =	swait.ge [sflag:s19], $0x2800  }
0xd6: {  	[sflag:s19] =	ssyncset.done $0x0  }
0xd7: {  	s21 =	simm.s32 $0x0;
	[sflag:s19] =	ssyncadd.s32 $0xFFFFD800  }
0xd8: {  	v7 =	vld [tilespmem:s21+$0x2880]  }
0xd9: {  	v11 =	vld [tilespmem:s21+$0x2890]  }
0xda: {  	v5 =	vld [tilespmem:s21+$0x28A0]  }
0xdb: {  	v4 =	vld [tilespmem:s21+$0x28B0]  }
0xdc: {  	v3 =	vld [tilespmem:s21+$0x28C0]  }
0xdd: {  	v2 =	vld [tilespmem:s21+$0x28D0]  }
0xde: {  	v1 =	vld [tilespmem:s21+$0x28E0]  }
0xdf: {  	v0 =	vld [tilespmem:s21+$0x28F0]  }
0xe0: {  	v12 =	vld [tilespmem:s21+$0x80]  }
0xe1: {  	v13 =	vld [tilespmem:s21+$0x90]  }
0xe2: {  	v10 =	vld [tilespmem:s21+$0xA0]  }
0xe3: {  	v9 =	vld [tilespmem:s21+$0xB0]  }
0xe4: {  	v8 =	vld [tilespmem:s21+$0xC0]  }
0xe5: {  	v6 =	vld [tilespmem:s21+$0xD0];
	v12 =	vadd.f32 v7, v12  }
0xe6: {  	s22 =	simm.s32 $0x200;
	v11 =	vadd.f32 v11, v13;
	v7 =	vld [tilespmem:s21+$0xE0]  }
.LBB2_9:
0xe7: {  	s23 =	sshra.s32 s22, $0x2;
	p1 =	sne.s32 s22, $0x9E00;
	[tilespmem:s21+$0x80] =	vst v12;
	v5 =	vadd.f32 v5, v10;
	v10 =	vld [tilespmem:s21+$0xF0]  }
0xe8: {  	v4 =	vadd.f32 v4, v9;
	v12 =	vld [tilespmem:s23+$0x2880];
	[tilespmem:s21+$0x90] =	vst v11  }
0xe9: {  	v3 =	vadd.f32 v3, v8;
	v11 =	vld [tilespmem:s23+$0x2890];
	[tilespmem:s21+$0xA0] =	vst v5  }
0xea: {  	v2 =	vadd.f32 v2, v6;
	v5 =	vld [tilespmem:s23+$0x28A0];
	[tilespmem:s21+$0xB0] =	vst v4  }
0xeb: {  	v1 =	vadd.f32 v1, v7;
	v4 =	vld [tilespmem:s23+$0x28B0];
	[tilespmem:s21+$0xC0] =	vst v3  }
0xec: {  	v3 =	vld [tilespmem:s23+$0x28C0];
	[tilespmem:s21+$0xD0] =	vst v2;
	v0 =	vadd.f32 v0, v10  }
0xed: {  	v2 =	vld [tilespmem:s23+$0x28D0];
	[tilespmem:s21+$0xE0] =	vst v1  }
0xee: {  	v1 =	vld [tilespmem:s23+$0x28E0];
	[tilespmem:s21+$0xF0] =	vst v0;
	s21 =	smov.u32 s23  }
0xef: {  	v0 =	vld [tilespmem:s21+$0x28F0]  }
0xf0: {  	v6 =	vld [tilespmem:s21+$0x80]  }
0xf1: {  	v7 =	vld [tilespmem:s21+$0x90]  }
.Ltmp6:
0xf2: {  	v10 =	vld [tilespmem:s21+$0xA0];
	(pc) =	sbr.rel @p1 .LBB2_9-.Ltmp6, $4  }
0xf3: {  	v9 =	vld [tilespmem:s21+$0xB0]  }
0xf4: {  	v8 =	vld [tilespmem:s21+$0xC0]  }
0xf5: {  	v12 =	vadd.f32 v12, v6;
	v6 =	vld [tilespmem:s21+$0xD0]  }
0xf6: {  	s22 =	sadd.s32 $0x200, s22;
	v11 =	vadd.f32 v11, v7;
	v7 =	vld [tilespmem:s21+$0xE0]  }
.Ltmp7:
0xf7: {  	_ = 	snop;
	(pc) =	sbr.rel .LBB2_10-.Ltmp7, $1  }
0xf8: {  	_ =	sdelay $0x3  }
.LBB2_12:
0xf9: {  	_ =	sfence.sel $0x180000  }
0xfa: {  	[bflag:$0x0] =	sbarrier.arrive $0xFFFF  }
0xfb: {  	p0 =	sne.s32 s0, $0x0;
	_ =	strace $0x9000004A  }
0xfc: {  	s0 =	sadd.s32 @!p0 $0x100000, s1;
	[bflag:$0x2] =	sbarrier.arrive $0xFFFF  }
0xfd: {  	[sflag:s0] =	ssyncadd.tile.s32 @!p0 $0x1;
	_ =	shalt  }
.Lfunc_end2:
_tile_overlayer_lowered:
.L_overlay_start_2:
0xfe: {  	(tag) =	ssettag $0x2  }
0xff: {  	s0 =	rddreg [dreg:$0x0];
	s2 =	stileid.u32  }
0x100: {  	s1 =	rddreg [dreg:$0x1];
	p0 =	sne.s32 s2, $0x0  }
0x101: {  	s3 =	rddreg [dreg:$0x2];
	[bflag:$0x3] =	sbarrier.arrive $0xFFFF;
	s2 =	simm.s32 @!p0 $0x1C03  }
0x102: {  	[timem:s3], [sflag:s2] =	dma.local @!p0 [hbm:s0], s1  }
0x103: {  	s0 =	simm.s32 @!p0 $0x3  }
0x104: {  	_ =	swait.ge @!p0 [sflag:s0], s1  }
0x105: {  	s1 =	ssub.s32 @!p0 $0x0, s1;
	[sflag:s0] =	ssyncset.done @!p0 $0x0  }
0x106: {  	[sflag:s0] =	ssyncadd.s32 @!p0 s1  }
0x107: {  	[bflag:$0x3] =	sbarrier.arrive $0xFFFF  }
0x108: {  	_ =	shalt  }

</sc_bundles>
